<compile_context>
chip_gen: v7x
topology: tpu7x:2x2x1
jax: 0.10.2.dev20260603
libtpu: 0.0.44.dev20260713+nightly
codegen_flags: <defaults>
</compile_context>

<pallas_src>
import dataclasses
import functools
import math

import numpy as np

import jax
import jax.numpy as jnp
from jax import lax
from jax.experimental import pallas as pl
from jax.experimental.pallas import tpu as pltpu
from jax.experimental.pallas import tpu_sc as plsc

_N = 10000
_NPAD = 10240
_E = 320000
_NCORES = 2
_NSUB = 16
_NW = _NCORES * _NSUB
_CH = 128
_NRC = _E // _CH
_NB = _NRC // _NW
_NX = _NRC - _NB * _NW
_NCH = _NB + 2
_R = 1000
_PREC = lax.Precision.DEFAULT
_DN = (((1,), (1,)), ((), ()))


def _matmul(a, w):
    return lax.dot_general(a, w, _DN, precision=_PREC)


_sc_mesh = plsc.VectorSubcoreMesh(core_axis_name="c", subcore_axis_name="s")

_sc_params = pltpu.CompilerParams()
if "needs_layout_passes" in pltpu.CompilerParams.__dataclass_fields__:
    _sc_params = dataclasses.replace(_sc_params, needs_layout_passes=False)



@functools.partial(
    pl.kernel,
    out_type=jax.ShapeDtypeStruct((_NW, _NPAD), jnp.float32),
    mesh=_sc_mesh,
    compiler_params=_sc_params,
    scratch_types=[
        pltpu.VMEM((_NPAD,), jnp.float32),
        pltpu.VMEM((_NB * _CH,), jnp.int32),
        pltpu.VMEM((_CH,), jnp.int32),
    ],
)
def _sc_degree_hist(ei_hbm, out_hbm, hist_v, cslab, cext):
    c = lax.axis_index("c")
    s = lax.axis_index("s")
    wid = c * _NSUB + s
    start = _NB * wid + jnp.minimum(wid, _NX)

    @pl.loop(0, _NPAD // 16)
    def _(i):
        hist_v[pl.ds(i * 16, 16)] = jnp.zeros((16,), jnp.float32)

    ones = jnp.ones((16,), jnp.float32)
    pltpu.sync_copy(ei_hbm.at[1, pl.ds(start * _CH, _NB * _CH)], cslab)

    @pl.loop(0, _NB * _CH // 16)
    def _(k):
        idx = cslab[pl.ds(k * 16, 16)]
        plsc.addupdate_scatter(hist_v, [idx], ones)

    @pl.when(wid < _NX)
    def _():
        pltpu.sync_copy(ei_hbm.at[1, pl.ds((start + _NB) * _CH, _CH)], cext)

        @pl.loop(0, _CH // 16)
        def _(k):
            idx = cext[pl.ds(k * 16, 16)]
            plsc.addupdate_scatter(hist_v, [idx], ones)

    pltpu.sync_copy(hist_v, out_hbm.at[wid])


@functools.partial(
    pl.kernel,
    out_type=jax.ShapeDtypeStruct((_NCORES, _NPAD, 128), jnp.float32),
    mesh=_sc_mesh,
    compiler_params=_sc_params,
    scratch_types=[
        [pltpu.VMEM((_CH, 128), jnp.float32)] * 2,
        [pltpu.VMEM((_CH,), jnp.int32)] * 4,
        [pltpu.VMEM((_CH,), jnp.int32)] * 4,
        [pltpu.SemaphoreType.DMA] * 2,
        [pltpu.SemaphoreType.DMA] * 4,
        [pltpu.SemaphoreType.DMA] * 4,
        pltpu.VMEM_SHARED((_NPAD, 128), jnp.float32),
    ],
)
def _sc_edge_pass(y_hbm, ei_hbm, trash_r, trash_c, zeros_hbm,
                  out_hbm, gbufs, cbufs, rbufs, gsems, rsems, csems, acc):
    c = lax.axis_index("c")
    s = lax.axis_index("s")
    wid = c * _NSUB + s
    start = _NB * wid + jnp.minimum(wid, _NX)
    cnt = _NB + (wid < _NX).astype(jnp.int32)

    pltpu.sync_copy(zeros_hbm, gbufs[0])
    zrows = _NPAD // _NSUB

    @pl.loop(0, zrows // _CH)
    def _(i):
        pltpu.sync_copy(gbufs[0], acc.at[pl.ds(s * zrows + i * _CH, _CH)])

    plsc.subcore_barrier()

    def copy_idx(k, which, trash, buf, sem):
        e0 = (start + k) * _CH

        @pl.when(k < cnt)
        def _():
            pltpu.async_copy(ei_hbm.at[which, pl.ds(e0, _CH)], buf, sem)

        @pl.when(k >= cnt)
        def _():
            pltpu.async_copy(trash, buf, sem)

    def wait_r(b):
        pltpu.make_async_copy(trash_r, rbufs[b], rsems[b]).wait()

    def wait_c(b):
        pltpu.make_async_copy(trash_c, cbufs[b], csems[b]).wait()

    def start_g(b, rb):
        pltpu.async_copy(y_hbm.at[rbufs[rb]], gbufs[b], gsems[b])

    def wait_g(b, rb):
        pltpu.make_async_copy(y_hbm.at[rbufs[rb]], gbufs[b], gsems[b]).wait()

    for k in range(4):
        copy_idx(k, 0, trash_r, rbufs[k], rsems[k])
        copy_idx(k, 1, trash_c, cbufs[k], csems[k])
    for k in range(2):
        wait_r(k)
        start_g(k, k)

    @pl.loop(0, _NCH, step=4)
    def _(j):
        for i in range(4):
            jj = j + i
            b = i % 2
            wait_g(b, i)
            wait_c(i)
            pltpu.sync_copy(gbufs[b], acc.at[cbufs[i]], add=True)

            @pl.when(jj + 4 < _NCH)
            def _():
                copy_idx(jj + 4, 0, trash_r, rbufs[i], rsems[i])
                copy_idx(jj + 4, 1, trash_c, cbufs[i], csems[i])

            @pl.when(jj + 2 < _NCH)
            def _():
                wait_r((i + 2) % 4)
                start_g(b, (i + 2) % 4)

    plsc.subcore_barrier()

    orows = _NPAD // _NSUB
    pltpu.sync_copy(acc.at[pl.ds(s * orows, orows)],
                    out_hbm.at[c, pl.ds(s * orows, orows)])



def _ln(x, scale, bias):
    mu = jnp.mean(x, axis=-1, keepdims=True)
    var = jnp.mean((x - mu) ** 2, axis=-1, keepdims=True)
    return (x - mu) * lax.rsqrt(var + 1e-5) * scale + bias


def _full(shape):
    return pl.BlockSpec(shape, lambda i: (0,) * len(shape))


def _rows(shape):
    return pl.BlockSpec(shape, lambda i: (i,) + (0,) * (len(shape) - 1))


def _embed_body(x_ref, w_ref, b_ref, out_ref):
    out_ref[...] = _matmul(x_ref[...], w_ref[...]) + b_ref[...]


def _dinv_body(hist_ref, out_ref):
    total = jnp.sum(hist_ref[...], axis=0) + 2.0
    out_ref[...] = lax.rsqrt(total)[:, None]


def _pre_body(h_ref, dinv_ref, lns_ref, lnb_ref, pinw_ref, pinb_ref,
              sgus_ref, sgub_ref, gcnw_ref, t_ref, y_ref):
    t, y = _pre(h_ref[...], dinv_ref, lns_ref, lnb_ref, pinw_ref, pinb_ref,
                sgus_ref, sgub_ref, gcnw_ref)
    t_ref[...] = t
    y_ref[...] = y


def _post(p_ref, y_ref, t_ref, h_ref, dinv_ref, gcnb_ref, poutw_ref,
          poutb_ref):
    acc = p_ref[0] + p_ref[1] + 2.0 * y_ref[...]
    g2 = jnp.tanh(dinv_ref[...] * acc + gcnb_ref[...])
    t2 = g2 * t_ref[...]
    return h_ref[...] + _matmul(t2, poutw_ref[...]) + poutb_ref[...]


def _pre(h, dinv_ref, lns_ref, lnb_ref, pinw_ref, pinb_ref, sgus_ref,
         sgub_ref, gcnw_ref):
    hn = _ln(h, lns_ref[...], lnb_ref[...])
    t = _matmul(hn, pinw_ref[...]) + pinb_ref[...]
    t = 0.5 * t * (1.0 + lax.erf(t * (1.0 / math.sqrt(2.0))))
    g = _ln(t, sgus_ref[...], sgub_ref[...])
    y = dinv_ref[...] * _matmul(g, gcnw_ref[...])
    return t, y


def _post_pre_body(p_ref, y_ref, t_ref, h_ref, dinv_ref, gcnb_ref,
                   poutw_ref, poutb_ref, lns_ref, lnb_ref, pinw_ref,
                   pinb_ref, sgus_ref, sgub_ref, gcnw_ref,
                   h_out, t_out, y_out):
    h2 = _post(p_ref, y_ref, t_ref, h_ref, dinv_ref, gcnb_ref,
               poutw_ref, poutb_ref)
    h_out[...] = h2
    t2, y2 = _pre(h2, dinv_ref, lns_ref, lnb_ref, pinw_ref, pinb_ref,
                  sgus_ref, sgub_ref, gcnw_ref)
    t_out[...] = t2
    y_out[...] = y2


def _post_final_body(p_ref, y_ref, t_ref, h_ref, dinv_ref, gcnb_ref,
                     poutw_ref, poutb_ref, outw_ref, outb_ref, out_ref):
    h2 = _post(p_ref, y_ref, t_ref, h_ref, dinv_ref, gcnb_ref,
               poutw_ref, poutb_ref)
    out_ref[...] = _matmul(h2, outw_ref[...]) + outb_ref[...]


_G = _N // _R


def _tc(body, out_shapes, in_specs, out_specs):
    return pl.pallas_call(
        body,
        grid=(_G,),
        in_specs=in_specs,
        out_specs=out_specs,
        out_shape=out_shapes,
    )



def kernel(x, edge_index, batch, emb_W, emb_b, ln_s, ln_b, pin_W, pin_b,
           sgu_s, sgu_b, gcn_W, gcn_b, pout_W, pout_b, out_W, out_b):
    f32 = jnp.float32

    trash_r = jnp.asarray((np.arange(_CH, dtype=np.int32) * 73) % _N)
    trash_c = jnp.asarray(_N + np.arange(_CH, dtype=np.int32))
    zeros_blk = jnp.zeros((_CH, 128), f32)

    hist = _sc_degree_hist(edge_index)
    dinv = pl.pallas_call(
        _dinv_body,
        out_shape=jax.ShapeDtypeStruct((_NPAD, 1), f32),
    )(hist)

    h = _tc(
        _embed_body,
        jax.ShapeDtypeStruct((_N, 128), f32),
        [_rows((_R, 128)), _full((128, 128)), _full((1, 128))],
        _rows((_R, 128)),
    )(x, emb_W, emb_b[None, :])

    t, y = _tc(
        _pre_body,
        (jax.ShapeDtypeStruct((_N, 128), f32),
         jax.ShapeDtypeStruct((_N, 128), f32)),
        [_rows((_R, 128)), _rows((_R, 1)),
         _full((1, 128)), _full((1, 128)),
         _full((128, 128)), _full((1, 128)),
         _full((1, 128)), _full((1, 128)),
         _full((128, 128))],
        (_rows((_R, 128)), _rows((_R, 128))),
    )(h, dinv, ln_s[0][None, :], ln_b[0][None, :], pin_W[0],
      pin_b[0][None, :], sgu_s[0][None, :], sgu_b[0][None, :], gcn_W[0])

    partials = _sc_edge_pass(y, edge_index, trash_r, trash_c, zeros_blk)

    h, t, y = _tc(
        _post_pre_body,
        (jax.ShapeDtypeStruct((_N, 128), f32),
         jax.ShapeDtypeStruct((_N, 128), f32),
         jax.ShapeDtypeStruct((_N, 128), f32)),
        [pl.BlockSpec((2, _R, 128), lambda i: (0, i, 0)),
         _rows((_R, 128)), _rows((_R, 128)), _rows((_R, 128)),
         _rows((_R, 1)), _full((1, 128)),
         _full((128, 128)), _full((1, 128)),
         _full((1, 128)), _full((1, 128)),
         _full((128, 128)), _full((1, 128)),
         _full((1, 128)), _full((1, 128)),
         _full((128, 128))],
        (_rows((_R, 128)), _rows((_R, 128)), _rows((_R, 128))),
    )(partials, y, t, h, dinv, gcn_b[0][None, :], pout_W[0],
      pout_b[0][None, :], ln_s[1][None, :], ln_b[1][None, :], pin_W[1],
      pin_b[1][None, :], sgu_s[1][None, :], sgu_b[1][None, :], gcn_W[1])

    partials = _sc_edge_pass(y, edge_index, trash_r, trash_c, zeros_blk)

    out = _tc(
        _post_final_body,
        jax.ShapeDtypeStruct((_N, 64), f32),
        [pl.BlockSpec((2, _R, 128), lambda i: (0, i, 0)),
         _rows((_R, 128)), _rows((_R, 128)), _rows((_R, 128)),
         _rows((_R, 1)), _full((1, 128)),
         _full((128, 128)), _full((1, 128)),
         _full((64, 128)), _full((1, 64))],
        _rows((_R, 64)),
    )(partials, y, t, h, dinv, gcn_b[1][None, :], pout_W[1],
      pout_b[1][None, :], out_W, out_b[None, :])
    return out

# --- scband reference (transcript-rebuilt; emitter-appended) ---
"""Pipeline reference for scband-g-mlp-54357106098474 (READ-ONLY COPY).

The authoritative reference and input builder live on the scoring server;
editing this copy changes nothing except your own understanding.
"""

import jax, jax.numpy as jnp
import numpy as np

N = 10000
E = 320000
F = 128
H = 128
FF = 128
C = 64
L = 2


def _layer_norm(x, s, b, eps=1e-5):
    mu = jnp.mean(x, axis=-1, keepdims=True)
    var = jnp.mean((x - mu) ** 2, axis=-1, keepdims=True)
    return (x - mu) / jnp.sqrt(var + eps) * s + b


def _gcn(x, row, col, ew, W, b, n):
    # GCNConv(improved=True): self-loops already appended with weight 2.0
    deg = jax.ops.segment_sum(ew, col, num_segments=n)
    dinv = jnp.where(deg > 0, jax.lax.rsqrt(deg), 0.0)
    norm = dinv[row] * ew * dinv[col]
    xl = x @ W.T
    out = jax.ops.segment_sum(norm[:, None] * xl[row], col, num_segments=n)
    return out + b


def setup_inputs(seed: int = 0):
    key = jax.random.key(seed)
    ks = jax.random.split(key, 10)
    init_eps = 0.001 / FF
    return {
        "x": jax.random.normal(ks[0], (N, F), dtype=jnp.float32),
        "edge_index": jax.random.randint(ks[1], (2, E), 0, N, dtype=jnp.int32),
        "batch": jnp.zeros((N,), dtype=jnp.int32),
        "emb_W": jax.random.normal(ks[2], (H, F), dtype=jnp.float32) * 0.05,
        "emb_b": jnp.zeros((H,), dtype=jnp.float32),
        "ln_s": jnp.ones((L, H), dtype=jnp.float32),
        "ln_b": jnp.zeros((L, H), dtype=jnp.float32),
        "pin_W": jax.random.normal(ks[3], (L, FF, H), dtype=jnp.float32) * 0.05,
        "pin_b": jnp.zeros((L, FF), dtype=jnp.float32),
        "sgu_s": jnp.ones((L, FF), dtype=jnp.float32),
        "sgu_b": jnp.zeros((L, FF), dtype=jnp.float32),
        "gcn_W": jax.random.uniform(ks[4], (L, FF, FF), dtype=jnp.float32, minval=-init_eps, maxval=init_eps),
        "gcn_b": jnp.ones((L, FF), dtype=jnp.float32),
        "pout_W": jax.random.normal(ks[5], (L, H, FF), dtype=jnp.float32) * 0.05,
        "pout_b": jnp.zeros((L, H), dtype=jnp.float32),
        "out_W": jax.random.normal(ks[6], (C, H), dtype=jnp.float32) * 0.05,
        "out_b": jnp.zeros((C,), dtype=jnp.float32),
    }


def reference(x, edge_index, batch, emb_W, emb_b, ln_s, ln_b, pin_W, pin_b, sgu_s, sgu_b, gcn_W, gcn_b, pout_W, pout_b, out_W, out_b):
    loop = jnp.arange(N, dtype=edge_index.dtype)
    row = jnp.concatenate([edge_index[0], loop])
    col = jnp.concatenate([edge_index[1], loop])
    ew = jnp.concatenate([jnp.ones((E,), jnp.float32), jnp.full((N,), 2.0, jnp.float32)])
    h = x @ emb_W.T + emb_b
    for i in range(L):
        hn = _layer_norm(h, ln_s[i], ln_b[i])
        t = jax.nn.gelu(hn @ pin_W[i].T + pin_b[i], approximate=False)
        g = _layer_norm(t, sgu_s[i], sgu_b[i])
        g = jnp.tanh(_gcn(g, row, col, ew, gcn_W[i], gcn_b[i], N))
        t = g * t
        t = t @ pout_W[i].T + pout_b[i]
        h = h + t  # Residual wrapper
    return h @ out_W.T + out_b

if __name__ == "__main__":
    import jax
    _d = setup_inputs()
    print(jax.jit(kernel)(*tuple(_d.values())))

</pallas_src>

<mosaic_0001>
#map = affine_map<(d0, d1) -> (0, 0)>
module attributes {stable_mosaic.version = 14 : i64} {
  func.func @_sc_degree_hist(%arg0: i32, %arg1: i32, %arg2: memref<2x320000xi32, #tpu.memory_space<hbm>>, %arg3: memref<32x10240xf32, #tpu.memory_space<hbm>>, %arg4: memref<10240xf32, #tpu.memory_space<vmem>>, %arg5: memref<9984xi32, #tpu.memory_space<vmem>>, %arg6: memref<128xi32, #tpu.memory_space<vmem>>) attributes {dimension_semantics = [#tpu.dimension_semantics<core_parallel>, #tpu.dimension_semantics<subcore_parallel>], iteration_bounds = array<i64: 2, 16>, scalar_prefetch = 0 : i64, scratch_operands = 3 : i64, tpu.core_type = #tpu.core_type<sc_vector_subcore>, window_params = [{transform_indices = #map}, {transform_indices = #map}]} {
    %mul3A = arith.constant 16 : i32
    %mul3A_0 = arith.muli %arg0, %mul3A : i32
    %add3A = arith.addi %mul3A_0, %arg1 : i32
    %mul3A_1 = arith.constant 78 : i32
    %mul3A_2 = arith.muli %mul3A_1, %add3A : i32
    %min3A = arith.constant 4 : i32
    %min3A_3 = arith.minsi %add3A, %min3A : i32
    %add3A_4 = arith.addi %mul3A_2, %min3A_3 : i32
    %scan3A = arith.constant 0 : i32
    %scan3A_5 = arith.constant 640 : i32
    %scan3A_6 = arith.addi %scan3A, %scan3A_5 : i32
    %scan3A_7 = arith.constant 1 : i32
    scf.for %scan3A_19 = %scan3A to %scan3A_6 step %scan3A_7  : i32 {
      %mul3A_20 = arith.constant 1 : i32
      %mul3A_21 = arith.muli %scan3A_19, %mul3A_20 : i32
      %add3A_22 = arith.constant 0 : i32
      %add3A_23 = arith.addi %add3A_22, %mul3A_21 : i32
      %broadcast_in_dim3A_24 = arith.constant 0.000000e+00 : f32
      %broadcast_in_dim3A_25 = vector.broadcast %broadcast_in_dim3A_24 : f32 to vector<16xf32>
      %mul3A_26 = arith.constant 16 : i32
      %mul3A_27 = arith.muli %add3A_23, %mul3A_26 : i32
      %swap3A = arith.index_cast %mul3A_27 : i32 to index
      %swap3A_28 = tpu.vector_load %arg4[%swap3A] {strides = array<i32>} : memref<10240xf32, #tpu.memory_space<vmem>>, vector<16xf32>,
      tpu.vector_store %arg4[%swap3A], %broadcast_in_dim3A_25 {strides = array<i32>} : memref<10240xf32, #tpu.memory_space<vmem>>, vector<16xf32>,
    }
    %scan3A_8 = arith.constant 640 : i32
    %broadcast_in_dim3A = arith.constant 1.000000e+00 : f32
    %broadcast_in_dim3A_9 = vector.broadcast %broadcast_in_dim3A : f32 to vector<16xf32>
    %mul3A_10 = arith.constant 128 : i32
    %mul3A_11 = arith.muli %add3A_4, %mul3A_10 : i32
    %run_scoped3A = arith.constant 1 : i32
    "tpu.region"() ({
      %run_scoped3A_19 = tpu.sem_alloc : memref<!tpu.dma_semaphore, #tpu.memory_space<semaphore_mem>>
      %dma_start3A = tpu.memref_slice %arg2[%run_scoped3A, %mul3A_11] : memref<2x320000xi32, #tpu.memory_space<hbm>> -> memref<1x9984xi32, #tpu.memory_space<hbm>>
      %dma_start3A_20 = tpu.memref_squeeze %dma_start3A : memref<1x9984xi32, #tpu.memory_space<hbm>> -> memref<9984xi32, #tpu.memory_space<hbm>>
      %dma_start3A_21 = tpu.memref_slice %arg2[%run_scoped3A, %mul3A_11] : memref<2x320000xi32, #tpu.memory_space<hbm>> -> memref<1x9984xi32, #tpu.memory_space<hbm>>
      %dma_start3A_22 = tpu.memref_squeeze %dma_start3A_21 : memref<1x9984xi32, #tpu.memory_space<hbm>> -> memref<9984xi32, #tpu.memory_space<hbm>>
      tpu.enqueue_dma source(%dma_start3A_22 : memref<9984xi32, #tpu.memory_space<hbm>>) target(%arg5 : memref<9984xi32, #tpu.memory_space<vmem>>) target_semaphore(%run_scoped3A_19 : memref<!tpu.dma_semaphore, #tpu.memory_space<semaphore_mem>>)
      %dma_wait3A = tpu.memref_slice %arg2[%run_scoped3A, %mul3A_11] : memref<2x320000xi32, #tpu.memory_space<hbm>> -> memref<1x9984xi32, #tpu.memory_space<hbm>>
      %dma_wait3A_23 = tpu.memref_squeeze %dma_wait3A : memref<1x9984xi32, #tpu.memory_space<hbm>> -> memref<9984xi32, #tpu.memory_space<hbm>>
      %dma_wait3A_24 = tpu.memref_slice %arg2[%run_scoped3A, %mul3A_11] : memref<2x320000xi32, #tpu.memory_space<hbm>> -> memref<1x9984xi32, #tpu.memory_space<hbm>>
      %dma_wait3A_25 = tpu.memref_squeeze %dma_wait3A_24 : memref<1x9984xi32, #tpu.memory_space<hbm>> -> memref<9984xi32, #tpu.memory_space<hbm>>
      tpu.wait_dma2 semaphore(%run_scoped3A_19 : memref<!tpu.dma_semaphore, #tpu.memory_space<semaphore_mem>>) src(%dma_wait3A_25 : memref<9984xi32, #tpu.memory_space<hbm>>) dst(%arg5 : memref<9984xi32, #tpu.memory_space<vmem>>)
      tpu.yield
    }) : () -> ()
    %scan3A_12 = arith.constant 0 : i32
    %scan3A_13 = arith.constant 624 : i32
    %scan3A_14 = arith.addi %scan3A_12, %scan3A_13 : i32
    %scan3A_15 = arith.constant 1 : i32
    scf.for %scan3A_19 = %scan3A_12 to %scan3A_14 step %scan3A_15  : i32 {
      %mul3A_20 = arith.constant 1 : i32
      %mul3A_21 = arith.muli %scan3A_19, %mul3A_20 : i32
      %add3A_22 = arith.constant 0 : i32
      %add3A_23 = arith.addi %add3A_22, %mul3A_21 : i32
      %mul3A_24 = arith.constant 16 : i32
      %mul3A_25 = arith.muli %add3A_23, %mul3A_24 : i32
      %get3A = arith.index_cast %mul3A_25 : i32 to index
      %get3A_26 = tpu.vector_load %arg5[%get3A] {strides = array<i32>} : memref<9984xi32, #tpu.memory_space<vmem>>, vector<16xi32>,
      tpu.vector_store_idx %arg4[%get3A_26], %broadcast_in_dim3A_9 {add = true} : memref<10240xf32, #tpu.memory_space<vmem>>[vector<16xi32>], vector<16xf32>,
    }
    %scan3A_16 = arith.constant 624 : i32
    %lt3A = arith.constant 4 : i32
    %lt3A_17 = arith.cmpi slt, %add3A, %lt3A : i32
    %convert_element_type3A = arith.extui %lt3A_17 : i1 to i32
    %cond3A = arith.constant 0 : i32
    %cond3A_18 = arith.cmpi ne, %convert_element_type3A, %cond3A : i32
    scf.if %cond3A_18 {
      %add3A_19 = arith.constant 78 : i32
      %add3A_20 = arith.addi %add3A_4, %add3A_19 : i32
      %mul3A_21 = arith.constant 128 : i32
      %mul3A_22 = arith.muli %add3A_20, %mul3A_21 : i32
      %run_scoped3A_23 = arith.constant 1 : i32
      "tpu.region"() ({
        %run_scoped3A_29 = tpu.sem_alloc : memref<!tpu.dma_semaphore, #tpu.memory_space<semaphore_mem>>
        %dma_start3A = tpu.memref_slice %arg2[%run_scoped3A_23, %mul3A_22] : memref<2x320000xi32, #tpu.memory_space<hbm>> -> memref<1x128xi32, #tpu.memory_space<hbm>>
        %dma_start3A_30 = tpu.memref_squeeze %dma_start3A : memref<1x128xi32, #tpu.memory_space<hbm>> -> memref<128xi32, #tpu.memory_space<hbm>>
        %dma_start3A_31 = tpu.memref_slice %arg2[%run_scoped3A_23, %mul3A_22] : memref<2x320000xi32, #tpu.memory_space<hbm>> -> memref<1x128xi32, #tpu.memory_space<hbm>>
        %dma_start3A_32 = tpu.memref_squeeze %dma_start3A_31 : memref<1x128xi32, #tpu.memory_space<hbm>> -> memref<128xi32, #tpu.memory_space<hbm>>
        tpu.enqueue_dma source(%dma_start3A_32 : memref<128xi32, #tpu.memory_space<hbm>>) target(%arg6 : memref<128xi32, #tpu.memory_space<vmem>>) target_semaphore(%run_scoped3A_29 : memref<!tpu.dma_semaphore, #tpu.memory_space<semaphore_mem>>)
        %dma_wait3A = tpu.memref_slice %arg2[%run_scoped3A_23, %mul3A_22] : memref<2x320000xi32, #tpu.memory_space<hbm>> -> memref<1x128xi32, #tpu.memory_space<hbm>>
        %dma_wait3A_33 = tpu.memref_squeeze %dma_wait3A : memref<1x128xi32, #tpu.memory_space<hbm>> -> memref<128xi32, #tpu.memory_space<hbm>>
        %dma_wait3A_34 = tpu.memref_slice %arg2[%run_scoped3A_23, %mul3A_22] : memref<2x320000xi32, #tpu.memory_space<hbm>> -> memref<1x128xi32, #tpu.memory_space<hbm>>
        %dma_wait3A_35 = tpu.memref_squeeze %dma_wait3A_34 : memref<1x128xi32, #tpu.memory_space<hbm>> -> memref<128xi32, #tpu.memory_space<hbm>>
        tpu.wait_dma2 semaphore(%run_scoped3A_29 : memref<!tpu.dma_semaphore, #tpu.memory_space<semaphore_mem>>) src(%dma_wait3A_35 : memref<128xi32, #tpu.memory_space<hbm>>) dst(%arg6 : memref<128xi32, #tpu.memory_space<vmem>>)
        tpu.yield
      }) : () -> ()
      %scan3A_24 = arith.constant 0 : i32
      %scan3A_25 = arith.constant 8 : i32
      %scan3A_26 = arith.addi %scan3A_24, %scan3A_25 : i32
      %scan3A_27 = arith.constant 1 : i32
      scf.for %scan3A_29 = %scan3A_24 to %scan3A_26 step %scan3A_27  : i32 {
        %mul3A_30 = arith.constant 1 : i32
        %mul3A_31 = arith.muli %scan3A_29, %mul3A_30 : i32
        %add3A_32 = arith.constant 0 : i32
        %add3A_33 = arith.addi %add3A_32, %mul3A_31 : i32
        %mul3A_34 = arith.constant 16 : i32
        %mul3A_35 = arith.muli %add3A_33, %mul3A_34 : i32
        %get3A = arith.index_cast %mul3A_35 : i32 to index
        %get3A_36 = tpu.vector_load %arg6[%get3A] {strides = array<i32>} : memref<128xi32, #tpu.memory_space<vmem>>, vector<16xi32>,
        tpu.vector_store_idx %arg4[%get3A_36], %broadcast_in_dim3A_9 {add = true} : memref<10240xf32, #tpu.memory_space<vmem>>[vector<16xi32>], vector<16xf32>,
      }
      %scan3A_28 = arith.constant 8 : i32
    } else {
    }
    "tpu.region"() ({
      %run_scoped3A_19 = tpu.sem_alloc : memref<!tpu.dma_semaphore, #tpu.memory_space<semaphore_mem>>
      %dma_start3A = arith.constant 0 : i32
      %dma_start3A_20 = tpu.memref_slice %arg3[%add3A, %dma_start3A] : memref<32x10240xf32, #tpu.memory_space<hbm>> -> memref<1x10240xf32, #tpu.memory_space<hbm>>
      %dma_start3A_21 = tpu.memref_squeeze %dma_start3A_20 : memref<1x10240xf32, #tpu.memory_space<hbm>> -> memref<10240xf32, #tpu.memory_space<hbm>>
      %dma_start3A_22 = arith.constant 0 : i32
      %dma_start3A_23 = tpu.memref_slice %arg3[%add3A, %dma_start3A_22] : memref<32x10240xf32, #tpu.memory_space<hbm>> -> memref<1x10240xf32, #tpu.memory_space<hbm>>
      %dma_start3A_24 = tpu.memref_squeeze %dma_start3A_23 : memref<1x10240xf32, #tpu.memory_space<hbm>> -> memref<10240xf32, #tpu.memory_space<hbm>>
      tpu.enqueue_dma source(%arg4 : memref<10240xf32, #tpu.memory_space<vmem>>) target(%dma_start3A_24 : memref<10240xf32, #tpu.memory_space<hbm>>) target_semaphore(%run_scoped3A_19 : memref<!tpu.dma_semaphore, #tpu.memory_space<semaphore_mem>>)
      %dma_wait3A = arith.constant 0 : i32
      %dma_wait3A_25 = tpu.memref_slice %arg3[%add3A, %dma_wait3A] : memref<32x10240xf32, #tpu.memory_space<hbm>> -> memref<1x10240xf32, #tpu.memory_space<hbm>>
      %dma_wait3A_26 = tpu.memref_squeeze %dma_wait3A_25 : memref<1x10240xf32, #tpu.memory_space<hbm>> -> memref<10240xf32, #tpu.memory_space<hbm>>
      %dma_wait3A_27 = arith.constant 0 : i32
      %dma_wait3A_28 = tpu.memref_slice %arg3[%add3A, %dma_wait3A_27] : memref<32x10240xf32, #tpu.memory_space<hbm>> -> memref<1x10240xf32, #tpu.memory_space<hbm>>
      %dma_wait3A_29 = tpu.memref_squeeze %dma_wait3A_28 : memref<1x10240xf32, #tpu.memory_space<hbm>> -> memref<10240xf32, #tpu.memory_space<hbm>>
      tpu.wait_dma2 semaphore(%run_scoped3A_19 : memref<!tpu.dma_semaphore, #tpu.memory_space<semaphore_mem>>) src(%arg4 : memref<10240xf32, #tpu.memory_space<vmem>>) dst(%dma_wait3A_29 : memref<10240xf32, #tpu.memory_space<hbm>>)
      tpu.yield
    }) : () -> ()
    return
  }
}

#map = affine_map<(d0, d1) -> (0, 0)>
#map1 = affine_map<(d0, d1) -> (0)>
#map2 = affine_map<(d0, d1) -> (0, 0, 0)>
module attributes {stable_mosaic.version = 14 : i64} {
  func.func @_sc_edge_pass(%arg0: i32, %arg1: i32, %arg2: memref<10000x128xf32, #tpu.memory_space<hbm>>, %arg3: memref<2x320000xi32, #tpu.memory_space<hbm>>, %arg4: memref<128xi32, #tpu.memory_space<hbm>>, %arg5: memref<128xi32, #tpu.memory_space<hbm>>, %arg6: memref<128x128xf32, #tpu.memory_space<hbm>>, %arg7: memref<2x10240x128xf32, #tpu.memory_space<hbm>>, %arg8: memref<128x128xf32, #tpu.memory_space<vmem>>, %arg9: memref<128x128xf32, #tpu.memory_space<vmem>>, %arg10: memref<128xi32, #tpu.memory_space<vmem>>, %arg11: memref<128xi32, #tpu.memory_space<vmem>>, %arg12: memref<128xi32, #tpu.memory_space<vmem>>, %arg13: memref<128xi32, #tpu.memory_space<vmem>>, %arg14: memref<128xi32, #tpu.memory_space<vmem>>, %arg15: memref<128xi32, #tpu.memory_space<vmem>>, %arg16: memref<128xi32, #tpu.memory_space<vmem>>, %arg17: memref<128xi32, #tpu.memory_space<vmem>>, %arg18: memref<!tpu.dma_semaphore, #tpu.memory_space<semaphore_mem>>, %arg19: memref<!tpu.dma_semaphore, #tpu.memory_space<semaphore_mem>>, %arg20: memref<!tpu.dma_semaphore, #tpu.memory_space<semaphore_mem>>, %arg21: memref<!tpu.dma_semaphore, #tpu.memory_space<semaphore_mem>>, %arg22: memref<!tpu.dma_semaphore, #tpu.memory_space<semaphore_mem>>, %arg23: memref<!tpu.dma_semaphore, #tpu.memory_space<semaphore_mem>>, %arg24: memref<!tpu.dma_semaphore, #tpu.memory_space<semaphore_mem>>, %arg25: memref<!tpu.dma_semaphore, #tpu.memory_space<semaphore_mem>>, %arg26: memref<!tpu.dma_semaphore, #tpu.memory_space<semaphore_mem>>, %arg27: memref<!tpu.dma_semaphore, #tpu.memory_space<semaphore_mem>>, %arg28: memref<10240x128xf32, #tpu.memory_space<vmem_shared>>) attributes {dimension_semantics = [#tpu.dimension_semantics<core_parallel>, #tpu.dimension_semantics<subcore_parallel>], iteration_bounds = array<i64: 2, 16>, scalar_prefetch = 0 : i64, scratch_operands = 21 : i64, tpu.core_type = #tpu.core_type<sc_vector_subcore>, window_params = [{transform_indices = #map}, {transform_indices = #map}, {transform_indices = #map1}, {transform_indices = #map1}, {transform_indices = #map}, {transform_indices = #map2}]} {
    %mul3A = arith.constant 16 : i32
    %mul3A_0 = arith.muli %arg0, %mul3A : i32
    %add3A = arith.addi %mul3A_0, %arg1 : i32
    %mul3A_1 = arith.constant 78 : i32
    %mul3A_2 = arith.muli %mul3A_1, %add3A : i32
    %min3A = arith.constant 4 : i32
    %min3A_3 = arith.minsi %add3A, %min3A : i32
    %add3A_4 = arith.addi %mul3A_2, %min3A_3 : i32
    %lt3A = arith.constant 4 : i32
    %lt3A_5 = arith.cmpi slt, %add3A, %lt3A : i32
    %convert_element_type3A = arith.extui %lt3A_5 : i1 to i32
    %add3A_6 = arith.constant 78 : i32
    %add3A_7 = arith.addi %add3A_6, %convert_element_type3A : i32
    "tpu.region"() ({
      %run_scoped3A = tpu.sem_alloc : memref<!tpu.dma_semaphore, #tpu.memory_space<semaphore_mem>>
      tpu.enqueue_dma source(%arg6 : memref<128x128xf32, #tpu.memory_space<hbm>>) target(%arg8 : memref<128x128xf32, #tpu.memory_space<vmem>>) target_semaphore(%run_scoped3A : memref<!tpu.dma_semaphore, #tpu.memory_space<semaphore_mem>>)
      tpu.wait_dma2 semaphore(%run_scoped3A : memref<!tpu.dma_semaphore, #tpu.memory_space<semaphore_mem>>) src(%arg6 : memref<128x128xf32, #tpu.memory_space<hbm>>) dst(%arg8 : memref<128x128xf32, #tpu.memory_space<vmem>>)
      tpu.yield
    }) : () -> ()
    %scan3A = arith.constant 0 : i32
    %scan3A_8 = arith.constant 5 : i32
    %scan3A_9 = arith.addi %scan3A, %scan3A_8 : i32
    %scan3A_10 = arith.constant 1 : i32
    scf.for %scan3A_136 = %scan3A to %scan3A_9 step %scan3A_10  : i32 {
      %mul3A_137 = arith.constant 1 : i32
      %mul3A_138 = arith.muli %scan3A_136, %mul3A_137 : i32
      %add3A_139 = arith.constant 0 : i32
      %add3A_140 = arith.addi %add3A_139, %mul3A_138 : i32
      %mul3A_141 = arith.constant 640 : i32
      %mul3A_142 = arith.muli %arg1, %mul3A_141 : i32
      %mul3A_143 = arith.constant 128 : i32
      %mul3A_144 = arith.muli %add3A_140, %mul3A_143 : i32
      %add3A_145 = arith.addi %mul3A_142, %mul3A_144 : i32
      "tpu.region"() ({
        %run_scoped3A = tpu.sem_alloc : memref<!tpu.dma_semaphore, #tpu.memory_space<semaphore_mem>>
        %dma_start3A_146 = arith.constant 0 : i32
        %dma_start3A_147 = tpu.memref_slice %arg28[%add3A_145, %dma_start3A_146] : memref<10240x128xf32, #tpu.memory_space<vmem_shared>> -> memref<128x128xf32, #tpu.memory_space<vmem_shared>>
        %dma_start3A_148 = arith.constant 0 : i32
        %dma_start3A_149 = tpu.memref_slice %arg28[%add3A_145, %dma_start3A_148] : memref<10240x128xf32, #tpu.memory_space<vmem_shared>> -> memref<128x128xf32, #tpu.memory_space<vmem_shared>>
        tpu.enqueue_dma source(%arg8 : memref<128x128xf32, #tpu.memory_space<vmem>>) target(%dma_start3A_149 : memref<128x128xf32, #tpu.memory_space<vmem_shared>>) target_semaphore(%run_scoped3A : memref<!tpu.dma_semaphore, #tpu.memory_space<semaphore_mem>>)
        %dma_wait3A = arith.constant 0 : i32
        %dma_wait3A_150 = tpu.memref_slice %arg28[%add3A_145, %dma_wait3A] : memref<10240x128xf32, #tpu.memory_space<vmem_shared>> -> memref<128x128xf32, #tpu.memory_space<vmem_shared>>
        %dma_wait3A_151 = arith.constant 0 : i32
        %dma_wait3A_152 = tpu.memref_slice %arg28[%add3A_145, %dma_wait3A_151] : memref<10240x128xf32, #tpu.memory_space<vmem_shared>> -> memref<128x128xf32, #tpu.memory_space<vmem_shared>>
        tpu.wait_dma2 semaphore(%run_scoped3A : memref<!tpu.dma_semaphore, #tpu.memory_space<semaphore_mem>>) src(%arg8 : memref<128x128xf32, #tpu.memory_space<vmem>>) dst(%dma_wait3A_152 : memref<128x128xf32, #tpu.memory_space<vmem_shared>>)
        tpu.yield
      }) : () -> ()
    }
    %scan3A_11 = arith.constant 5 : i32
    %barrier3A = arith.constant 0 : index
    tpu.barrier barrier_id(%barrier3A)
    %add3A_12 = arith.constant 0 : i32
    %add3A_13 = arith.addi %add3A_4, %add3A_12 : i32
    %mul3A_14 = arith.constant 128 : i32
    %mul3A_15 = arith.muli %add3A_13, %mul3A_14 : i32
    %gt3A = arith.constant 0 : i32
    %gt3A_16 = arith.cmpi sgt, %add3A_7, %gt3A : i32
    %convert_element_type3A_17 = arith.extui %gt3A_16 : i1 to i32
    %cond3A = arith.constant 0 : i32
    %cond3A_18 = arith.cmpi ne, %convert_element_type3A_17, %cond3A : i32
    scf.if %cond3A_18 {
      %dma_start3A_136 = arith.constant 0 : i32
      %dma_start3A_137 = tpu.memref_slice %arg3[%dma_start3A_136, %mul3A_15] : memref<2x320000xi32, #tpu.memory_space<hbm>> -> memref<1x128xi32, #tpu.memory_space<hbm>>
      %dma_start3A_138 = tpu.memref_squeeze %dma_start3A_137 : memref<1x128xi32, #tpu.memory_space<hbm>> -> memref<128xi32, #tpu.memory_space<hbm>>
      %dma_start3A_139 = tpu.memref_slice %arg3[%dma_start3A_136, %mul3A_15] : memref<2x320000xi32, #tpu.memory_space<hbm>> -> memref<1x128xi32, #tpu.memory_space<hbm>>
      %dma_start3A_140 = tpu.memref_squeeze %dma_start3A_139 : memref<1x128xi32, #tpu.memory_space<hbm>> -> memref<128xi32, #tpu.memory_space<hbm>>
      tpu.enqueue_dma source(%dma_start3A_140 : memref<128xi32, #tpu.memory_space<hbm>>) target(%arg14 : memref<128xi32, #tpu.memory_space<vmem>>) target_semaphore(%arg20 : memref<!tpu.dma_semaphore, #tpu.memory_space<semaphore_mem>>)
    } else {
    }
    %le3A = arith.constant 0 : i32
    %le3A_19 = arith.cmpi sle, %add3A_7, %le3A : i32
    %convert_element_type3A_20 = arith.extui %le3A_19 : i1 to i32
    %cond3A_21 = arith.constant 0 : i32
    %cond3A_22 = arith.cmpi ne, %convert_element_type3A_20, %cond3A_21 : i32
    scf.if %cond3A_22 {
      tpu.enqueue_dma source(%arg4 : memref<128xi32, #tpu.memory_space<hbm>>) target(%arg14 : memref<128xi32, #tpu.memory_space<vmem>>) target_semaphore(%arg20 : memref<!tpu.dma_semaphore, #tpu.memory_space<semaphore_mem>>)
    } else {
    }
    %add3A_23 = arith.constant 0 : i32
    %add3A_24 = arith.addi %add3A_4, %add3A_23 : i32
    %mul3A_25 = arith.constant 128 : i32
    %mul3A_26 = arith.muli %add3A_24, %mul3A_25 : i32
    %gt3A_27 = arith.constant 0 : i32
    %gt3A_28 = arith.cmpi sgt, %add3A_7, %gt3A_27 : i32
    %convert_element_type3A_29 = arith.extui %gt3A_28 : i1 to i32
    %cond3A_30 = arith.constant 0 : i32
    %cond3A_31 = arith.cmpi ne, %convert_element_type3A_29, %cond3A_30 : i32
    scf.if %cond3A_31 {
      %dma_start3A_136 = arith.constant 1 : i32
      %dma_start3A_137 = tpu.memref_slice %arg3[%dma_start3A_136, %mul3A_26] : memref<2x320000xi32, #tpu.memory_space<hbm>> -> memref<1x128xi32, #tpu.memory_space<hbm>>
      %dma_start3A_138 = tpu.memref_squeeze %dma_start3A_137 : memref<1x128xi32, #tpu.memory_space<hbm>> -> memref<128xi32, #tpu.memory_space<hbm>>
      %dma_start3A_139 = tpu.memref_slice %arg3[%dma_start3A_136, %mul3A_26] : memref<2x320000xi32, #tpu.memory_space<hbm>> -> memref<1x128xi32, #tpu.memory_space<hbm>>
      %dma_start3A_140 = tpu.memref_squeeze %dma_start3A_139 : memref<1x128xi32, #tpu.memory_space<hbm>> -> memref<128xi32, #tpu.memory_space<hbm>>
      tpu.enqueue_dma source(%dma_start3A_140 : memref<128xi32, #tpu.memory_space<hbm>>) target(%arg10 : memref<128xi32, #tpu.memory_space<vmem>>) target_semaphore(%arg24 : memref<!tpu.dma_semaphore, #tpu.memory_space<semaphore_mem>>)
    } else {
    }
    %le3A_32 = arith.constant 0 : i32
    %le3A_33 = arith.cmpi sle, %add3A_7, %le3A_32 : i32
    %convert_element_type3A_34 = arith.extui %le3A_33 : i1 to i32
    %cond3A_35 = arith.constant 0 : i32
    %cond3A_36 = arith.cmpi ne, %convert_element_type3A_34, %cond3A_35 : i32
    scf.if %cond3A_36 {
      tpu.enqueue_dma source(%arg5 : memref<128xi32, #tpu.memory_space<hbm>>) target(%arg10 : memref<128xi32, #tpu.memory_space<vmem>>) target_semaphore(%arg24 : memref<!tpu.dma_semaphore, #tpu.memory_space<semaphore_mem>>)
    } else {
    }
    %add3A_37 = arith.constant 1 : i32
    %add3A_38 = arith.addi %add3A_4, %add3A_37 : i32
    %mul3A_39 = arith.constant 128 : i32
    %mul3A_40 = arith.muli %add3A_38, %mul3A_39 : i32
    %gt3A_41 = arith.constant 1 : i32
    %gt3A_42 = arith.cmpi sgt, %add3A_7, %gt3A_41 : i32
    %convert_element_type3A_43 = arith.extui %gt3A_42 : i1 to i32
    %cond3A_44 = arith.constant 0 : i32
    %cond3A_45 = arith.cmpi ne, %convert_element_type3A_43, %cond3A_44 : i32
    scf.if %cond3A_45 {
      %dma_start3A_136 = arith.constant 0 : i32
      %dma_start3A_137 = tpu.memref_slice %arg3[%dma_start3A_136, %mul3A_40] : memref<2x320000xi32, #tpu.memory_space<hbm>> -> memref<1x128xi32, #tpu.memory_space<hbm>>
      %dma_start3A_138 = tpu.memref_squeeze %dma_start3A_137 : memref<1x128xi32, #tpu.memory_space<hbm>> -> memref<128xi32, #tpu.memory_space<hbm>>
      %dma_start3A_139 = tpu.memref_slice %arg3[%dma_start3A_136, %mul3A_40] : memref<2x320000xi32, #tpu.memory_space<hbm>> -> memref<1x128xi32, #tpu.memory_space<hbm>>
      %dma_start3A_140 = tpu.memref_squeeze %dma_start3A_139 : memref<1x128xi32, #tpu.memory_space<hbm>> -> memref<128xi32, #tpu.memory_space<hbm>>
      tpu.enqueue_dma source(%dma_start3A_140 : memref<128xi32, #tpu.memory_space<hbm>>) target(%arg15 : memref<128xi32, #tpu.memory_space<vmem>>) target_semaphore(%arg21 : memref<!tpu.dma_semaphore, #tpu.memory_space<semaphore_mem>>)
    } else {
    }
    %le3A_46 = arith.constant 1 : i32
    %le3A_47 = arith.cmpi sle, %add3A_7, %le3A_46 : i32
    %convert_element_type3A_48 = arith.extui %le3A_47 : i1 to i32
    %cond3A_49 = arith.constant 0 : i32
    %cond3A_50 = arith.cmpi ne, %convert_element_type3A_48, %cond3A_49 : i32
    scf.if %cond3A_50 {
      tpu.enqueue_dma source(%arg4 : memref<128xi32, #tpu.memory_space<hbm>>) target(%arg15 : memref<128xi32, #tpu.memory_space<vmem>>) target_semaphore(%arg21 : memref<!tpu.dma_semaphore, #tpu.memory_space<semaphore_mem>>)
    } else {
    }
    %add3A_51 = arith.constant 1 : i32
    %add3A_52 = arith.addi %add3A_4, %add3A_51 : i32
    %mul3A_53 = arith.constant 128 : i32
    %mul3A_54 = arith.muli %add3A_52, %mul3A_53 : i32
    %gt3A_55 = arith.constant 1 : i32
    %gt3A_56 = arith.cmpi sgt, %add3A_7, %gt3A_55 : i32
    %convert_element_type3A_57 = arith.extui %gt3A_56 : i1 to i32
    %cond3A_58 = arith.constant 0 : i32
    %cond3A_59 = arith.cmpi ne, %convert_element_type3A_57, %cond3A_58 : i32
    scf.if %cond3A_59 {
      %dma_start3A_136 = arith.constant 1 : i32
      %dma_start3A_137 = tpu.memref_slice %arg3[%dma_start3A_136, %mul3A_54] : memref<2x320000xi32, #tpu.memory_space<hbm>> -> memref<1x128xi32, #tpu.memory_space<hbm>>
      %dma_start3A_138 = tpu.memref_squeeze %dma_start3A_137 : memref<1x128xi32, #tpu.memory_space<hbm>> -> memref<128xi32, #tpu.memory_space<hbm>>
      %dma_start3A_139 = tpu.memref_slice %arg3[%dma_start3A_136, %mul3A_54] : memref<2x320000xi32, #tpu.memory_space<hbm>> -> memref<1x128xi32, #tpu.memory_space<hbm>>
      %dma_start3A_140 = tpu.memref_squeeze %dma_start3A_139 : memref<1x128xi32, #tpu.memory_space<hbm>> -> memref<128xi32, #tpu.memory_space<hbm>>
      tpu.enqueue_dma source(%dma_start3A_140 : memref<128xi32, #tpu.memory_space<hbm>>) target(%arg11 : memref<128xi32, #tpu.memory_space<vmem>>) target_semaphore(%arg25 : memref<!tpu.dma_semaphore, #tpu.memory_space<semaphore_mem>>)
    } else {
    }
    %le3A_60 = arith.constant 1 : i32
    %le3A_61 = arith.cmpi sle, %add3A_7, %le3A_60 : i32
    %convert_element_type3A_62 = arith.extui %le3A_61 : i1 to i32
    %cond3A_63 = arith.constant 0 : i32
    %cond3A_64 = arith.cmpi ne, %convert_element_type3A_62, %cond3A_63 : i32
    scf.if %cond3A_64 {
      tpu.enqueue_dma source(%arg5 : memref<128xi32, #tpu.memory_space<hbm>>) target(%arg11 : memref<128xi32, #tpu.memory_space<vmem>>) target_semaphore(%arg25 : memref<!tpu.dma_semaphore, #tpu.memory_space<semaphore_mem>>)
    } else {
    }
    %add3A_65 = arith.constant 2 : i32
    %add3A_66 = arith.addi %add3A_4, %add3A_65 : i32
    %mul3A_67 = arith.constant 128 : i32
    %mul3A_68 = arith.muli %add3A_66, %mul3A_67 : i32
    %gt3A_69 = arith.constant 2 : i32
    %gt3A_70 = arith.cmpi sgt, %add3A_7, %gt3A_69 : i32
    %convert_element_type3A_71 = arith.extui %gt3A_70 : i1 to i32
    %cond3A_72 = arith.constant 0 : i32
    %cond3A_73 = arith.cmpi ne, %convert_element_type3A_71, %cond3A_72 : i32
    scf.if %cond3A_73 {
      %dma_start3A_136 = arith.constant 0 : i32
      %dma_start3A_137 = tpu.memref_slice %arg3[%dma_start3A_136, %mul3A_68] : memref<2x320000xi32, #tpu.memory_space<hbm>> -> memref<1x128xi32, #tpu.memory_space<hbm>>
      %dma_start3A_138 = tpu.memref_squeeze %dma_start3A_137 : memref<1x128xi32, #tpu.memory_space<hbm>> -> memref<128xi32, #tpu.memory_space<hbm>>
      %dma_start3A_139 = tpu.memref_slice %arg3[%dma_start3A_136, %mul3A_68] : memref<2x320000xi32, #tpu.memory_space<hbm>> -> memref<1x128xi32, #tpu.memory_space<hbm>>
      %dma_start3A_140 = tpu.memref_squeeze %dma_start3A_139 : memref<1x128xi32, #tpu.memory_space<hbm>> -> memref<128xi32, #tpu.memory_space<hbm>>
      tpu.enqueue_dma source(%dma_start3A_140 : memref<128xi32, #tpu.memory_space<hbm>>) target(%arg16 : memref<128xi32, #tpu.memory_space<vmem>>) target_semaphore(%arg22 : memref<!tpu.dma_semaphore, #tpu.memory_space<semaphore_mem>>)
    } else {
    }
    %le3A_74 = arith.constant 2 : i32
    %le3A_75 = arith.cmpi sle, %add3A_7, %le3A_74 : i32
    %convert_element_type3A_76 = arith.extui %le3A_75 : i1 to i32
    %cond3A_77 = arith.constant 0 : i32
    %cond3A_78 = arith.cmpi ne, %convert_element_type3A_76, %cond3A_77 : i32
    scf.if %cond3A_78 {
      tpu.enqueue_dma source(%arg4 : memref<128xi32, #tpu.memory_space<hbm>>) target(%arg16 : memref<128xi32, #tpu.memory_space<vmem>>) target_semaphore(%arg22 : memref<!tpu.dma_semaphore, #tpu.memory_space<semaphore_mem>>)
    } else {
    }
    %add3A_79 = arith.constant 2 : i32
    %add3A_80 = arith.addi %add3A_4, %add3A_79 : i32
    %mul3A_81 = arith.constant 128 : i32
    %mul3A_82 = arith.muli %add3A_80, %mul3A_81 : i32
    %gt3A_83 = arith.constant 2 : i32
    %gt3A_84 = arith.cmpi sgt, %add3A_7, %gt3A_83 : i32
    %convert_element_type3A_85 = arith.extui %gt3A_84 : i1 to i32
    %cond3A_86 = arith.constant 0 : i32
    %cond3A_87 = arith.cmpi ne, %convert_element_type3A_85, %cond3A_86 : i32
    scf.if %cond3A_87 {
      %dma_start3A_136 = arith.constant 1 : i32
      %dma_start3A_137 = tpu.memref_slice %arg3[%dma_start3A_136, %mul3A_82] : memref<2x320000xi32, #tpu.memory_space<hbm>> -> memref<1x128xi32, #tpu.memory_space<hbm>>
      %dma_start3A_138 = tpu.memref_squeeze %dma_start3A_137 : memref<1x128xi32, #tpu.memory_space<hbm>> -> memref<128xi32, #tpu.memory_space<hbm>>
      %dma_start3A_139 = tpu.memref_slice %arg3[%dma_start3A_136, %mul3A_82] : memref<2x320000xi32, #tpu.memory_space<hbm>> -> memref<1x128xi32, #tpu.memory_space<hbm>>
      %dma_start3A_140 = tpu.memref_squeeze %dma_start3A_139 : memref<1x128xi32, #tpu.memory_space<hbm>> -> memref<128xi32, #tpu.memory_space<hbm>>
      tpu.enqueue_dma source(%dma_start3A_140 : memref<128xi32, #tpu.memory_space<hbm>>) target(%arg12 : memref<128xi32, #tpu.memory_space<vmem>>) target_semaphore(%arg26 : memref<!tpu.dma_semaphore, #tpu.memory_space<semaphore_mem>>)
    } else {
    }
    %le3A_88 = arith.constant 2 : i32
    %le3A_89 = arith.cmpi sle, %add3A_7, %le3A_88 : i32
    %convert_element_type3A_90 = arith.extui %le3A_89 : i1 to i32
    %cond3A_91 = arith.constant 0 : i32
    %cond3A_92 = arith.cmpi ne, %convert_element_type3A_90, %cond3A_91 : i32
    scf.if %cond3A_92 {
      tpu.enqueue_dma source(%arg5 : memref<128xi32, #tpu.memory_space<hbm>>) target(%arg12 : memref<128xi32, #tpu.memory_space<vmem>>) target_semaphore(%arg26 : memref<!tpu.dma_semaphore, #tpu.memory_space<semaphore_mem>>)
    } else {
    }
    %add3A_93 = arith.constant 3 : i32
    %add3A_94 = arith.addi %add3A_4, %add3A_93 : i32
    %mul3A_95 = arith.constant 128 : i32
    %mul3A_96 = arith.muli %add3A_94, %mul3A_95 : i32
    %gt3A_97 = arith.constant 3 : i32
    %gt3A_98 = arith.cmpi sgt, %add3A_7, %gt3A_97 : i32
    %convert_element_type3A_99 = arith.extui %gt3A_98 : i1 to i32
    %cond3A_100 = arith.constant 0 : i32
    %cond3A_101 = arith.cmpi ne, %convert_element_type3A_99, %cond3A_100 : i32
    scf.if %cond3A_101 {
      %dma_start3A_136 = arith.constant 0 : i32
      %dma_start3A_137 = tpu.memref_slice %arg3[%dma_start3A_136, %mul3A_96] : memref<2x320000xi32, #tpu.memory_space<hbm>> -> memref<1x128xi32, #tpu.memory_space<hbm>>
      %dma_start3A_138 = tpu.memref_squeeze %dma_start3A_137 : memref<1x128xi32, #tpu.memory_space<hbm>> -> memref<128xi32, #tpu.memory_space<hbm>>
      %dma_start3A_139 = tpu.memref_slice %arg3[%dma_start3A_136, %mul3A_96] : memref<2x320000xi32, #tpu.memory_space<hbm>> -> memref<1x128xi32, #tpu.memory_space<hbm>>
      %dma_start3A_140 = tpu.memref_squeeze %dma_start3A_139 : memref<1x128xi32, #tpu.memory_space<hbm>> -> memref<128xi32, #tpu.memory_space<hbm>>
      tpu.enqueue_dma source(%dma_start3A_140 : memref<128xi32, #tpu.memory_space<hbm>>) target(%arg17 : memref<128xi32, #tpu.memory_space<vmem>>) target_semaphore(%arg23 : memref<!tpu.dma_semaphore, #tpu.memory_space<semaphore_mem>>)
    } else {
    }
    %le3A_102 = arith.constant 3 : i32
    %le3A_103 = arith.cmpi sle, %add3A_7, %le3A_102 : i32
    %convert_element_type3A_104 = arith.extui %le3A_103 : i1 to i32
    %cond3A_105 = arith.constant 0 : i32
    %cond3A_106 = arith.cmpi ne, %convert_element_type3A_104, %cond3A_105 : i32
    scf.if %cond3A_106 {
      tpu.enqueue_dma source(%arg4 : memref<128xi32, #tpu.memory_space<hbm>>) target(%arg17 : memref<128xi32, #tpu.memory_space<vmem>>) target_semaphore(%arg23 : memref<!tpu.dma_semaphore, #tpu.memory_space<semaphore_mem>>)
    } else {
    }
    %add3A_107 = arith.constant 3 : i32
    %add3A_108 = arith.addi %add3A_4, %add3A_107 : i32
    %mul3A_109 = arith.constant 128 : i32
    %mul3A_110 = arith.muli %add3A_108, %mul3A_109 : i32
    %gt3A_111 = arith.constant 3 : i32
    %gt3A_112 = arith.cmpi sgt, %add3A_7, %gt3A_111 : i32
    %convert_element_type3A_113 = arith.extui %gt3A_112 : i1 to i32
    %cond3A_114 = arith.constant 0 : i32
    %cond3A_115 = arith.cmpi ne, %convert_element_type3A_113, %cond3A_114 : i32
    scf.if %cond3A_115 {
      %dma_start3A_136 = arith.constant 1 : i32
      %dma_start3A_137 = tpu.memref_slice %arg3[%dma_start3A_136, %mul3A_110] : memref<2x320000xi32, #tpu.memory_space<hbm>> -> memref<1x128xi32, #tpu.memory_space<hbm>>
      %dma_start3A_138 = tpu.memref_squeeze %dma_start3A_137 : memref<1x128xi32, #tpu.memory_space<hbm>> -> memref<128xi32, #tpu.memory_space<hbm>>
      %dma_start3A_139 = tpu.memref_slice %arg3[%dma_start3A_136, %mul3A_110] : memref<2x320000xi32, #tpu.memory_space<hbm>> -> memref<1x128xi32, #tpu.memory_space<hbm>>
      %dma_start3A_140 = tpu.memref_squeeze %dma_start3A_139 : memref<1x128xi32, #tpu.memory_space<hbm>> -> memref<128xi32, #tpu.memory_space<hbm>>
      tpu.enqueue_dma source(%dma_start3A_140 : memref<128xi32, #tpu.memory_space<hbm>>) target(%arg13 : memref<128xi32, #tpu.memory_space<vmem>>) target_semaphore(%arg27 : memref<!tpu.dma_semaphore, #tpu.memory_space<semaphore_mem>>)
    } else {
    }
    %le3A_116 = arith.constant 3 : i32
    %le3A_117 = arith.cmpi sle, %add3A_7, %le3A_116 : i32
    %convert_element_type3A_118 = arith.extui %le3A_117 : i1 to i32
    %cond3A_119 = arith.constant 0 : i32
    %cond3A_120 = arith.cmpi ne, %convert_element_type3A_118, %cond3A_119 : i32
    scf.if %cond3A_120 {
      tpu.enqueue_dma source(%arg5 : memref<128xi32, #tpu.memory_space<hbm>>) target(%arg13 : memref<128xi32, #tpu.memory_space<vmem>>) target_semaphore(%arg27 : memref<!tpu.dma_semaphore, #tpu.memory_space<semaphore_mem>>)
    } else {
    }
    tpu.wait_dma2 semaphore(%arg20 : memref<!tpu.dma_semaphore, #tpu.memory_space<semaphore_mem>>) src(%arg4 : memref<128xi32, #tpu.memory_space<hbm>>) dst(%arg14 : memref<128xi32, #tpu.memory_space<vmem>>)
    %dma_start3A = arith.constant 0 : i32
    %dma_start3A_121 = arith.constant 0 : i32
    %dma_start3A_122 = tpu.memref_slice %arg2[%dma_start3A, %dma_start3A_121] : memref<10000x128xf32, #tpu.memory_space<hbm>> -> memref<10000x128xf32, #tpu.memory_space<hbm>>
    tpu.enqueue_indirect_dma source(%dma_start3A_122 : memref<10000x128xf32, #tpu.memory_space<hbm>>) target(%arg8 : memref<128x128xf32, #tpu.memory_space<vmem>>) offsets(%arg14 : memref<128xi32, #tpu.memory_space<vmem>>) semaphore(%arg18 : memref<!tpu.dma_semaphore, #tpu.memory_space<semaphore_mem>>)
    tpu.wait_dma2 semaphore(%arg21 : memref<!tpu.dma_semaphore, #tpu.memory_space<semaphore_mem>>) src(%arg4 : memref<128xi32, #tpu.memory_space<hbm>>) dst(%arg15 : memref<128xi32, #tpu.memory_space<vmem>>)
    %dma_start3A_123 = arith.constant 0 : i32
    %dma_start3A_124 = arith.constant 0 : i32
    %dma_start3A_125 = tpu.memref_slice %arg2[%dma_start3A_123, %dma_start3A_124] : memref<10000x128xf32, #tpu.memory_space<hbm>> -> memref<10000x128xf32, #tpu.memory_space<hbm>>
    tpu.enqueue_indirect_dma source(%dma_start3A_125 : memref<10000x128xf32, #tpu.memory_space<hbm>>) target(%arg9 : memref<128x128xf32, #tpu.memory_space<vmem>>) offsets(%arg15 : memref<128xi32, #tpu.memory_space<vmem>>) semaphore(%arg19 : memref<!tpu.dma_semaphore, #tpu.memory_space<semaphore_mem>>)
    %scan3A_126 = arith.constant 0 : i32
    %scan3A_127 = arith.constant 20 : i32
    %scan3A_128 = arith.addi %scan3A_126, %scan3A_127 : i32
    %scan3A_129 = arith.constant 1 : i32
    scf.for %scan3A_136 = %scan3A_126 to %scan3A_128 step %scan3A_129  : i32 {
      %mul3A_137 = arith.constant 4 : i32
      %mul3A_138 = arith.muli %scan3A_136, %mul3A_137 : i32
      %add3A_139 = arith.constant 0 : i32
      %add3A_140 = arith.addi %add3A_139, %mul3A_138 : i32
      %add3A_141 = arith.constant 0 : i32
      %add3A_142 = arith.addi %add3A_140, %add3A_141 : i32
      %dma_wait3A = arith.constant 0 : i32
      %dma_wait3A_143 = arith.constant 0 : i32
      %dma_wait3A_144 = tpu.memref_slice %arg2[%dma_wait3A, %dma_wait3A_143] : memref<10000x128xf32, #tpu.memory_space<hbm>> -> memref<10000x128xf32, #tpu.memory_space<hbm>>
      tpu.wait_indirect_dma semaphore(%arg18 : memref<!tpu.dma_semaphore, #tpu.memory_space<semaphore_mem>>) src(%dma_wait3A_144 : memref<10000x128xf32, #tpu.memory_space<hbm>>) dst(%arg8 : memref<128x128xf32, #tpu.memory_space<vmem>>)
      tpu.wait_dma2 semaphore(%arg24 : memref<!tpu.dma_semaphore, #tpu.memory_space<semaphore_mem>>) src(%arg5 : memref<128xi32, #tpu.memory_space<hbm>>) dst(%arg10 : memref<128xi32, #tpu.memory_space<vmem>>)
      "tpu.region"() ({
        %run_scoped3A = tpu.sem_alloc : memref<!tpu.dma_semaphore, #tpu.memory_space<semaphore_mem>>
        %dma_start3A_216 = arith.constant 0 : i32
        %dma_start3A_217 = arith.constant 0 : i32
        %dma_start3A_218 = tpu.memref_slice %arg28[%dma_start3A_216, %dma_start3A_217] : memref<10240x128xf32, #tpu.memory_space<vmem_shared>> -> memref<10240x128xf32, #tpu.memory_space<vmem_shared>>
        tpu.enqueue_indirect_dma source(%arg8 : memref<128x128xf32, #tpu.memory_space<vmem>>) target(%dma_start3A_218 : memref<10240x128xf32, #tpu.memory_space<vmem_shared>>) offsets(%arg10 : memref<128xi32, #tpu.memory_space<vmem>>) semaphore(%run_scoped3A : memref<!tpu.dma_semaphore, #tpu.memory_space<semaphore_mem>>) {add = true}
        %dma_wait3A_219 = arith.constant 0 : i32
        %dma_wait3A_220 = arith.constant 0 : i32
        %dma_wait3A_221 = tpu.memref_slice %arg28[%dma_wait3A_219, %dma_wait3A_220] : memref<10240x128xf32, #tpu.memory_space<vmem_shared>> -> memref<10240x128xf32, #tpu.memory_space<vmem_shared>>
        tpu.wait_indirect_dma semaphore(%run_scoped3A : memref<!tpu.dma_semaphore, #tpu.memory_space<semaphore_mem>>) src(%arg8 : memref<128x128xf32, #tpu.memory_space<vmem>>) dst(%dma_wait3A_221 : memref<10240x128xf32, #tpu.memory_space<vmem_shared>>)
        tpu.yield
      }) : () -> ()
      %add3A_145 = arith.constant 4 : i32
      %add3A_146 = arith.addi %add3A_142, %add3A_145 : i32
      %lt3A_147 = arith.constant 80 : i32
      %lt3A_148 = arith.cmpi slt, %add3A_146, %lt3A_147 : i32
      %convert_element_type3A_149 = arith.extui %lt3A_148 : i1 to i32
      %cond3A_150 = arith.constant 0 : i32
      %cond3A_151 = arith.cmpi ne, %convert_element_type3A_149, %cond3A_150 : i32
      scf.if %cond3A_151 {
        %add3A_216 = arith.constant 4 : i32
        %add3A_217 = arith.addi %add3A_142, %add3A_216 : i32
        %add3A_218 = arith.addi %add3A_4, %add3A_217 : i32
        %mul3A_219 = arith.constant 128 : i32
        %mul3A_220 = arith.muli %add3A_218, %mul3A_219 : i32
        %lt3A_221 = arith.cmpi slt, %add3A_217, %add3A_7 : i32
        %convert_element_type3A_222 = arith.extui %lt3A_221 : i1 to i32
        %cond3A_223 = arith.constant 0 : i32
        %cond3A_224 = arith.cmpi ne, %convert_element_type3A_222, %cond3A_223 : i32
        scf.if %cond3A_224 {
          %dma_start3A_241 = arith.constant 0 : i32
          %dma_start3A_242 = tpu.memref_slice %arg3[%dma_start3A_241, %mul3A_220] : memref<2x320000xi32, #tpu.memory_space<hbm>> -> memref<1x128xi32, #tpu.memory_space<hbm>>
          %dma_start3A_243 = tpu.memref_squeeze %dma_start3A_242 : memref<1x128xi32, #tpu.memory_space<hbm>> -> memref<128xi32, #tpu.memory_space<hbm>>
          %dma_start3A_244 = tpu.memref_slice %arg3[%dma_start3A_241, %mul3A_220] : memref<2x320000xi32, #tpu.memory_space<hbm>> -> memref<1x128xi32, #tpu.memory_space<hbm>>
          %dma_start3A_245 = tpu.memref_squeeze %dma_start3A_244 : memref<1x128xi32, #tpu.memory_space<hbm>> -> memref<128xi32, #tpu.memory_space<hbm>>
          tpu.enqueue_dma source(%dma_start3A_245 : memref<128xi32, #tpu.memory_space<hbm>>) target(%arg14 : memref<128xi32, #tpu.memory_space<vmem>>) target_semaphore(%arg20 : memref<!tpu.dma_semaphore, #tpu.memory_space<semaphore_mem>>)
        } else {
        }
        %ge3A = arith.cmpi sge, %add3A_217, %add3A_7 : i32
        %convert_element_type3A_225 = arith.extui %ge3A : i1 to i32
        %cond3A_226 = arith.constant 0 : i32
        %cond3A_227 = arith.cmpi ne, %convert_element_type3A_225, %cond3A_226 : i32
        scf.if %cond3A_227 {
          tpu.enqueue_dma source(%arg4 : memref<128xi32, #tpu.memory_space<hbm>>) target(%arg14 : memref<128xi32, #tpu.memory_space<vmem>>) target_semaphore(%arg20 : memref<!tpu.dma_semaphore, #tpu.memory_space<semaphore_mem>>)
        } else {
        }
        %add3A_228 = arith.constant 4 : i32
        %add3A_229 = arith.addi %add3A_142, %add3A_228 : i32
        %add3A_230 = arith.addi %add3A_4, %add3A_229 : i32
        %mul3A_231 = arith.constant 128 : i32
        %mul3A_232 = arith.muli %add3A_230, %mul3A_231 : i32
        %lt3A_233 = arith.cmpi slt, %add3A_229, %add3A_7 : i32
        %convert_element_type3A_234 = arith.extui %lt3A_233 : i1 to i32
        %cond3A_235 = arith.constant 0 : i32
        %cond3A_236 = arith.cmpi ne, %convert_element_type3A_234, %cond3A_235 : i32
        scf.if %cond3A_236 {
          %dma_start3A_241 = arith.constant 1 : i32
          %dma_start3A_242 = tpu.memref_slice %arg3[%dma_start3A_241, %mul3A_232] : memref<2x320000xi32, #tpu.memory_space<hbm>> -> memref<1x128xi32, #tpu.memory_space<hbm>>
          %dma_start3A_243 = tpu.memref_squeeze %dma_start3A_242 : memref<1x128xi32, #tpu.memory_space<hbm>> -> memref<128xi32, #tpu.memory_space<hbm>>
          %dma_start3A_244 = tpu.memref_slice %arg3[%dma_start3A_241, %mul3A_232] : memref<2x320000xi32, #tpu.memory_space<hbm>> -> memref<1x128xi32, #tpu.memory_space<hbm>>
          %dma_start3A_245 = tpu.memref_squeeze %dma_start3A_244 : memref<1x128xi32, #tpu.memory_space<hbm>> -> memref<128xi32, #tpu.memory_space<hbm>>
          tpu.enqueue_dma source(%dma_start3A_245 : memref<128xi32, #tpu.memory_space<hbm>>) target(%arg10 : memref<128xi32, #tpu.memory_space<vmem>>) target_semaphore(%arg24 : memref<!tpu.dma_semaphore, #tpu.memory_space<semaphore_mem>>)
        } else {
        }
        %ge3A_237 = arith.cmpi sge, %add3A_229, %add3A_7 : i32
        %convert_element_type3A_238 = arith.extui %ge3A_237 : i1 to i32
        %cond3A_239 = arith.constant 0 : i32
        %cond3A_240 = arith.cmpi ne, %convert_element_type3A_238, %cond3A_239 : i32
        scf.if %cond3A_240 {
          tpu.enqueue_dma source(%arg5 : memref<128xi32, #tpu.memory_space<hbm>>) target(%arg10 : memref<128xi32, #tpu.memory_space<vmem>>) target_semaphore(%arg24 : memref<!tpu.dma_semaphore, #tpu.memory_space<semaphore_mem>>)
        } else {
        }
      } else {
      }
      %add3A_152 = arith.constant 2 : i32
      %add3A_153 = arith.addi %add3A_142, %add3A_152 : i32
      %lt3A_154 = arith.constant 80 : i32
      %lt3A_155 = arith.cmpi slt, %add3A_153, %lt3A_154 : i32
      %convert_element_type3A_156 = arith.extui %lt3A_155 : i1 to i32
      %cond3A_157 = arith.constant 0 : i32
      %cond3A_158 = arith.cmpi ne, %convert_element_type3A_156, %cond3A_157 : i32
      scf.if %cond3A_158 {
        tpu.wait_dma2 semaphore(%arg22 : memref<!tpu.dma_semaphore, #tpu.memory_space<semaphore_mem>>) src(%arg4 : memref<128xi32, #tpu.memory_space<hbm>>) dst(%arg16 : memref<128xi32, #tpu.memory_space<vmem>>)
        %dma_start3A_216 = arith.constant 0 : i32
        %dma_start3A_217 = arith.constant 0 : i32
        %dma_start3A_218 = tpu.memref_slice %arg2[%dma_start3A_216, %dma_start3A_217] : memref<10000x128xf32, #tpu.memory_space<hbm>> -> memref<10000x128xf32, #tpu.memory_space<hbm>>
        tpu.enqueue_indirect_dma source(%dma_start3A_218 : memref<10000x128xf32, #tpu.memory_space<hbm>>) target(%arg8 : memref<128x128xf32, #tpu.memory_space<vmem>>) offsets(%arg16 : memref<128xi32, #tpu.memory_space<vmem>>) semaphore(%arg18 : memref<!tpu.dma_semaphore, #tpu.memory_space<semaphore_mem>>)
      } else {
      }
      %add3A_159 = arith.constant 1 : i32
      %add3A_160 = arith.addi %add3A_140, %add3A_159 : i32
      %dma_wait3A_161 = arith.constant 0 : i32
      %dma_wait3A_162 = arith.constant 0 : i32
      %dma_wait3A_163 = tpu.memref_slice %arg2[%dma_wait3A_161, %dma_wait3A_162] : memref<10000x128xf32, #tpu.memory_space<hbm>> -> memref<10000x128xf32, #tpu.memory_space<hbm>>
      tpu.wait_indirect_dma semaphore(%arg19 : memref<!tpu.dma_semaphore, #tpu.memory_space<semaphore_mem>>) src(%dma_wait3A_163 : memref<10000x128xf32, #tpu.memory_space<hbm>>) dst(%arg9 : memref<128x128xf32, #tpu.memory_space<vmem>>)
      tpu.wait_dma2 semaphore(%arg25 : memref<!tpu.dma_semaphore, #tpu.memory_space<semaphore_mem>>) src(%arg5 : memref<128xi32, #tpu.memory_space<hbm>>) dst(%arg11 : memref<128xi32, #tpu.memory_space<vmem>>)
      "tpu.region"() ({
        %run_scoped3A = tpu.sem_alloc : memref<!tpu.dma_semaphore, #tpu.memory_space<semaphore_mem>>
        %dma_start3A_216 = arith.constant 0 : i32
        %dma_start3A_217 = arith.constant 0 : i32
        %dma_start3A_218 = tpu.memref_slice %arg28[%dma_start3A_216, %dma_start3A_217] : memref<10240x128xf32, #tpu.memory_space<vmem_shared>> -> memref<10240x128xf32, #tpu.memory_space<vmem_shared>>
        tpu.enqueue_indirect_dma source(%arg9 : memref<128x128xf32, #tpu.memory_space<vmem>>) target(%dma_start3A_218 : memref<10240x128xf32, #tpu.memory_space<vmem_shared>>) offsets(%arg11 : memref<128xi32, #tpu.memory_space<vmem>>) semaphore(%run_scoped3A : memref<!tpu.dma_semaphore, #tpu.memory_space<semaphore_mem>>) {add = true}
        %dma_wait3A_219 = arith.constant 0 : i32
        %dma_wait3A_220 = arith.constant 0 : i32
        %dma_wait3A_221 = tpu.memref_slice %arg28[%dma_wait3A_219, %dma_wait3A_220] : memref<10240x128xf32, #tpu.memory_space<vmem_shared>> -> memref<10240x128xf32, #tpu.memory_space<vmem_shared>>
        tpu.wait_indirect_dma semaphore(%run_scoped3A : memref<!tpu.dma_semaphore, #tpu.memory_space<semaphore_mem>>) src(%arg9 : memref<128x128xf32, #tpu.memory_space<vmem>>) dst(%dma_wait3A_221 : memref<10240x128xf32, #tpu.memory_space<vmem_shared>>)
        tpu.yield
      }) : () -> ()
      %add3A_164 = arith.constant 4 : i32
      %add3A_165 = arith.addi %add3A_160, %add3A_164 : i32
      %lt3A_166 = arith.constant 80 : i32
      %lt3A_167 = arith.cmpi slt, %add3A_165, %lt3A_166 : i32
      %convert_element_type3A_168 = arith.extui %lt3A_167 : i1 to i32
      %cond3A_169 = arith.constant 0 : i32
      %cond3A_170 = arith.cmpi ne, %convert_element_type3A_168, %cond3A_169 : i32
      scf.if %cond3A_170 {
        %add3A_216 = arith.constant 4 : i32
        %add3A_217 = arith.addi %add3A_160, %add3A_216 : i32
        %add3A_218 = arith.addi %add3A_4, %add3A_217 : i32
        %mul3A_219 = arith.constant 128 : i32
        %mul3A_220 = arith.muli %add3A_218, %mul3A_219 : i32
        %lt3A_221 = arith.cmpi slt, %add3A_217, %add3A_7 : i32
        %convert_element_type3A_222 = arith.extui %lt3A_221 : i1 to i32
        %cond3A_223 = arith.constant 0 : i32
        %cond3A_224 = arith.cmpi ne, %convert_element_type3A_222, %cond3A_223 : i32
        scf.if %cond3A_224 {
          %dma_start3A_241 = arith.constant 0 : i32
          %dma_start3A_242 = tpu.memref_slice %arg3[%dma_start3A_241, %mul3A_220] : memref<2x320000xi32, #tpu.memory_space<hbm>> -> memref<1x128xi32, #tpu.memory_space<hbm>>
          %dma_start3A_243 = tpu.memref_squeeze %dma_start3A_242 : memref<1x128xi32, #tpu.memory_space<hbm>> -> memref<128xi32, #tpu.memory_space<hbm>>
          %dma_start3A_244 = tpu.memref_slice %arg3[%dma_start3A_241, %mul3A_220] : memref<2x320000xi32, #tpu.memory_space<hbm>> -> memref<1x128xi32, #tpu.memory_space<hbm>>
          %dma_start3A_245 = tpu.memref_squeeze %dma_start3A_244 : memref<1x128xi32, #tpu.memory_space<hbm>> -> memref<128xi32, #tpu.memory_space<hbm>>
          tpu.enqueue_dma source(%dma_start3A_245 : memref<128xi32, #tpu.memory_space<hbm>>) target(%arg15 : memref<128xi32, #tpu.memory_space<vmem>>) target_semaphore(%arg21 : memref<!tpu.dma_semaphore, #tpu.memory_space<semaphore_mem>>)
        } else {
        }
        %ge3A = arith.cmpi sge, %add3A_217, %add3A_7 : i32
        %convert_element_type3A_225 = arith.extui %ge3A : i1 to i32
        %cond3A_226 = arith.constant 0 : i32
        %cond3A_227 = arith.cmpi ne, %convert_element_type3A_225, %cond3A_226 : i32
        scf.if %cond3A_227 {
          tpu.enqueue_dma source(%arg4 : memref<128xi32, #tpu.memory_space<hbm>>) target(%arg15 : memref<128xi32, #tpu.memory_space<vmem>>) target_semaphore(%arg21 : memref<!tpu.dma_semaphore, #tpu.memory_space<semaphore_mem>>)
        } else {
        }
        %add3A_228 = arith.constant 4 : i32
        %add3A_229 = arith.addi %add3A_160, %add3A_228 : i32
        %add3A_230 = arith.addi %add3A_4, %add3A_229 : i32
        %mul3A_231 = arith.constant 128 : i32
        %mul3A_232 = arith.muli %add3A_230, %mul3A_231 : i32
        %lt3A_233 = arith.cmpi slt, %add3A_229, %add3A_7 : i32
        %convert_element_type3A_234 = arith.extui %lt3A_233 : i1 to i32
        %cond3A_235 = arith.constant 0 : i32
        %cond3A_236 = arith.cmpi ne, %convert_element_type3A_234, %cond3A_235 : i32
        scf.if %cond3A_236 {
          %dma_start3A_241 = arith.constant 1 : i32
          %dma_start3A_242 = tpu.memref_slice %arg3[%dma_start3A_241, %mul3A_232] : memref<2x320000xi32, #tpu.memory_space<hbm>> -> memref<1x128xi32, #tpu.memory_space<hbm>>
          %dma_start3A_243 = tpu.memref_squeeze %dma_start3A_242 : memref<1x128xi32, #tpu.memory_space<hbm>> -> memref<128xi32, #tpu.memory_space<hbm>>
          %dma_start3A_244 = tpu.memref_slice %arg3[%dma_start3A_241, %mul3A_232] : memref<2x320000xi32, #tpu.memory_space<hbm>> -> memref<1x128xi32, #tpu.memory_space<hbm>>
          %dma_start3A_245 = tpu.memref_squeeze %dma_start3A_244 : memref<1x128xi32, #tpu.memory_space<hbm>> -> memref<128xi32, #tpu.memory_space<hbm>>
          tpu.enqueue_dma source(%dma_start3A_245 : memref<128xi32, #tpu.memory_space<hbm>>) target(%arg11 : memref<128xi32, #tpu.memory_space<vmem>>) target_semaphore(%arg25 : memref<!tpu.dma_semaphore, #tpu.memory_space<semaphore_mem>>)
        } else {
        }
        %ge3A_237 = arith.cmpi sge, %add3A_229, %add3A_7 : i32
        %convert_element_type3A_238 = arith.extui %ge3A_237 : i1 to i32
        %cond3A_239 = arith.constant 0 : i32
        %cond3A_240 = arith.cmpi ne, %convert_element_type3A_238, %cond3A_239 : i32
        scf.if %cond3A_240 {
          tpu.enqueue_dma source(%arg5 : memref<128xi32, #tpu.memory_space<hbm>>) target(%arg11 : memref<128xi32, #tpu.memory_space<vmem>>) target_semaphore(%arg25 : memref<!tpu.dma_semaphore, #tpu.memory_space<semaphore_mem>>)
        } else {
        }
      } else {
      }
      %add3A_171 = arith.constant 2 : i32
      %add3A_172 = arith.addi %add3A_160, %add3A_171 : i32
      %lt3A_173 = arith.constant 80 : i32
      %lt3A_174 = arith.cmpi slt, %add3A_172, %lt3A_173 : i32
      %convert_element_type3A_175 = arith.extui %lt3A_174 : i1 to i32
      %cond3A_176 = arith.constant 0 : i32
      %cond3A_177 = arith.cmpi ne, %convert_element_type3A_175, %cond3A_176 : i32
      scf.if %cond3A_177 {
        tpu.wait_dma2 semaphore(%arg23 : memref<!tpu.dma_semaphore, #tpu.memory_space<semaphore_mem>>) src(%arg4 : memref<128xi32, #tpu.memory_space<hbm>>) dst(%arg17 : memref<128xi32, #tpu.memory_space<vmem>>)
        %dma_start3A_216 = arith.constant 0 : i32
        %dma_start3A_217 = arith.constant 0 : i32
        %dma_start3A_218 = tpu.memref_slice %arg2[%dma_start3A_216, %dma_start3A_217] : memref<10000x128xf32, #tpu.memory_space<hbm>> -> memref<10000x128xf32, #tpu.memory_space<hbm>>
        tpu.enqueue_indirect_dma source(%dma_start3A_218 : memref<10000x128xf32, #tpu.memory_space<hbm>>) target(%arg9 : memref<128x128xf32, #tpu.memory_space<vmem>>) offsets(%arg17 : memref<128xi32, #tpu.memory_space<vmem>>) semaphore(%arg19 : memref<!tpu.dma_semaphore, #tpu.memory_space<semaphore_mem>>)
      } else {
      }
      %add3A_178 = arith.constant 2 : i32
      %add3A_179 = arith.addi %add3A_140, %add3A_178 : i32
      %dma_wait3A_180 = arith.constant 0 : i32
      %dma_wait3A_181 = arith.constant 0 : i32
      %dma_wait3A_182 = tpu.memref_slice %arg2[%dma_wait3A_180, %dma_wait3A_181] : memref<10000x128xf32, #tpu.memory_space<hbm>> -> memref<10000x128xf32, #tpu.memory_space<hbm>>
      tpu.wait_indirect_dma semaphore(%arg18 : memref<!tpu.dma_semaphore, #tpu.memory_space<semaphore_mem>>) src(%dma_wait3A_182 : memref<10000x128xf32, #tpu.memory_space<hbm>>) dst(%arg8 : memref<128x128xf32, #tpu.memory_space<vmem>>)
      tpu.wait_dma2 semaphore(%arg26 : memref<!tpu.dma_semaphore, #tpu.memory_space<semaphore_mem>>) src(%arg5 : memref<128xi32, #tpu.memory_space<hbm>>) dst(%arg12 : memref<128xi32, #tpu.memory_space<vmem>>)
      "tpu.region"() ({
        %run_scoped3A = tpu.sem_alloc : memref<!tpu.dma_semaphore, #tpu.memory_space<semaphore_mem>>
        %dma_start3A_216 = arith.constant 0 : i32
        %dma_start3A_217 = arith.constant 0 : i32
        %dma_start3A_218 = tpu.memref_slice %arg28[%dma_start3A_216, %dma_start3A_217] : memref<10240x128xf32, #tpu.memory_space<vmem_shared>> -> memref<10240x128xf32, #tpu.memory_space<vmem_shared>>
        tpu.enqueue_indirect_dma source(%arg8 : memref<128x128xf32, #tpu.memory_space<vmem>>) target(%dma_start3A_218 : memref<10240x128xf32, #tpu.memory_space<vmem_shared>>) offsets(%arg12 : memref<128xi32, #tpu.memory_space<vmem>>) semaphore(%run_scoped3A : memref<!tpu.dma_semaphore, #tpu.memory_space<semaphore_mem>>) {add = true}
        %dma_wait3A_219 = arith.constant 0 : i32
        %dma_wait3A_220 = arith.constant 0 : i32
        %dma_wait3A_221 = tpu.memref_slice %arg28[%dma_wait3A_219, %dma_wait3A_220] : memref<10240x128xf32, #tpu.memory_space<vmem_shared>> -> memref<10240x128xf32, #tpu.memory_space<vmem_shared>>
        tpu.wait_indirect_dma semaphore(%run_scoped3A : memref<!tpu.dma_semaphore, #tpu.memory_space<semaphore_mem>>) src(%arg8 : memref<128x128xf32, #tpu.memory_space<vmem>>) dst(%dma_wait3A_221 : memref<10240x128xf32, #tpu.memory_space<vmem_shared>>)
        tpu.yield
      }) : () -> ()
      %add3A_183 = arith.constant 4 : i32
      %add3A_184 = arith.addi %add3A_179, %add3A_183 : i32
      %lt3A_185 = arith.constant 80 : i32
      %lt3A_186 = arith.cmpi slt, %add3A_184, %lt3A_185 : i32
      %convert_element_type3A_187 = arith.extui %lt3A_186 : i1 to i32
      %cond3A_188 = arith.constant 0 : i32
      %cond3A_189 = arith.cmpi ne, %convert_element_type3A_187, %cond3A_188 : i32
      scf.if %cond3A_189 {
        %add3A_216 = arith.constant 4 : i32
        %add3A_217 = arith.addi %add3A_179, %add3A_216 : i32
        %add3A_218 = arith.addi %add3A_4, %add3A_217 : i32
        %mul3A_219 = arith.constant 128 : i32
        %mul3A_220 = arith.muli %add3A_218, %mul3A_219 : i32
        %lt3A_221 = arith.cmpi slt, %add3A_217, %add3A_7 : i32
        %convert_element_type3A_222 = arith.extui %lt3A_221 : i1 to i32
        %cond3A_223 = arith.constant 0 : i32
        %cond3A_224 = arith.cmpi ne, %convert_element_type3A_222, %cond3A_223 : i32
        scf.if %cond3A_224 {
          %dma_start3A_241 = arith.constant 0 : i32
          %dma_start3A_242 = tpu.memref_slice %arg3[%dma_start3A_241, %mul3A_220] : memref<2x320000xi32, #tpu.memory_space<hbm>> -> memref<1x128xi32, #tpu.memory_space<hbm>>
          %dma_start3A_243 = tpu.memref_squeeze %dma_start3A_242 : memref<1x128xi32, #tpu.memory_space<hbm>> -> memref<128xi32, #tpu.memory_space<hbm>>
          %dma_start3A_244 = tpu.memref_slice %arg3[%dma_start3A_241, %mul3A_220] : memref<2x320000xi32, #tpu.memory_space<hbm>> -> memref<1x128xi32, #tpu.memory_space<hbm>>
          %dma_start3A_245 = tpu.memref_squeeze %dma_start3A_244 : memref<1x128xi32, #tpu.memory_space<hbm>> -> memref<128xi32, #tpu.memory_space<hbm>>
          tpu.enqueue_dma source(%dma_start3A_245 : memref<128xi32, #tpu.memory_space<hbm>>) target(%arg16 : memref<128xi32, #tpu.memory_space<vmem>>) target_semaphore(%arg22 : memref<!tpu.dma_semaphore, #tpu.memory_space<semaphore_mem>>)
        } else {
        }
        %ge3A = arith.cmpi sge, %add3A_217, %add3A_7 : i32
        %convert_element_type3A_225 = arith.extui %ge3A : i1 to i32
        %cond3A_226 = arith.constant 0 : i32
        %cond3A_227 = arith.cmpi ne, %convert_element_type3A_225, %cond3A_226 : i32
        scf.if %cond3A_227 {
          tpu.enqueue_dma source(%arg4 : memref<128xi32, #tpu.memory_space<hbm>>) target(%arg16 : memref<128xi32, #tpu.memory_space<vmem>>) target_semaphore(%arg22 : memref<!tpu.dma_semaphore, #tpu.memory_space<semaphore_mem>>)
        } else {
        }
        %add3A_228 = arith.constant 4 : i32
        %add3A_229 = arith.addi %add3A_179, %add3A_228 : i32
        %add3A_230 = arith.addi %add3A_4, %add3A_229 : i32
        %mul3A_231 = arith.constant 128 : i32
        %mul3A_232 = arith.muli %add3A_230, %mul3A_231 : i32
        %lt3A_233 = arith.cmpi slt, %add3A_229, %add3A_7 : i32
        %convert_element_type3A_234 = arith.extui %lt3A_233 : i1 to i32
        %cond3A_235 = arith.constant 0 : i32
        %cond3A_236 = arith.cmpi ne, %convert_element_type3A_234, %cond3A_235 : i32
        scf.if %cond3A_236 {
          %dma_start3A_241 = arith.constant 1 : i32
          %dma_start3A_242 = tpu.memref_slice %arg3[%dma_start3A_241, %mul3A_232] : memref<2x320000xi32, #tpu.memory_space<hbm>> -> memref<1x128xi32, #tpu.memory_space<hbm>>
          %dma_start3A_243 = tpu.memref_squeeze %dma_start3A_242 : memref<1x128xi32, #tpu.memory_space<hbm>> -> memref<128xi32, #tpu.memory_space<hbm>>
          %dma_start3A_244 = tpu.memref_slice %arg3[%dma_start3A_241, %mul3A_232] : memref<2x320000xi32, #tpu.memory_space<hbm>> -> memref<1x128xi32, #tpu.memory_space<hbm>>
          %dma_start3A_245 = tpu.memref_squeeze %dma_start3A_244 : memref<1x128xi32, #tpu.memory_space<hbm>> -> memref<128xi32, #tpu.memory_space<hbm>>
          tpu.enqueue_dma source(%dma_start3A_245 : memref<128xi32, #tpu.memory_space<hbm>>) target(%arg12 : memref<128xi32, #tpu.memory_space<vmem>>) target_semaphore(%arg26 : memref<!tpu.dma_semaphore, #tpu.memory_space<semaphore_mem>>)
        } else {
        }
        %ge3A_237 = arith.cmpi sge, %add3A_229, %add3A_7 : i32
        %convert_element_type3A_238 = arith.extui %ge3A_237 : i1 to i32
        %cond3A_239 = arith.constant 0 : i32
        %cond3A_240 = arith.cmpi ne, %convert_element_type3A_238, %cond3A_239 : i32
        scf.if %cond3A_240 {
          tpu.enqueue_dma source(%arg5 : memref<128xi32, #tpu.memory_space<hbm>>) target(%arg12 : memref<128xi32, #tpu.memory_space<vmem>>) target_semaphore(%arg26 : memref<!tpu.dma_semaphore, #tpu.memory_space<semaphore_mem>>)
        } else {
        }
      } else {
      }
      %add3A_190 = arith.constant 2 : i32
      %add3A_191 = arith.addi %add3A_179, %add3A_190 : i32
      %lt3A_192 = arith.constant 80 : i32
      %lt3A_193 = arith.cmpi slt, %add3A_191, %lt3A_192 : i32
      %convert_element_type3A_194 = arith.extui %lt3A_193 : i1 to i32
      %cond3A_195 = arith.constant 0 : i32
      %cond3A_196 = arith.cmpi ne, %convert_element_type3A_194, %cond3A_195 : i32
      scf.if %cond3A_196 {
        tpu.wait_dma2 semaphore(%arg20 : memref<!tpu.dma_semaphore, #tpu.memory_space<semaphore_mem>>) src(%arg4 : memref<128xi32, #tpu.memory_space<hbm>>) dst(%arg14 : memref<128xi32, #tpu.memory_space<vmem>>)
        %dma_start3A_216 = arith.constant 0 : i32
        %dma_start3A_217 = arith.constant 0 : i32
        %dma_start3A_218 = tpu.memref_slice %arg2[%dma_start3A_216, %dma_start3A_217] : memref<10000x128xf32, #tpu.memory_space<hbm>> -> memref<10000x128xf32, #tpu.memory_space<hbm>>
        tpu.enqueue_indirect_dma source(%dma_start3A_218 : memref<10000x128xf32, #tpu.memory_space<hbm>>) target(%arg8 : memref<128x128xf32, #tpu.memory_space<vmem>>) offsets(%arg14 : memref<128xi32, #tpu.memory_space<vmem>>) semaphore(%arg18 : memref<!tpu.dma_semaphore, #tpu.memory_space<semaphore_mem>>)
      } else {
      }
      %add3A_197 = arith.constant 3 : i32
      %add3A_198 = arith.addi %add3A_140, %add3A_197 : i32
      %dma_wait3A_199 = arith.constant 0 : i32
      %dma_wait3A_200 = arith.constant 0 : i32
      %dma_wait3A_201 = tpu.memref_slice %arg2[%dma_wait3A_199, %dma_wait3A_200] : memref<10000x128xf32, #tpu.memory_space<hbm>> -> memref<10000x128xf32, #tpu.memory_space<hbm>>
      tpu.wait_indirect_dma semaphore(%arg19 : memref<!tpu.dma_semaphore, #tpu.memory_space<semaphore_mem>>) src(%dma_wait3A_201 : memref<10000x128xf32, #tpu.memory_space<hbm>>) dst(%arg9 : memref<128x128xf32, #tpu.memory_space<vmem>>)
      tpu.wait_dma2 semaphore(%arg27 : memref<!tpu.dma_semaphore, #tpu.memory_space<semaphore_mem>>) src(%arg5 : memref<128xi32, #tpu.memory_space<hbm>>) dst(%arg13 : memref<128xi32, #tpu.memory_space<vmem>>)
      "tpu.region"() ({
        %run_scoped3A = tpu.sem_alloc : memref<!tpu.dma_semaphore, #tpu.memory_space<semaphore_mem>>
        %dma_start3A_216 = arith.constant 0 : i32
        %dma_start3A_217 = arith.constant 0 : i32
        %dma_start3A_218 = tpu.memref_slice %arg28[%dma_start3A_216, %dma_start3A_217] : memref<10240x128xf32, #tpu.memory_space<vmem_shared>> -> memref<10240x128xf32, #tpu.memory_space<vmem_shared>>
        tpu.enqueue_indirect_dma source(%arg9 : memref<128x128xf32, #tpu.memory_space<vmem>>) target(%dma_start3A_218 : memref<10240x128xf32, #tpu.memory_space<vmem_shared>>) offsets(%arg13 : memref<128xi32, #tpu.memory_space<vmem>>) semaphore(%run_scoped3A : memref<!tpu.dma_semaphore, #tpu.memory_space<semaphore_mem>>) {add = true}
        %dma_wait3A_219 = arith.constant 0 : i32
        %dma_wait3A_220 = arith.constant 0 : i32
        %dma_wait3A_221 = tpu.memref_slice %arg28[%dma_wait3A_219, %dma_wait3A_220] : memref<10240x128xf32, #tpu.memory_space<vmem_shared>> -> memref<10240x128xf32, #tpu.memory_space<vmem_shared>>
        tpu.wait_indirect_dma semaphore(%run_scoped3A : memref<!tpu.dma_semaphore, #tpu.memory_space<semaphore_mem>>) src(%arg9 : memref<128x128xf32, #tpu.memory_space<vmem>>) dst(%dma_wait3A_221 : memref<10240x128xf32, #tpu.memory_space<vmem_shared>>)
        tpu.yield
      }) : () -> ()
      %add3A_202 = arith.constant 4 : i32
      %add3A_203 = arith.addi %add3A_198, %add3A_202 : i32
      %lt3A_204 = arith.constant 80 : i32
      %lt3A_205 = arith.cmpi slt, %add3A_203, %lt3A_204 : i32
      %convert_element_type3A_206 = arith.extui %lt3A_205 : i1 to i32
      %cond3A_207 = arith.constant 0 : i32
      %cond3A_208 = arith.cmpi ne, %convert_element_type3A_206, %cond3A_207 : i32
      scf.if %cond3A_208 {
        %add3A_216 = arith.constant 4 : i32
        %add3A_217 = arith.addi %add3A_198, %add3A_216 : i32
        %add3A_218 = arith.addi %add3A_4, %add3A_217 : i32
        %mul3A_219 = arith.constant 128 : i32
        %mul3A_220 = arith.muli %add3A_218, %mul3A_219 : i32
        %lt3A_221 = arith.cmpi slt, %add3A_217, %add3A_7 : i32
        %convert_element_type3A_222 = arith.extui %lt3A_221 : i1 to i32
        %cond3A_223 = arith.constant 0 : i32
        %cond3A_224 = arith.cmpi ne, %convert_element_type3A_222, %cond3A_223 : i32
        scf.if %cond3A_224 {
          %dma_start3A_241 = arith.constant 0 : i32
          %dma_start3A_242 = tpu.memref_slice %arg3[%dma_start3A_241, %mul3A_220] : memref<2x320000xi32, #tpu.memory_space<hbm>> -> memref<1x128xi32, #tpu.memory_space<hbm>>
          %dma_start3A_243 = tpu.memref_squeeze %dma_start3A_242 : memref<1x128xi32, #tpu.memory_space<hbm>> -> memref<128xi32, #tpu.memory_space<hbm>>
          %dma_start3A_244 = tpu.memref_slice %arg3[%dma_start3A_241, %mul3A_220] : memref<2x320000xi32, #tpu.memory_space<hbm>> -> memref<1x128xi32, #tpu.memory_space<hbm>>
          %dma_start3A_245 = tpu.memref_squeeze %dma_start3A_244 : memref<1x128xi32, #tpu.memory_space<hbm>> -> memref<128xi32, #tpu.memory_space<hbm>>
          tpu.enqueue_dma source(%dma_start3A_245 : memref<128xi32, #tpu.memory_space<hbm>>) target(%arg17 : memref<128xi32, #tpu.memory_space<vmem>>) target_semaphore(%arg23 : memref<!tpu.dma_semaphore, #tpu.memory_space<semaphore_mem>>)
        } else {
        }
        %ge3A = arith.cmpi sge, %add3A_217, %add3A_7 : i32
        %convert_element_type3A_225 = arith.extui %ge3A : i1 to i32
        %cond3A_226 = arith.constant 0 : i32
        %cond3A_227 = arith.cmpi ne, %convert_element_type3A_225, %cond3A_226 : i32
        scf.if %cond3A_227 {
          tpu.enqueue_dma source(%arg4 : memref<128xi32, #tpu.memory_space<hbm>>) target(%arg17 : memref<128xi32, #tpu.memory_space<vmem>>) target_semaphore(%arg23 : memref<!tpu.dma_semaphore, #tpu.memory_space<semaphore_mem>>)
        } else {
        }
        %add3A_228 = arith.constant 4 : i32
        %add3A_229 = arith.addi %add3A_198, %add3A_228 : i32
        %add3A_230 = arith.addi %add3A_4, %add3A_229 : i32
        %mul3A_231 = arith.constant 128 : i32
        %mul3A_232 = arith.muli %add3A_230, %mul3A_231 : i32
        %lt3A_233 = arith.cmpi slt, %add3A_229, %add3A_7 : i32
        %convert_element_type3A_234 = arith.extui %lt3A_233 : i1 to i32
        %cond3A_235 = arith.constant 0 : i32
        %cond3A_236 = arith.cmpi ne, %convert_element_type3A_234, %cond3A_235 : i32
        scf.if %cond3A_236 {
          %dma_start3A_241 = arith.constant 1 : i32
          %dma_start3A_242 = tpu.memref_slice %arg3[%dma_start3A_241, %mul3A_232] : memref<2x320000xi32, #tpu.memory_space<hbm>> -> memref<1x128xi32, #tpu.memory_space<hbm>>
          %dma_start3A_243 = tpu.memref_squeeze %dma_start3A_242 : memref<1x128xi32, #tpu.memory_space<hbm>> -> memref<128xi32, #tpu.memory_space<hbm>>
          %dma_start3A_244 = tpu.memref_slice %arg3[%dma_start3A_241, %mul3A_232] : memref<2x320000xi32, #tpu.memory_space<hbm>> -> memref<1x128xi32, #tpu.memory_space<hbm>>
          %dma_start3A_245 = tpu.memref_squeeze %dma_start3A_244 : memref<1x128xi32, #tpu.memory_space<hbm>> -> memref<128xi32, #tpu.memory_space<hbm>>
          tpu.enqueue_dma source(%dma_start3A_245 : memref<128xi32, #tpu.memory_space<hbm>>) target(%arg13 : memref<128xi32, #tpu.memory_space<vmem>>) target_semaphore(%arg27 : memref<!tpu.dma_semaphore, #tpu.memory_space<semaphore_mem>>)
        } else {
        }
        %ge3A_237 = arith.cmpi sge, %add3A_229, %add3A_7 : i32
        %convert_element_type3A_238 = arith.extui %ge3A_237 : i1 to i32
        %cond3A_239 = arith.constant 0 : i32
        %cond3A_240 = arith.cmpi ne, %convert_element_type3A_238, %cond3A_239 : i32
        scf.if %cond3A_240 {
          tpu.enqueue_dma source(%arg5 : memref<128xi32, #tpu.memory_space<hbm>>) target(%arg13 : memref<128xi32, #tpu.memory_space<vmem>>) target_semaphore(%arg27 : memref<!tpu.dma_semaphore, #tpu.memory_space<semaphore_mem>>)
        } else {
        }
      } else {
      }
      %add3A_209 = arith.constant 2 : i32
      %add3A_210 = arith.addi %add3A_198, %add3A_209 : i32
      %lt3A_211 = arith.constant 80 : i32
      %lt3A_212 = arith.cmpi slt, %add3A_210, %lt3A_211 : i32
      %convert_element_type3A_213 = arith.extui %lt3A_212 : i1 to i32
      %cond3A_214 = arith.constant 0 : i32
      %cond3A_215 = arith.cmpi ne, %convert_element_type3A_213, %cond3A_214 : i32
      scf.if %cond3A_215 {
        tpu.wait_dma2 semaphore(%arg21 : memref<!tpu.dma_semaphore, #tpu.memory_space<semaphore_mem>>) src(%arg4 : memref<128xi32, #tpu.memory_space<hbm>>) dst(%arg15 : memref<128xi32, #tpu.memory_space<vmem>>)
        %dma_start3A_216 = arith.constant 0 : i32
        %dma_start3A_217 = arith.constant 0 : i32
        %dma_start3A_218 = tpu.memref_slice %arg2[%dma_start3A_216, %dma_start3A_217] : memref<10000x128xf32, #tpu.memory_space<hbm>> -> memref<10000x128xf32, #tpu.memory_space<hbm>>
        tpu.enqueue_indirect_dma source(%dma_start3A_218 : memref<10000x128xf32, #tpu.memory_space<hbm>>) target(%arg9 : memref<128x128xf32, #tpu.memory_space<vmem>>) offsets(%arg15 : memref<128xi32, #tpu.memory_space<vmem>>) semaphore(%arg19 : memref<!tpu.dma_semaphore, #tpu.memory_space<semaphore_mem>>)
      } else {
      }
    }
    %scan3A_130 = arith.constant 20 : i32
    %barrier3A_131 = arith.constant 0 : index
    tpu.barrier barrier_id(%barrier3A_131)
    %mul3A_132 = arith.constant 640 : i32
    %mul3A_133 = arith.muli %arg1, %mul3A_132 : i32
    %mul3A_134 = arith.constant 640 : i32
    %mul3A_135 = arith.muli %arg1, %mul3A_134 : i32
    "tpu.region"() ({
      %run_scoped3A = tpu.sem_alloc : memref<!tpu.dma_semaphore, #tpu.memory_space<semaphore_mem>>
      %dma_start3A_136 = arith.constant 0 : i32
      %dma_start3A_137 = tpu.memref_slice %arg7[%arg0, %mul3A_135, %dma_start3A_136] : memref<2x10240x128xf32, #tpu.memory_space<hbm>> -> memref<1x640x128xf32, #tpu.memory_space<hbm>>
      %dma_start3A_138 = tpu.memref_squeeze %dma_start3A_137 : memref<1x640x128xf32, #tpu.memory_space<hbm>> -> memref<640x128xf32, #tpu.memory_space<hbm>>
      %dma_start3A_139 = arith.constant 0 : i32
      %dma_start3A_140 = tpu.memref_slice %arg28[%mul3A_133, %dma_start3A_139] : memref<10240x128xf32, #tpu.memory_space<vmem_shared>> -> memref<640x128xf32, #tpu.memory_space<vmem_shared>>
      tpu.enqueue_dma source(%dma_start3A_140 : memref<640x128xf32, #tpu.memory_space<vmem_shared>>) target(%dma_start3A_138 : memref<640x128xf32, #tpu.memory_space<hbm>>) target_semaphore(%run_scoped3A : memref<!tpu.dma_semaphore, #tpu.memory_space<semaphore_mem>>)
      %dma_wait3A = arith.constant 0 : i32
      %dma_wait3A_141 = tpu.memref_slice %arg7[%arg0, %mul3A_135, %dma_wait3A] : memref<2x10240x128xf32, #tpu.memory_space<hbm>> -> memref<1x640x128xf32, #tpu.memory_space<hbm>>
      %dma_wait3A_142 = tpu.memref_squeeze %dma_wait3A_141 : memref<1x640x128xf32, #tpu.memory_space<hbm>> -> memref<640x128xf32, #tpu.memory_space<hbm>>
      %dma_wait3A_143 = arith.constant 0 : i32
      %dma_wait3A_144 = tpu.memref_slice %arg28[%mul3A_133, %dma_wait3A_143] : memref<10240x128xf32, #tpu.memory_space<vmem_shared>> -> memref<640x128xf32, #tpu.memory_space<vmem_shared>>
      tpu.wait_dma2 semaphore(%run_scoped3A : memref<!tpu.dma_semaphore, #tpu.memory_space<semaphore_mem>>) src(%dma_wait3A_144 : memref<640x128xf32, #tpu.memory_space<vmem_shared>>) dst(%dma_wait3A_142 : memref<640x128xf32, #tpu.memory_space<hbm>>)
      tpu.yield
    }) : () -> ()
    return
  }
}

#map = affine_map<(d0, d1) -> (0, 0)>
#map1 = affine_map<(d0, d1) -> (0)>
#map2 = affine_map<(d0, d1) -> (0, 0, 0)>
module attributes {stable_mosaic.version = 14 : i64} {
  func.func @_sc_edge_pass(%arg0: i32, %arg1: i32, %arg2: memref<10000x128xf32, #tpu.memory_space<hbm>>, %arg3: memref<2x320000xi32, #tpu.memory_space<hbm>>, %arg4: memref<128xi32, #tpu.memory_space<hbm>>, %arg5: memref<128xi32, #tpu.memory_space<hbm>>, %arg6: memref<128x128xf32, #tpu.memory_space<hbm>>, %arg7: memref<2x10240x128xf32, #tpu.memory_space<hbm>>, %arg8: memref<128x128xf32, #tpu.memory_space<vmem>>, %arg9: memref<128x128xf32, #tpu.memory_space<vmem>>, %arg10: memref<128xi32, #tpu.memory_space<vmem>>, %arg11: memref<128xi32, #tpu.memory_space<vmem>>, %arg12: memref<128xi32, #tpu.memory_space<vmem>>, %arg13: memref<128xi32, #tpu.memory_space<vmem>>, %arg14: memref<128xi32, #tpu.memory_space<vmem>>, %arg15: memref<128xi32, #tpu.memory_space<vmem>>, %arg16: memref<128xi32, #tpu.memory_space<vmem>>, %arg17: memref<128xi32, #tpu.memory_space<vmem>>, %arg18: memref<!tpu.dma_semaphore, #tpu.memory_space<semaphore_mem>>, %arg19: memref<!tpu.dma_semaphore, #tpu.memory_space<semaphore_mem>>, %arg20: memref<!tpu.dma_semaphore, #tpu.memory_space<semaphore_mem>>, %arg21: memref<!tpu.dma_semaphore, #tpu.memory_space<semaphore_mem>>, %arg22: memref<!tpu.dma_semaphore, #tpu.memory_space<semaphore_mem>>, %arg23: memref<!tpu.dma_semaphore, #tpu.memory_space<semaphore_mem>>, %arg24: memref<!tpu.dma_semaphore, #tpu.memory_space<semaphore_mem>>, %arg25: memref<!tpu.dma_semaphore, #tpu.memory_space<semaphore_mem>>, %arg26: memref<!tpu.dma_semaphore, #tpu.memory_space<semaphore_mem>>, %arg27: memref<!tpu.dma_semaphore, #tpu.memory_space<semaphore_mem>>, %arg28: memref<10240x128xf32, #tpu.memory_space<vmem_shared>>) attributes {dimension_semantics = [#tpu.dimension_semantics<core_parallel>, #tpu.dimension_semantics<subcore_parallel>], iteration_bounds = array<i64: 2, 16>, scalar_prefetch = 0 : i64, scratch_operands = 21 : i64, tpu.core_type = #tpu.core_type<sc_vector_subcore>, window_params = [{transform_indices = #map}, {transform_indices = #map}, {transform_indices = #map1}, {transform_indices = #map1}, {transform_indices = #map}, {transform_indices = #map2}]} {
    %mul3A = arith.constant 16 : i32
    %mul3A_0 = arith.muli %arg0, %mul3A : i32
    %add3A = arith.addi %mul3A_0, %arg1 : i32
    %mul3A_1 = arith.constant 78 : i32
    %mul3A_2 = arith.muli %mul3A_1, %add3A : i32
    %min3A = arith.constant 4 : i32
    %min3A_3 = arith.minsi %add3A, %min3A : i32
    %add3A_4 = arith.addi %mul3A_2, %min3A_3 : i32
    %lt3A = arith.constant 4 : i32
    %lt3A_5 = arith.cmpi slt, %add3A, %lt3A : i32
    %convert_element_type3A = arith.extui %lt3A_5 : i1 to i32
    %add3A_6 = arith.constant 78 : i32
    %add3A_7 = arith.addi %add3A_6, %convert_element_type3A : i32
    "tpu.region"() ({
      %run_scoped3A = tpu.sem_alloc : memref<!tpu.dma_semaphore, #tpu.memory_space<semaphore_mem>>
      tpu.enqueue_dma source(%arg6 : memref<128x128xf32, #tpu.memory_space<hbm>>) target(%arg8 : memref<128x128xf32, #tpu.memory_space<vmem>>) target_semaphore(%run_scoped3A : memref<!tpu.dma_semaphore, #tpu.memory_space<semaphore_mem>>)
      tpu.wait_dma2 semaphore(%run_scoped3A : memref<!tpu.dma_semaphore, #tpu.memory_space<semaphore_mem>>) src(%arg6 : memref<128x128xf32, #tpu.memory_space<hbm>>) dst(%arg8 : memref<128x128xf32, #tpu.memory_space<vmem>>)
      tpu.yield
    }) : () -> ()
    %scan3A = arith.constant 0 : i32
    %scan3A_8 = arith.constant 5 : i32
    %scan3A_9 = arith.addi %scan3A, %scan3A_8 : i32
    %scan3A_10 = arith.constant 1 : i32
    scf.for %scan3A_136 = %scan3A to %scan3A_9 step %scan3A_10  : i32 {
      %mul3A_137 = arith.constant 1 : i32
      %mul3A_138 = arith.muli %scan3A_136, %mul3A_137 : i32
      %add3A_139 = arith.constant 0 : i32
      %add3A_140 = arith.addi %add3A_139, %mul3A_138 : i32
      %mul3A_141 = arith.constant 640 : i32
      %mul3A_142 = arith.muli %arg1, %mul3A_141 : i32
      %mul3A_143 = arith.constant 128 : i32
      %mul3A_144 = arith.muli %add3A_140, %mul3A_143 : i32
      %add3A_145 = arith.addi %mul3A_142, %mul3A_144 : i32
      "tpu.region"() ({
        %run_scoped3A = tpu.sem_alloc : memref<!tpu.dma_semaphore, #tpu.memory_space<semaphore_mem>>
        %dma_start3A_146 = arith.constant 0 : i32
        %dma_start3A_147 = tpu.memref_slice %arg28[%add3A_145, %dma_start3A_146] : memref<10240x128xf32, #tpu.memory_space<vmem_shared>> -> memref<128x128xf32, #tpu.memory_space<vmem_shared>>
        %dma_start3A_148 = arith.constant 0 : i32
        %dma_start3A_149 = tpu.memref_slice %arg28[%add3A_145, %dma_start3A_148] : memref<10240x128xf32, #tpu.memory_space<vmem_shared>> -> memref<128x128xf32, #tpu.memory_space<vmem_shared>>
        tpu.enqueue_dma source(%arg8 : memref<128x128xf32, #tpu.memory_space<vmem>>) target(%dma_start3A_149 : memref<128x128xf32, #tpu.memory_space<vmem_shared>>) target_semaphore(%run_scoped3A : memref<!tpu.dma_semaphore, #tpu.memory_space<semaphore_mem>>)
        %dma_wait3A = arith.constant 0 : i32
        %dma_wait3A_150 = tpu.memref_slice %arg28[%add3A_145, %dma_wait3A] : memref<10240x128xf32, #tpu.memory_space<vmem_shared>> -> memref<128x128xf32, #tpu.memory_space<vmem_shared>>
        %dma_wait3A_151 = arith.constant 0 : i32
        %dma_wait3A_152 = tpu.memref_slice %arg28[%add3A_145, %dma_wait3A_151] : memref<10240x128xf32, #tpu.memory_space<vmem_shared>> -> memref<128x128xf32, #tpu.memory_space<vmem_shared>>
        tpu.wait_dma2 semaphore(%run_scoped3A : memref<!tpu.dma_semaphore, #tpu.memory_space<semaphore_mem>>) src(%arg8 : memref<128x128xf32, #tpu.memory_space<vmem>>) dst(%dma_wait3A_152 : memref<128x128xf32, #tpu.memory_space<vmem_shared>>)
        tpu.yield
      }) : () -> ()
    }
    %scan3A_11 = arith.constant 5 : i32
    %barrier3A = arith.constant 0 : index
    tpu.barrier barrier_id(%barrier3A)
    %add3A_12 = arith.constant 0 : i32
    %add3A_13 = arith.addi %add3A_4, %add3A_12 : i32
    %mul3A_14 = arith.constant 128 : i32
    %mul3A_15 = arith.muli %add3A_13, %mul3A_14 : i32
    %gt3A = arith.constant 0 : i32
    %gt3A_16 = arith.cmpi sgt, %add3A_7, %gt3A : i32
    %convert_element_type3A_17 = arith.extui %gt3A_16 : i1 to i32
    %cond3A = arith.constant 0 : i32
    %cond3A_18 = arith.cmpi ne, %convert_element_type3A_17, %cond3A : i32
    scf.if %cond3A_18 {
      %dma_start3A_136 = arith.constant 0 : i32
      %dma_start3A_137 = tpu.memref_slice %arg3[%dma_start3A_136, %mul3A_15] : memref<2x320000xi32, #tpu.memory_space<hbm>> -> memref<1x128xi32, #tpu.memory_space<hbm>>
      %dma_start3A_138 = tpu.memref_squeeze %dma_start3A_137 : memref<1x128xi32, #tpu.memory_space<hbm>> -> memref<128xi32, #tpu.memory_space<hbm>>
      %dma_start3A_139 = tpu.memref_slice %arg3[%dma_start3A_136, %mul3A_15] : memref<2x320000xi32, #tpu.memory_space<hbm>> -> memref<1x128xi32, #tpu.memory_space<hbm>>
      %dma_start3A_140 = tpu.memref_squeeze %dma_start3A_139 : memref<1x128xi32, #tpu.memory_space<hbm>> -> memref<128xi32, #tpu.memory_space<hbm>>
      tpu.enqueue_dma source(%dma_start3A_140 : memref<128xi32, #tpu.memory_space<hbm>>) target(%arg14 : memref<128xi32, #tpu.memory_space<vmem>>) target_semaphore(%arg20 : memref<!tpu.dma_semaphore, #tpu.memory_space<semaphore_mem>>)
    } else {
    }
    %le3A = arith.constant 0 : i32
    %le3A_19 = arith.cmpi sle, %add3A_7, %le3A : i32
    %convert_element_type3A_20 = arith.extui %le3A_19 : i1 to i32
    %cond3A_21 = arith.constant 0 : i32
    %cond3A_22 = arith.cmpi ne, %convert_element_type3A_20, %cond3A_21 : i32
    scf.if %cond3A_22 {
      tpu.enqueue_dma source(%arg4 : memref<128xi32, #tpu.memory_space<hbm>>) target(%arg14 : memref<128xi32, #tpu.memory_space<vmem>>) target_semaphore(%arg20 : memref<!tpu.dma_semaphore, #tpu.memory_space<semaphore_mem>>)
    } else {
    }
    %add3A_23 = arith.constant 0 : i32
    %add3A_24 = arith.addi %add3A_4, %add3A_23 : i32
    %mul3A_25 = arith.constant 128 : i32
    %mul3A_26 = arith.muli %add3A_24, %mul3A_25 : i32
    %gt3A_27 = arith.constant 0 : i32
    %gt3A_28 = arith.cmpi sgt, %add3A_7, %gt3A_27 : i32
    %convert_element_type3A_29 = arith.extui %gt3A_28 : i1 to i32
    %cond3A_30 = arith.constant 0 : i32
    %cond3A_31 = arith.cmpi ne, %convert_element_type3A_29, %cond3A_30 : i32
    scf.if %cond3A_31 {
      %dma_start3A_136 = arith.constant 1 : i32
      %dma_start3A_137 = tpu.memref_slice %arg3[%dma_start3A_136, %mul3A_26] : memref<2x320000xi32, #tpu.memory_space<hbm>> -> memref<1x128xi32, #tpu.memory_space<hbm>>
      %dma_start3A_138 = tpu.memref_squeeze %dma_start3A_137 : memref<1x128xi32, #tpu.memory_space<hbm>> -> memref<128xi32, #tpu.memory_space<hbm>>
      %dma_start3A_139 = tpu.memref_slice %arg3[%dma_start3A_136, %mul3A_26] : memref<2x320000xi32, #tpu.memory_space<hbm>> -> memref<1x128xi32, #tpu.memory_space<hbm>>
      %dma_start3A_140 = tpu.memref_squeeze %dma_start3A_139 : memref<1x128xi32, #tpu.memory_space<hbm>> -> memref<128xi32, #tpu.memory_space<hbm>>
      tpu.enqueue_dma source(%dma_start3A_140 : memref<128xi32, #tpu.memory_space<hbm>>) target(%arg10 : memref<128xi32, #tpu.memory_space<vmem>>) target_semaphore(%arg24 : memref<!tpu.dma_semaphore, #tpu.memory_space<semaphore_mem>>)
    } else {
    }
    %le3A_32 = arith.constant 0 : i32
    %le3A_33 = arith.cmpi sle, %add3A_7, %le3A_32 : i32
    %convert_element_type3A_34 = arith.extui %le3A_33 : i1 to i32
    %cond3A_35 = arith.constant 0 : i32
    %cond3A_36 = arith.cmpi ne, %convert_element_type3A_34, %cond3A_35 : i32
    scf.if %cond3A_36 {
      tpu.enqueue_dma source(%arg5 : memref<128xi32, #tpu.memory_space<hbm>>) target(%arg10 : memref<128xi32, #tpu.memory_space<vmem>>) target_semaphore(%arg24 : memref<!tpu.dma_semaphore, #tpu.memory_space<semaphore_mem>>)
    } else {
    }
    %add3A_37 = arith.constant 1 : i32
    %add3A_38 = arith.addi %add3A_4, %add3A_37 : i32
    %mul3A_39 = arith.constant 128 : i32
    %mul3A_40 = arith.muli %add3A_38, %mul3A_39 : i32
    %gt3A_41 = arith.constant 1 : i32
    %gt3A_42 = arith.cmpi sgt, %add3A_7, %gt3A_41 : i32
    %convert_element_type3A_43 = arith.extui %gt3A_42 : i1 to i32
    %cond3A_44 = arith.constant 0 : i32
    %cond3A_45 = arith.cmpi ne, %convert_element_type3A_43, %cond3A_44 : i32
    scf.if %cond3A_45 {
      %dma_start3A_136 = arith.constant 0 : i32
      %dma_start3A_137 = tpu.memref_slice %arg3[%dma_start3A_136, %mul3A_40] : memref<2x320000xi32, #tpu.memory_space<hbm>> -> memref<1x128xi32, #tpu.memory_space<hbm>>
      %dma_start3A_138 = tpu.memref_squeeze %dma_start3A_137 : memref<1x128xi32, #tpu.memory_space<hbm>> -> memref<128xi32, #tpu.memory_space<hbm>>
      %dma_start3A_139 = tpu.memref_slice %arg3[%dma_start3A_136, %mul3A_40] : memref<2x320000xi32, #tpu.memory_space<hbm>> -> memref<1x128xi32, #tpu.memory_space<hbm>>
      %dma_start3A_140 = tpu.memref_squeeze %dma_start3A_139 : memref<1x128xi32, #tpu.memory_space<hbm>> -> memref<128xi32, #tpu.memory_space<hbm>>
      tpu.enqueue_dma source(%dma_start3A_140 : memref<128xi32, #tpu.memory_space<hbm>>) target(%arg15 : memref<128xi32, #tpu.memory_space<vmem>>) target_semaphore(%arg21 : memref<!tpu.dma_semaphore, #tpu.memory_space<semaphore_mem>>)
    } else {
    }
    %le3A_46 = arith.constant 1 : i32
    %le3A_47 = arith.cmpi sle, %add3A_7, %le3A_46 : i32
    %convert_element_type3A_48 = arith.extui %le3A_47 : i1 to i32
    %cond3A_49 = arith.constant 0 : i32
    %cond3A_50 = arith.cmpi ne, %convert_element_type3A_48, %cond3A_49 : i32
    scf.if %cond3A_50 {
      tpu.enqueue_dma source(%arg4 : memref<128xi32, #tpu.memory_space<hbm>>) target(%arg15 : memref<128xi32, #tpu.memory_space<vmem>>) target_semaphore(%arg21 : memref<!tpu.dma_semaphore, #tpu.memory_space<semaphore_mem>>)
    } else {
    }
    %add3A_51 = arith.constant 1 : i32
    %add3A_52 = arith.addi %add3A_4, %add3A_51 : i32
    %mul3A_53 = arith.constant 128 : i32
    %mul3A_54 = arith.muli %add3A_52, %mul3A_53 : i32
    %gt3A_55 = arith.constant 1 : i32
    %gt3A_56 = arith.cmpi sgt, %add3A_7, %gt3A_55 : i32
    %convert_element_type3A_57 = arith.extui %gt3A_56 : i1 to i32
    %cond3A_58 = arith.constant 0 : i32
    %cond3A_59 = arith.cmpi ne, %convert_element_type3A_57, %cond3A_58 : i32
    scf.if %cond3A_59 {
      %dma_start3A_136 = arith.constant 1 : i32
      %dma_start3A_137 = tpu.memref_slice %arg3[%dma_start3A_136, %mul3A_54] : memref<2x320000xi32, #tpu.memory_space<hbm>> -> memref<1x128xi32, #tpu.memory_space<hbm>>
      %dma_start3A_138 = tpu.memref_squeeze %dma_start3A_137 : memref<1x128xi32, #tpu.memory_space<hbm>> -> memref<128xi32, #tpu.memory_space<hbm>>
      %dma_start3A_139 = tpu.memref_slice %arg3[%dma_start3A_136, %mul3A_54] : memref<2x320000xi32, #tpu.memory_space<hbm>> -> memref<1x128xi32, #tpu.memory_space<hbm>>
      %dma_start3A_140 = tpu.memref_squeeze %dma_start3A_139 : memref<1x128xi32, #tpu.memory_space<hbm>> -> memref<128xi32, #tpu.memory_space<hbm>>
      tpu.enqueue_dma source(%dma_start3A_140 : memref<128xi32, #tpu.memory_space<hbm>>) target(%arg11 : memref<128xi32, #tpu.memory_space<vmem>>) target_semaphore(%arg25 : memref<!tpu.dma_semaphore, #tpu.memory_space<semaphore_mem>>)
    } else {
    }
    %le3A_60 = arith.constant 1 : i32
    %le3A_61 = arith.cmpi sle, %add3A_7, %le3A_60 : i32
    %convert_element_type3A_62 = arith.extui %le3A_61 : i1 to i32
    %cond3A_63 = arith.constant 0 : i32
    %cond3A_64 = arith.cmpi ne, %convert_element_type3A_62, %cond3A_63 : i32
    scf.if %cond3A_64 {
      tpu.enqueue_dma source(%arg5 : memref<128xi32, #tpu.memory_space<hbm>>) target(%arg11 : memref<128xi32, #tpu.memory_space<vmem>>) target_semaphore(%arg25 : memref<!tpu.dma_semaphore, #tpu.memory_space<semaphore_mem>>)
    } else {
    }
    %add3A_65 = arith.constant 2 : i32
    %add3A_66 = arith.addi %add3A_4, %add3A_65 : i32
    %mul3A_67 = arith.constant 128 : i32
    %mul3A_68 = arith.muli %add3A_66, %mul3A_67 : i32
    %gt3A_69 = arith.constant 2 : i32
    %gt3A_70 = arith.cmpi sgt, %add3A_7, %gt3A_69 : i32
    %convert_element_type3A_71 = arith.extui %gt3A_70 : i1 to i32
    %cond3A_72 = arith.constant 0 : i32
    %cond3A_73 = arith.cmpi ne, %convert_element_type3A_71, %cond3A_72 : i32
    scf.if %cond3A_73 {
      %dma_start3A_136 = arith.constant 0 : i32
      %dma_start3A_137 = tpu.memref_slice %arg3[%dma_start3A_136, %mul3A_68] : memref<2x320000xi32, #tpu.memory_space<hbm>> -> memref<1x128xi32, #tpu.memory_space<hbm>>
      %dma_start3A_138 = tpu.memref_squeeze %dma_start3A_137 : memref<1x128xi32, #tpu.memory_space<hbm>> -> memref<128xi32, #tpu.memory_space<hbm>>
      %dma_start3A_139 = tpu.memref_slice %arg3[%dma_start3A_136, %mul3A_68] : memref<2x320000xi32, #tpu.memory_space<hbm>> -> memref<1x128xi32, #tpu.memory_space<hbm>>
      %dma_start3A_140 = tpu.memref_squeeze %dma_start3A_139 : memref<1x128xi32, #tpu.memory_space<hbm>> -> memref<128xi32, #tpu.memory_space<hbm>>
      tpu.enqueue_dma source(%dma_start3A_140 : memref<128xi32, #tpu.memory_space<hbm>>) target(%arg16 : memref<128xi32, #tpu.memory_space<vmem>>) target_semaphore(%arg22 : memref<!tpu.dma_semaphore, #tpu.memory_space<semaphore_mem>>)
    } else {
    }
    %le3A_74 = arith.constant 2 : i32
    %le3A_75 = arith.cmpi sle, %add3A_7, %le3A_74 : i32
    %convert_element_type3A_76 = arith.extui %le3A_75 : i1 to i32
    %cond3A_77 = arith.constant 0 : i32
    %cond3A_78 = arith.cmpi ne, %convert_element_type3A_76, %cond3A_77 : i32
    scf.if %cond3A_78 {
      tpu.enqueue_dma source(%arg4 : memref<128xi32, #tpu.memory_space<hbm>>) target(%arg16 : memref<128xi32, #tpu.memory_space<vmem>>) target_semaphore(%arg22 : memref<!tpu.dma_semaphore, #tpu.memory_space<semaphore_mem>>)
    } else {
    }
    %add3A_79 = arith.constant 2 : i32
    %add3A_80 = arith.addi %add3A_4, %add3A_79 : i32
    %mul3A_81 = arith.constant 128 : i32
    %mul3A_82 = arith.muli %add3A_80, %mul3A_81 : i32
    %gt3A_83 = arith.constant 2 : i32
    %gt3A_84 = arith.cmpi sgt, %add3A_7, %gt3A_83 : i32
    %convert_element_type3A_85 = arith.extui %gt3A_84 : i1 to i32
    %cond3A_86 = arith.constant 0 : i32
    %cond3A_87 = arith.cmpi ne, %convert_element_type3A_85, %cond3A_86 : i32
    scf.if %cond3A_87 {
      %dma_start3A_136 = arith.constant 1 : i32
      %dma_start3A_137 = tpu.memref_slice %arg3[%dma_start3A_136, %mul3A_82] : memref<2x320000xi32, #tpu.memory_space<hbm>> -> memref<1x128xi32, #tpu.memory_space<hbm>>
      %dma_start3A_138 = tpu.memref_squeeze %dma_start3A_137 : memref<1x128xi32, #tpu.memory_space<hbm>> -> memref<128xi32, #tpu.memory_space<hbm>>
      %dma_start3A_139 = tpu.memref_slice %arg3[%dma_start3A_136, %mul3A_82] : memref<2x320000xi32, #tpu.memory_space<hbm>> -> memref<1x128xi32, #tpu.memory_space<hbm>>
      %dma_start3A_140 = tpu.memref_squeeze %dma_start3A_139 : memref<1x128xi32, #tpu.memory_space<hbm>> -> memref<128xi32, #tpu.memory_space<hbm>>
      tpu.enqueue_dma source(%dma_start3A_140 : memref<128xi32, #tpu.memory_space<hbm>>) target(%arg12 : memref<128xi32, #tpu.memory_space<vmem>>) target_semaphore(%arg26 : memref<!tpu.dma_semaphore, #tpu.memory_space<semaphore_mem>>)
    } else {
    }
    %le3A_88 = arith.constant 2 : i32
    %le3A_89 = arith.cmpi sle, %add3A_7, %le3A_88 : i32
    %convert_element_type3A_90 = arith.extui %le3A_89 : i1 to i32
    %cond3A_91 = arith.constant 0 : i32
    %cond3A_92 = arith.cmpi ne, %convert_element_type3A_90, %cond3A_91 : i32
    scf.if %cond3A_92 {
      tpu.enqueue_dma source(%arg5 : memref<128xi32, #tpu.memory_space<hbm>>) target(%arg12 : memref<128xi32, #tpu.memory_space<vmem>>) target_semaphore(%arg26 : memref<!tpu.dma_semaphore, #tpu.memory_space<semaphore_mem>>)
    } else {
    }
    %add3A_93 = arith.constant 3 : i32
    %add3A_94 = arith.addi %add3A_4, %add3A_93 : i32
    %mul3A_95 = arith.constant 128 : i32
    %mul3A_96 = arith.muli %add3A_94, %mul3A_95 : i32
    %gt3A_97 = arith.constant 3 : i32
    %gt3A_98 = arith.cmpi sgt, %add3A_7, %gt3A_97 : i32
    %convert_element_type3A_99 = arith.extui %gt3A_98 : i1 to i32
    %cond3A_100 = arith.constant 0 : i32
    %cond3A_101 = arith.cmpi ne, %convert_element_type3A_99, %cond3A_100 : i32
    scf.if %cond3A_101 {
      %dma_start3A_136 = arith.constant 0 : i32
      %dma_start3A_137 = tpu.memref_slice %arg3[%dma_start3A_136, %mul3A_96] : memref<2x320000xi32, #tpu.memory_space<hbm>> -> memref<1x128xi32, #tpu.memory_space<hbm>>
      %dma_start3A_138 = tpu.memref_squeeze %dma_start3A_137 : memref<1x128xi32, #tpu.memory_space<hbm>> -> memref<128xi32, #tpu.memory_space<hbm>>
      %dma_start3A_139 = tpu.memref_slice %arg3[%dma_start3A_136, %mul3A_96] : memref<2x320000xi32, #tpu.memory_space<hbm>> -> memref<1x128xi32, #tpu.memory_space<hbm>>
      %dma_start3A_140 = tpu.memref_squeeze %dma_start3A_139 : memref<1x128xi32, #tpu.memory_space<hbm>> -> memref<128xi32, #tpu.memory_space<hbm>>
      tpu.enqueue_dma source(%dma_start3A_140 : memref<128xi32, #tpu.memory_space<hbm>>) target(%arg17 : memref<128xi32, #tpu.memory_space<vmem>>) target_semaphore(%arg23 : memref<!tpu.dma_semaphore, #tpu.memory_space<semaphore_mem>>)
    } else {
    }
    %le3A_102 = arith.constant 3 : i32
    %le3A_103 = arith.cmpi sle, %add3A_7, %le3A_102 : i32
    %convert_element_type3A_104 = arith.extui %le3A_103 : i1 to i32
    %cond3A_105 = arith.constant 0 : i32
    %cond3A_106 = arith.cmpi ne, %convert_element_type3A_104, %cond3A_105 : i32
    scf.if %cond3A_106 {
      tpu.enqueue_dma source(%arg4 : memref<128xi32, #tpu.memory_space<hbm>>) target(%arg17 : memref<128xi32, #tpu.memory_space<vmem>>) target_semaphore(%arg23 : memref<!tpu.dma_semaphore, #tpu.memory_space<semaphore_mem>>)
    } else {
    }
    %add3A_107 = arith.constant 3 : i32
    %add3A_108 = arith.addi %add3A_4, %add3A_107 : i32
    %mul3A_109 = arith.constant 128 : i32
    %mul3A_110 = arith.muli %add3A_108, %mul3A_109 : i32
    %gt3A_111 = arith.constant 3 : i32
    %gt3A_112 = arith.cmpi sgt, %add3A_7, %gt3A_111 : i32
    %convert_element_type3A_113 = arith.extui %gt3A_112 : i1 to i32
    %cond3A_114 = arith.constant 0 : i32
    %cond3A_115 = arith.cmpi ne, %convert_element_type3A_113, %cond3A_114 : i32
    scf.if %cond3A_115 {
      %dma_start3A_136 = arith.constant 1 : i32
      %dma_start3A_137 = tpu.memref_slice %arg3[%dma_start3A_136, %mul3A_110] : memref<2x320000xi32, #tpu.memory_space<hbm>> -> memref<1x128xi32, #tpu.memory_space<hbm>>
      %dma_start3A_138 = tpu.memref_squeeze %dma_start3A_137 : memref<1x128xi32, #tpu.memory_space<hbm>> -> memref<128xi32, #tpu.memory_space<hbm>>
      %dma_start3A_139 = tpu.memref_slice %arg3[%dma_start3A_136, %mul3A_110] : memref<2x320000xi32, #tpu.memory_space<hbm>> -> memref<1x128xi32, #tpu.memory_space<hbm>>
      %dma_start3A_140 = tpu.memref_squeeze %dma_start3A_139 : memref<1x128xi32, #tpu.memory_space<hbm>> -> memref<128xi32, #tpu.memory_space<hbm>>
      tpu.enqueue_dma source(%dma_start3A_140 : memref<128xi32, #tpu.memory_space<hbm>>) target(%arg13 : memref<128xi32, #tpu.memory_space<vmem>>) target_semaphore(%arg27 : memref<!tpu.dma_semaphore, #tpu.memory_space<semaphore_mem>>)
    } else {
    }
    %le3A_116 = arith.constant 3 : i32
    %le3A_117 = arith.cmpi sle, %add3A_7, %le3A_116 : i32
    %convert_element_type3A_118 = arith.extui %le3A_117 : i1 to i32
    %cond3A_119 = arith.constant 0 : i32
    %cond3A_120 = arith.cmpi ne, %convert_element_type3A_118, %cond3A_119 : i32
    scf.if %cond3A_120 {
      tpu.enqueue_dma source(%arg5 : memref<128xi32, #tpu.memory_space<hbm>>) target(%arg13 : memref<128xi32, #tpu.memory_space<vmem>>) target_semaphore(%arg27 : memref<!tpu.dma_semaphore, #tpu.memory_space<semaphore_mem>>)
    } else {
    }
    tpu.wait_dma2 semaphore(%arg20 : memref<!tpu.dma_semaphore, #tpu.memory_space<semaphore_mem>>) src(%arg4 : memref<128xi32, #tpu.memory_space<hbm>>) dst(%arg14 : memref<128xi32, #tpu.memory_space<vmem>>)
    %dma_start3A = arith.constant 0 : i32
    %dma_start3A_121 = arith.constant 0 : i32
    %dma_start3A_122 = tpu.memref_slice %arg2[%dma_start3A, %dma_start3A_121] : memref<10000x128xf32, #tpu.memory_space<hbm>> -> memref<10000x128xf32, #tpu.memory_space<hbm>>
    tpu.enqueue_indirect_dma source(%dma_start3A_122 : memref<10000x128xf32, #tpu.memory_space<hbm>>) target(%arg8 : memref<128x128xf32, #tpu.memory_space<vmem>>) offsets(%arg14 : memref<128xi32, #tpu.memory_space<vmem>>) semaphore(%arg18 : memref<!tpu.dma_semaphore, #tpu.memory_space<semaphore_mem>>)
    tpu.wait_dma2 semaphore(%arg21 : memref<!tpu.dma_semaphore, #tpu.memory_space<semaphore_mem>>) src(%arg4 : memref<128xi32, #tpu.memory_space<hbm>>) dst(%arg15 : memref<128xi32, #tpu.memory_space<vmem>>)
    %dma_start3A_123 = arith.constant 0 : i32
    %dma_start3A_124 = arith.constant 0 : i32
    %dma_start3A_125 = tpu.memref_slice %arg2[%dma_start3A_123, %dma_start3A_124] : memref<10000x128xf32, #tpu.memory_space<hbm>> -> memref<10000x128xf32, #tpu.memory_space<hbm>>
    tpu.enqueue_indirect_dma source(%dma_start3A_125 : memref<10000x128xf32, #tpu.memory_space<hbm>>) target(%arg9 : memref<128x128xf32, #tpu.memory_space<vmem>>) offsets(%arg15 : memref<128xi32, #tpu.memory_space<vmem>>) semaphore(%arg19 : memref<!tpu.dma_semaphore, #tpu.memory_space<semaphore_mem>>)
    %scan3A_126 = arith.constant 0 : i32
    %scan3A_127 = arith.constant 20 : i32
    %scan3A_128 = arith.addi %scan3A_126, %scan3A_127 : i32
    %scan3A_129 = arith.constant 1 : i32
    scf.for %scan3A_136 = %scan3A_126 to %scan3A_128 step %scan3A_129  : i32 {
      %mul3A_137 = arith.constant 4 : i32
      %mul3A_138 = arith.muli %scan3A_136, %mul3A_137 : i32
      %add3A_139 = arith.constant 0 : i32
      %add3A_140 = arith.addi %add3A_139, %mul3A_138 : i32
      %add3A_141 = arith.constant 0 : i32
      %add3A_142 = arith.addi %add3A_140, %add3A_141 : i32
      %dma_wait3A = arith.constant 0 : i32
      %dma_wait3A_143 = arith.constant 0 : i32
      %dma_wait3A_144 = tpu.memref_slice %arg2[%dma_wait3A, %dma_wait3A_143] : memref<10000x128xf32, #tpu.memory_space<hbm>> -> memref<10000x128xf32, #tpu.memory_space<hbm>>
      tpu.wait_indirect_dma semaphore(%arg18 : memref<!tpu.dma_semaphore, #tpu.memory_space<semaphore_mem>>) src(%dma_wait3A_144 : memref<10000x128xf32, #tpu.memory_space<hbm>>) dst(%arg8 : memref<128x128xf32, #tpu.memory_space<vmem>>)
      tpu.wait_dma2 semaphore(%arg24 : memref<!tpu.dma_semaphore, #tpu.memory_space<semaphore_mem>>) src(%arg5 : memref<128xi32, #tpu.memory_space<hbm>>) dst(%arg10 : memref<128xi32, #tpu.memory_space<vmem>>)
      "tpu.region"() ({
        %run_scoped3A = tpu.sem_alloc : memref<!tpu.dma_semaphore, #tpu.memory_space<semaphore_mem>>
        %dma_start3A_216 = arith.constant 0 : i32
        %dma_start3A_217 = arith.constant 0 : i32
        %dma_start3A_218 = tpu.memref_slice %arg28[%dma_start3A_216, %dma_start3A_217] : memref<10240x128xf32, #tpu.memory_space<vmem_shared>> -> memref<10240x128xf32, #tpu.memory_space<vmem_shared>>
        tpu.enqueue_indirect_dma source(%arg8 : memref<128x128xf32, #tpu.memory_space<vmem>>) target(%dma_start3A_218 : memref<10240x128xf32, #tpu.memory_space<vmem_shared>>) offsets(%arg10 : memref<128xi32, #tpu.memory_space<vmem>>) semaphore(%run_scoped3A : memref<!tpu.dma_semaphore, #tpu.memory_space<semaphore_mem>>) {add = true}
        %dma_wait3A_219 = arith.constant 0 : i32
        %dma_wait3A_220 = arith.constant 0 : i32
        %dma_wait3A_221 = tpu.memref_slice %arg28[%dma_wait3A_219, %dma_wait3A_220] : memref<10240x128xf32, #tpu.memory_space<vmem_shared>> -> memref<10240x128xf32, #tpu.memory_space<vmem_shared>>
        tpu.wait_indirect_dma semaphore(%run_scoped3A : memref<!tpu.dma_semaphore, #tpu.memory_space<semaphore_mem>>) src(%arg8 : memref<128x128xf32, #tpu.memory_space<vmem>>) dst(%dma_wait3A_221 : memref<10240x128xf32, #tpu.memory_space<vmem_shared>>)
        tpu.yield
      }) : () -> ()
      %add3A_145 = arith.constant 4 : i32
      %add3A_146 = arith.addi %add3A_142, %add3A_145 : i32
      %lt3A_147 = arith.constant 80 : i32
      %lt3A_148 = arith.cmpi slt, %add3A_146, %lt3A_147 : i32
      %convert_element_type3A_149 = arith.extui %lt3A_148 : i1 to i32
      %cond3A_150 = arith.constant 0 : i32
      %cond3A_151 = arith.cmpi ne, %convert_element_type3A_149, %cond3A_150 : i32
      scf.if %cond3A_151 {
        %add3A_216 = arith.constant 4 : i32
        %add3A_217 = arith.addi %add3A_142, %add3A_216 : i32
        %add3A_218 = arith.addi %add3A_4, %add3A_217 : i32
        %mul3A_219 = arith.constant 128 : i32
        %mul3A_220 = arith.muli %add3A_218, %mul3A_219 : i32
        %lt3A_221 = arith.cmpi slt, %add3A_217, %add3A_7 : i32
        %convert_element_type3A_222 = arith.extui %lt3A_221 : i1 to i32
        %cond3A_223 = arith.constant 0 : i32
        %cond3A_224 = arith.cmpi ne, %convert_element_type3A_222, %cond3A_223 : i32
        scf.if %cond3A_224 {
          %dma_start3A_241 = arith.constant 0 : i32
          %dma_start3A_242 = tpu.memref_slice %arg3[%dma_start3A_241, %mul3A_220] : memref<2x320000xi32, #tpu.memory_space<hbm>> -> memref<1x128xi32, #tpu.memory_space<hbm>>
          %dma_start3A_243 = tpu.memref_squeeze %dma_start3A_242 : memref<1x128xi32, #tpu.memory_space<hbm>> -> memref<128xi32, #tpu.memory_space<hbm>>
          %dma_start3A_244 = tpu.memref_slice %arg3[%dma_start3A_241, %mul3A_220] : memref<2x320000xi32, #tpu.memory_space<hbm>> -> memref<1x128xi32, #tpu.memory_space<hbm>>
          %dma_start3A_245 = tpu.memref_squeeze %dma_start3A_244 : memref<1x128xi32, #tpu.memory_space<hbm>> -> memref<128xi32, #tpu.memory_space<hbm>>
          tpu.enqueue_dma source(%dma_start3A_245 : memref<128xi32, #tpu.memory_space<hbm>>) target(%arg14 : memref<128xi32, #tpu.memory_space<vmem>>) target_semaphore(%arg20 : memref<!tpu.dma_semaphore, #tpu.memory_space<semaphore_mem>>)
        } else {
        }
        %ge3A = arith.cmpi sge, %add3A_217, %add3A_7 : i32
        %convert_element_type3A_225 = arith.extui %ge3A : i1 to i32
        %cond3A_226 = arith.constant 0 : i32
        %cond3A_227 = arith.cmpi ne, %convert_element_type3A_225, %cond3A_226 : i32
        scf.if %cond3A_227 {
          tpu.enqueue_dma source(%arg4 : memref<128xi32, #tpu.memory_space<hbm>>) target(%arg14 : memref<128xi32, #tpu.memory_space<vmem>>) target_semaphore(%arg20 : memref<!tpu.dma_semaphore, #tpu.memory_space<semaphore_mem>>)
        } else {
        }
        %add3A_228 = arith.constant 4 : i32
        %add3A_229 = arith.addi %add3A_142, %add3A_228 : i32
        %add3A_230 = arith.addi %add3A_4, %add3A_229 : i32
        %mul3A_231 = arith.constant 128 : i32
        %mul3A_232 = arith.muli %add3A_230, %mul3A_231 : i32
        %lt3A_233 = arith.cmpi slt, %add3A_229, %add3A_7 : i32
        %convert_element_type3A_234 = arith.extui %lt3A_233 : i1 to i32
        %cond3A_235 = arith.constant 0 : i32
        %cond3A_236 = arith.cmpi ne, %convert_element_type3A_234, %cond3A_235 : i32
        scf.if %cond3A_236 {
          %dma_start3A_241 = arith.constant 1 : i32
          %dma_start3A_242 = tpu.memref_slice %arg3[%dma_start3A_241, %mul3A_232] : memref<2x320000xi32, #tpu.memory_space<hbm>> -> memref<1x128xi32, #tpu.memory_space<hbm>>
          %dma_start3A_243 = tpu.memref_squeeze %dma_start3A_242 : memref<1x128xi32, #tpu.memory_space<hbm>> -> memref<128xi32, #tpu.memory_space<hbm>>
          %dma_start3A_244 = tpu.memref_slice %arg3[%dma_start3A_241, %mul3A_232] : memref<2x320000xi32, #tpu.memory_space<hbm>> -> memref<1x128xi32, #tpu.memory_space<hbm>>
          %dma_start3A_245 = tpu.memref_squeeze %dma_start3A_244 : memref<1x128xi32, #tpu.memory_space<hbm>> -> memref<128xi32, #tpu.memory_space<hbm>>
          tpu.enqueue_dma source(%dma_start3A_245 : memref<128xi32, #tpu.memory_space<hbm>>) target(%arg10 : memref<128xi32, #tpu.memory_space<vmem>>) target_semaphore(%arg24 : memref<!tpu.dma_semaphore, #tpu.memory_space<semaphore_mem>>)
        } else {
        }
        %ge3A_237 = arith.cmpi sge, %add3A_229, %add3A_7 : i32
        %convert_element_type3A_238 = arith.extui %ge3A_237 : i1 to i32
        %cond3A_239 = arith.constant 0 : i32
        %cond3A_240 = arith.cmpi ne, %convert_element_type3A_238, %cond3A_239 : i32
        scf.if %cond3A_240 {
          tpu.enqueue_dma source(%arg5 : memref<128xi32, #tpu.memory_space<hbm>>) target(%arg10 : memref<128xi32, #tpu.memory_space<vmem>>) target_semaphore(%arg24 : memref<!tpu.dma_semaphore, #tpu.memory_space<semaphore_mem>>)
        } else {
        }
      } else {
      }
      %add3A_152 = arith.constant 2 : i32
      %add3A_153 = arith.addi %add3A_142, %add3A_152 : i32
      %lt3A_154 = arith.constant 80 : i32
      %lt3A_155 = arith.cmpi slt, %add3A_153, %lt3A_154 : i32
      %convert_element_type3A_156 = arith.extui %lt3A_155 : i1 to i32
      %cond3A_157 = arith.constant 0 : i32
      %cond3A_158 = arith.cmpi ne, %convert_element_type3A_156, %cond3A_157 : i32
      scf.if %cond3A_158 {
        tpu.wait_dma2 semaphore(%arg22 : memref<!tpu.dma_semaphore, #tpu.memory_space<semaphore_mem>>) src(%arg4 : memref<128xi32, #tpu.memory_space<hbm>>) dst(%arg16 : memref<128xi32, #tpu.memory_space<vmem>>)
        %dma_start3A_216 = arith.constant 0 : i32
        %dma_start3A_217 = arith.constant 0 : i32
        %dma_start3A_218 = tpu.memref_slice %arg2[%dma_start3A_216, %dma_start3A_217] : memref<10000x128xf32, #tpu.memory_space<hbm>> -> memref<10000x128xf32, #tpu.memory_space<hbm>>
        tpu.enqueue_indirect_dma source(%dma_start3A_218 : memref<10000x128xf32, #tpu.memory_space<hbm>>) target(%arg8 : memref<128x128xf32, #tpu.memory_space<vmem>>) offsets(%arg16 : memref<128xi32, #tpu.memory_space<vmem>>) semaphore(%arg18 : memref<!tpu.dma_semaphore, #tpu.memory_space<semaphore_mem>>)
      } else {
      }
      %add3A_159 = arith.constant 1 : i32
      %add3A_160 = arith.addi %add3A_140, %add3A_159 : i32
      %dma_wait3A_161 = arith.constant 0 : i32
      %dma_wait3A_162 = arith.constant 0 : i32
      %dma_wait3A_163 = tpu.memref_slice %arg2[%dma_wait3A_161, %dma_wait3A_162] : memref<10000x128xf32, #tpu.memory_space<hbm>> -> memref<10000x128xf32, #tpu.memory_space<hbm>>
      tpu.wait_indirect_dma semaphore(%arg19 : memref<!tpu.dma_semaphore, #tpu.memory_space<semaphore_mem>>) src(%dma_wait3A_163 : memref<10000x128xf32, #tpu.memory_space<hbm>>) dst(%arg9 : memref<128x128xf32, #tpu.memory_space<vmem>>)
      tpu.wait_dma2 semaphore(%arg25 : memref<!tpu.dma_semaphore, #tpu.memory_space<semaphore_mem>>) src(%arg5 : memref<128xi32, #tpu.memory_space<hbm>>) dst(%arg11 : memref<128xi32, #tpu.memory_space<vmem>>)
      "tpu.region"() ({
        %run_scoped3A = tpu.sem_alloc : memref<!tpu.dma_semaphore, #tpu.memory_space<semaphore_mem>>
        %dma_start3A_216 = arith.constant 0 : i32
        %dma_start3A_217 = arith.constant 0 : i32
        %dma_start3A_218 = tpu.memref_slice %arg28[%dma_start3A_216, %dma_start3A_217] : memref<10240x128xf32, #tpu.memory_space<vmem_shared>> -> memref<10240x128xf32, #tpu.memory_space<vmem_shared>>
        tpu.enqueue_indirect_dma source(%arg9 : memref<128x128xf32, #tpu.memory_space<vmem>>) target(%dma_start3A_218 : memref<10240x128xf32, #tpu.memory_space<vmem_shared>>) offsets(%arg11 : memref<128xi32, #tpu.memory_space<vmem>>) semaphore(%run_scoped3A : memref<!tpu.dma_semaphore, #tpu.memory_space<semaphore_mem>>) {add = true}
        %dma_wait3A_219 = arith.constant 0 : i32
        %dma_wait3A_220 = arith.constant 0 : i32
        %dma_wait3A_221 = tpu.memref_slice %arg28[%dma_wait3A_219, %dma_wait3A_220] : memref<10240x128xf32, #tpu.memory_space<vmem_shared>> -> memref<10240x128xf32, #tpu.memory_space<vmem_shared>>
        tpu.wait_indirect_dma semaphore(%run_scoped3A : memref<!tpu.dma_semaphore, #tpu.memory_space<semaphore_mem>>) src(%arg9 : memref<128x128xf32, #tpu.memory_space<vmem>>) dst(%dma_wait3A_221 : memref<10240x128xf32, #tpu.memory_space<vmem_shared>>)
        tpu.yield
      }) : () -> ()
      %add3A_164 = arith.constant 4 : i32
      %add3A_165 = arith.addi %add3A_160, %add3A_164 : i32
      %lt3A_166 = arith.constant 80 : i32
      %lt3A_167 = arith.cmpi slt, %add3A_165, %lt3A_166 : i32
      %convert_element_type3A_168 = arith.extui %lt3A_167 : i1 to i32
      %cond3A_169 = arith.constant 0 : i32
      %cond3A_170 = arith.cmpi ne, %convert_element_type3A_168, %cond3A_169 : i32
      scf.if %cond3A_170 {
        %add3A_216 = arith.constant 4 : i32
        %add3A_217 = arith.addi %add3A_160, %add3A_216 : i32
        %add3A_218 = arith.addi %add3A_4, %add3A_217 : i32
        %mul3A_219 = arith.constant 128 : i32
        %mul3A_220 = arith.muli %add3A_218, %mul3A_219 : i32
        %lt3A_221 = arith.cmpi slt, %add3A_217, %add3A_7 : i32
        %convert_element_type3A_222 = arith.extui %lt3A_221 : i1 to i32
        %cond3A_223 = arith.constant 0 : i32
        %cond3A_224 = arith.cmpi ne, %convert_element_type3A_222, %cond3A_223 : i32
        scf.if %cond3A_224 {
          %dma_start3A_241 = arith.constant 0 : i32
          %dma_start3A_242 = tpu.memref_slice %arg3[%dma_start3A_241, %mul3A_220] : memref<2x320000xi32, #tpu.memory_space<hbm>> -> memref<1x128xi32, #tpu.memory_space<hbm>>
          %dma_start3A_243 = tpu.memref_squeeze %dma_start3A_242 : memref<1x128xi32, #tpu.memory_space<hbm>> -> memref<128xi32, #tpu.memory_space<hbm>>
          %dma_start3A_244 = tpu.memref_slice %arg3[%dma_start3A_241, %mul3A_220] : memref<2x320000xi32, #tpu.memory_space<hbm>> -> memref<1x128xi32, #tpu.memory_space<hbm>>
          %dma_start3A_245 = tpu.memref_squeeze %dma_start3A_244 : memref<1x128xi32, #tpu.memory_space<hbm>> -> memref<128xi32, #tpu.memory_space<hbm>>
          tpu.enqueue_dma source(%dma_start3A_245 : memref<128xi32, #tpu.memory_space<hbm>>) target(%arg15 : memref<128xi32, #tpu.memory_space<vmem>>) target_semaphore(%arg21 : memref<!tpu.dma_semaphore, #tpu.memory_space<semaphore_mem>>)
        } else {
        }
        %ge3A = arith.cmpi sge, %add3A_217, %add3A_7 : i32
        %convert_element_type3A_225 = arith.extui %ge3A : i1 to i32
        %cond3A_226 = arith.constant 0 : i32
        %cond3A_227 = arith.cmpi ne, %convert_element_type3A_225, %cond3A_226 : i32
        scf.if %cond3A_227 {
          tpu.enqueue_dma source(%arg4 : memref<128xi32, #tpu.memory_space<hbm>>) target(%arg15 : memref<128xi32, #tpu.memory_space<vmem>>) target_semaphore(%arg21 : memref<!tpu.dma_semaphore, #tpu.memory_space<semaphore_mem>>)
        } else {
        }
        %add3A_228 = arith.constant 4 : i32
        %add3A_229 = arith.addi %add3A_160, %add3A_228 : i32
        %add3A_230 = arith.addi %add3A_4, %add3A_229 : i32
        %mul3A_231 = arith.constant 128 : i32
        %mul3A_232 = arith.muli %add3A_230, %mul3A_231 : i32
        %lt3A_233 = arith.cmpi slt, %add3A_229, %add3A_7 : i32
        %convert_element_type3A_234 = arith.extui %lt3A_233 : i1 to i32
        %cond3A_235 = arith.constant 0 : i32
        %cond3A_236 = arith.cmpi ne, %convert_element_type3A_234, %cond3A_235 : i32
        scf.if %cond3A_236 {
          %dma_start3A_241 = arith.constant 1 : i32
          %dma_start3A_242 = tpu.memref_slice %arg3[%dma_start3A_241, %mul3A_232] : memref<2x320000xi32, #tpu.memory_space<hbm>> -> memref<1x128xi32, #tpu.memory_space<hbm>>
          %dma_start3A_243 = tpu.memref_squeeze %dma_start3A_242 : memref<1x128xi32, #tpu.memory_space<hbm>> -> memref<128xi32, #tpu.memory_space<hbm>>
          %dma_start3A_244 = tpu.memref_slice %arg3[%dma_start3A_241, %mul3A_232] : memref<2x320000xi32, #tpu.memory_space<hbm>> -> memref<1x128xi32, #tpu.memory_space<hbm>>
          %dma_start3A_245 = tpu.memref_squeeze %dma_start3A_244 : memref<1x128xi32, #tpu.memory_space<hbm>> -> memref<128xi32, #tpu.memory_space<hbm>>
          tpu.enqueue_dma source(%dma_start3A_245 : memref<128xi32, #tpu.memory_space<hbm>>) target(%arg11 : memref<128xi32, #tpu.memory_space<vmem>>) target_semaphore(%arg25 : memref<!tpu.dma_semaphore, #tpu.memory_space<semaphore_mem>>)
        } else {
        }
        %ge3A_237 = arith.cmpi sge, %add3A_229, %add3A_7 : i32
        %convert_element_type3A_238 = arith.extui %ge3A_237 : i1 to i32
        %cond3A_239 = arith.constant 0 : i32
        %cond3A_240 = arith.cmpi ne, %convert_element_type3A_238, %cond3A_239 : i32
        scf.if %cond3A_240 {
          tpu.enqueue_dma source(%arg5 : memref<128xi32, #tpu.memory_space<hbm>>) target(%arg11 : memref<128xi32, #tpu.memory_space<vmem>>) target_semaphore(%arg25 : memref<!tpu.dma_semaphore, #tpu.memory_space<semaphore_mem>>)
        } else {
        }
      } else {
      }
      %add3A_171 = arith.constant 2 : i32
      %add3A_172 = arith.addi %add3A_160, %add3A_171 : i32
      %lt3A_173 = arith.constant 80 : i32
      %lt3A_174 = arith.cmpi slt, %add3A_172, %lt3A_173 : i32
      %convert_element_type3A_175 = arith.extui %lt3A_174 : i1 to i32
      %cond3A_176 = arith.constant 0 : i32
      %cond3A_177 = arith.cmpi ne, %convert_element_type3A_175, %cond3A_176 : i32
      scf.if %cond3A_177 {
        tpu.wait_dma2 semaphore(%arg23 : memref<!tpu.dma_semaphore, #tpu.memory_space<semaphore_mem>>) src(%arg4 : memref<128xi32, #tpu.memory_space<hbm>>) dst(%arg17 : memref<128xi32, #tpu.memory_space<vmem>>)
        %dma_start3A_216 = arith.constant 0 : i32
        %dma_start3A_217 = arith.constant 0 : i32
        %dma_start3A_218 = tpu.memref_slice %arg2[%dma_start3A_216, %dma_start3A_217] : memref<10000x128xf32, #tpu.memory_space<hbm>> -> memref<10000x128xf32, #tpu.memory_space<hbm>>
        tpu.enqueue_indirect_dma source(%dma_start3A_218 : memref<10000x128xf32, #tpu.memory_space<hbm>>) target(%arg9 : memref<128x128xf32, #tpu.memory_space<vmem>>) offsets(%arg17 : memref<128xi32, #tpu.memory_space<vmem>>) semaphore(%arg19 : memref<!tpu.dma_semaphore, #tpu.memory_space<semaphore_mem>>)
      } else {
      }
      %add3A_178 = arith.constant 2 : i32
      %add3A_179 = arith.addi %add3A_140, %add3A_178 : i32
      %dma_wait3A_180 = arith.constant 0 : i32
      %dma_wait3A_181 = arith.constant 0 : i32
      %dma_wait3A_182 = tpu.memref_slice %arg2[%dma_wait3A_180, %dma_wait3A_181] : memref<10000x128xf32, #tpu.memory_space<hbm>> -> memref<10000x128xf32, #tpu.memory_space<hbm>>
      tpu.wait_indirect_dma semaphore(%arg18 : memref<!tpu.dma_semaphore, #tpu.memory_space<semaphore_mem>>) src(%dma_wait3A_182 : memref<10000x128xf32, #tpu.memory_space<hbm>>) dst(%arg8 : memref<128x128xf32, #tpu.memory_space<vmem>>)
      tpu.wait_dma2 semaphore(%arg26 : memref<!tpu.dma_semaphore, #tpu.memory_space<semaphore_mem>>) src(%arg5 : memref<128xi32, #tpu.memory_space<hbm>>) dst(%arg12 : memref<128xi32, #tpu.memory_space<vmem>>)
      "tpu.region"() ({
        %run_scoped3A = tpu.sem_alloc : memref<!tpu.dma_semaphore, #tpu.memory_space<semaphore_mem>>
        %dma_start3A_216 = arith.constant 0 : i32
        %dma_start3A_217 = arith.constant 0 : i32
        %dma_start3A_218 = tpu.memref_slice %arg28[%dma_start3A_216, %dma_start3A_217] : memref<10240x128xf32, #tpu.memory_space<vmem_shared>> -> memref<10240x128xf32, #tpu.memory_space<vmem_shared>>
        tpu.enqueue_indirect_dma source(%arg8 : memref<128x128xf32, #tpu.memory_space<vmem>>) target(%dma_start3A_218 : memref<10240x128xf32, #tpu.memory_space<vmem_shared>>) offsets(%arg12 : memref<128xi32, #tpu.memory_space<vmem>>) semaphore(%run_scoped3A : memref<!tpu.dma_semaphore, #tpu.memory_space<semaphore_mem>>) {add = true}
        %dma_wait3A_219 = arith.constant 0 : i32
        %dma_wait3A_220 = arith.constant 0 : i32
        %dma_wait3A_221 = tpu.memref_slice %arg28[%dma_wait3A_219, %dma_wait3A_220] : memref<10240x128xf32, #tpu.memory_space<vmem_shared>> -> memref<10240x128xf32, #tpu.memory_space<vmem_shared>>
        tpu.wait_indirect_dma semaphore(%run_scoped3A : memref<!tpu.dma_semaphore, #tpu.memory_space<semaphore_mem>>) src(%arg8 : memref<128x128xf32, #tpu.memory_space<vmem>>) dst(%dma_wait3A_221 : memref<10240x128xf32, #tpu.memory_space<vmem_shared>>)
        tpu.yield
      }) : () -> ()
      %add3A_183 = arith.constant 4 : i32
      %add3A_184 = arith.addi %add3A_179, %add3A_183 : i32
      %lt3A_185 = arith.constant 80 : i32
      %lt3A_186 = arith.cmpi slt, %add3A_184, %lt3A_185 : i32
      %convert_element_type3A_187 = arith.extui %lt3A_186 : i1 to i32
      %cond3A_188 = arith.constant 0 : i32
      %cond3A_189 = arith.cmpi ne, %convert_element_type3A_187, %cond3A_188 : i32
      scf.if %cond3A_189 {
        %add3A_216 = arith.constant 4 : i32
        %add3A_217 = arith.addi %add3A_179, %add3A_216 : i32
        %add3A_218 = arith.addi %add3A_4, %add3A_217 : i32
        %mul3A_219 = arith.constant 128 : i32
        %mul3A_220 = arith.muli %add3A_218, %mul3A_219 : i32
        %lt3A_221 = arith.cmpi slt, %add3A_217, %add3A_7 : i32
        %convert_element_type3A_222 = arith.extui %lt3A_221 : i1 to i32
        %cond3A_223 = arith.constant 0 : i32
        %cond3A_224 = arith.cmpi ne, %convert_element_type3A_222, %cond3A_223 : i32
        scf.if %cond3A_224 {
          %dma_start3A_241 = arith.constant 0 : i32
          %dma_start3A_242 = tpu.memref_slice %arg3[%dma_start3A_241, %mul3A_220] : memref<2x320000xi32, #tpu.memory_space<hbm>> -> memref<1x128xi32, #tpu.memory_space<hbm>>
          %dma_start3A_243 = tpu.memref_squeeze %dma_start3A_242 : memref<1x128xi32, #tpu.memory_space<hbm>> -> memref<128xi32, #tpu.memory_space<hbm>>
          %dma_start3A_244 = tpu.memref_slice %arg3[%dma_start3A_241, %mul3A_220] : memref<2x320000xi32, #tpu.memory_space<hbm>> -> memref<1x128xi32, #tpu.memory_space<hbm>>
          %dma_start3A_245 = tpu.memref_squeeze %dma_start3A_244 : memref<1x128xi32, #tpu.memory_space<hbm>> -> memref<128xi32, #tpu.memory_space<hbm>>
          tpu.enqueue_dma source(%dma_start3A_245 : memref<128xi32, #tpu.memory_space<hbm>>) target(%arg16 : memref<128xi32, #tpu.memory_space<vmem>>) target_semaphore(%arg22 : memref<!tpu.dma_semaphore, #tpu.memory_space<semaphore_mem>>)
        } else {
        }
        %ge3A = arith.cmpi sge, %add3A_217, %add3A_7 : i32
        %convert_element_type3A_225 = arith.extui %ge3A : i1 to i32
        %cond3A_226 = arith.constant 0 : i32
        %cond3A_227 = arith.cmpi ne, %convert_element_type3A_225, %cond3A_226 : i32
        scf.if %cond3A_227 {
          tpu.enqueue_dma source(%arg4 : memref<128xi32, #tpu.memory_space<hbm>>) target(%arg16 : memref<128xi32, #tpu.memory_space<vmem>>) target_semaphore(%arg22 : memref<!tpu.dma_semaphore, #tpu.memory_space<semaphore_mem>>)
        } else {
        }
        %add3A_228 = arith.constant 4 : i32
        %add3A_229 = arith.addi %add3A_179, %add3A_228 : i32
        %add3A_230 = arith.addi %add3A_4, %add3A_229 : i32
        %mul3A_231 = arith.constant 128 : i32
        %mul3A_232 = arith.muli %add3A_230, %mul3A_231 : i32
        %lt3A_233 = arith.cmpi slt, %add3A_229, %add3A_7 : i32
        %convert_element_type3A_234 = arith.extui %lt3A_233 : i1 to i32
        %cond3A_235 = arith.constant 0 : i32
        %cond3A_236 = arith.cmpi ne, %convert_element_type3A_234, %cond3A_235 : i32
        scf.if %cond3A_236 {
          %dma_start3A_241 = arith.constant 1 : i32
          %dma_start3A_242 = tpu.memref_slice %arg3[%dma_start3A_241, %mul3A_232] : memref<2x320000xi32, #tpu.memory_space<hbm>> -> memref<1x128xi32, #tpu.memory_space<hbm>>
          %dma_start3A_243 = tpu.memref_squeeze %dma_start3A_242 : memref<1x128xi32, #tpu.memory_space<hbm>> -> memref<128xi32, #tpu.memory_space<hbm>>
          %dma_start3A_244 = tpu.memref_slice %arg3[%dma_start3A_241, %mul3A_232] : memref<2x320000xi32, #tpu.memory_space<hbm>> -> memref<1x128xi32, #tpu.memory_space<hbm>>
          %dma_start3A_245 = tpu.memref_squeeze %dma_start3A_244 : memref<1x128xi32, #tpu.memory_space<hbm>> -> memref<128xi32, #tpu.memory_space<hbm>>
          tpu.enqueue_dma source(%dma_start3A_245 : memref<128xi32, #tpu.memory_space<hbm>>) target(%arg12 : memref<128xi32, #tpu.memory_space<vmem>>) target_semaphore(%arg26 : memref<!tpu.dma_semaphore, #tpu.memory_space<semaphore_mem>>)
        } else {
        }
        %ge3A_237 = arith.cmpi sge, %add3A_229, %add3A_7 : i32
        %convert_element_type3A_238 = arith.extui %ge3A_237 : i1 to i32
        %cond3A_239 = arith.constant 0 : i32
        %cond3A_240 = arith.cmpi ne, %convert_element_type3A_238, %cond3A_239 : i32
        scf.if %cond3A_240 {
          tpu.enqueue_dma source(%arg5 : memref<128xi32, #tpu.memory_space<hbm>>) target(%arg12 : memref<128xi32, #tpu.memory_space<vmem>>) target_semaphore(%arg26 : memref<!tpu.dma_semaphore, #tpu.memory_space<semaphore_mem>>)
        } else {
        }
      } else {
      }
      %add3A_190 = arith.constant 2 : i32
      %add3A_191 = arith.addi %add3A_179, %add3A_190 : i32
      %lt3A_192 = arith.constant 80 : i32
      %lt3A_193 = arith.cmpi slt, %add3A_191, %lt3A_192 : i32
      %convert_element_type3A_194 = arith.extui %lt3A_193 : i1 to i32
      %cond3A_195 = arith.constant 0 : i32
      %cond3A_196 = arith.cmpi ne, %convert_element_type3A_194, %cond3A_195 : i32
      scf.if %cond3A_196 {
        tpu.wait_dma2 semaphore(%arg20 : memref<!tpu.dma_semaphore, #tpu.memory_space<semaphore_mem>>) src(%arg4 : memref<128xi32, #tpu.memory_space<hbm>>) dst(%arg14 : memref<128xi32, #tpu.memory_space<vmem>>)
        %dma_start3A_216 = arith.constant 0 : i32
        %dma_start3A_217 = arith.constant 0 : i32
        %dma_start3A_218 = tpu.memref_slice %arg2[%dma_start3A_216, %dma_start3A_217] : memref<10000x128xf32, #tpu.memory_space<hbm>> -> memref<10000x128xf32, #tpu.memory_space<hbm>>
        tpu.enqueue_indirect_dma source(%dma_start3A_218 : memref<10000x128xf32, #tpu.memory_space<hbm>>) target(%arg8 : memref<128x128xf32, #tpu.memory_space<vmem>>) offsets(%arg14 : memref<128xi32, #tpu.memory_space<vmem>>) semaphore(%arg18 : memref<!tpu.dma_semaphore, #tpu.memory_space<semaphore_mem>>)
      } else {
      }
      %add3A_197 = arith.constant 3 : i32
      %add3A_198 = arith.addi %add3A_140, %add3A_197 : i32
      %dma_wait3A_199 = arith.constant 0 : i32
      %dma_wait3A_200 = arith.constant 0 : i32
      %dma_wait3A_201 = tpu.memref_slice %arg2[%dma_wait3A_199, %dma_wait3A_200] : memref<10000x128xf32, #tpu.memory_space<hbm>> -> memref<10000x128xf32, #tpu.memory_space<hbm>>
      tpu.wait_indirect_dma semaphore(%arg19 : memref<!tpu.dma_semaphore, #tpu.memory_space<semaphore_mem>>) src(%dma_wait3A_201 : memref<10000x128xf32, #tpu.memory_space<hbm>>) dst(%arg9 : memref<128x128xf32, #tpu.memory_space<vmem>>)
      tpu.wait_dma2 semaphore(%arg27 : memref<!tpu.dma_semaphore, #tpu.memory_space<semaphore_mem>>) src(%arg5 : memref<128xi32, #tpu.memory_space<hbm>>) dst(%arg13 : memref<128xi32, #tpu.memory_space<vmem>>)
      "tpu.region"() ({
        %run_scoped3A = tpu.sem_alloc : memref<!tpu.dma_semaphore, #tpu.memory_space<semaphore_mem>>
        %dma_start3A_216 = arith.constant 0 : i32
        %dma_start3A_217 = arith.constant 0 : i32
        %dma_start3A_218 = tpu.memref_slice %arg28[%dma_start3A_216, %dma_start3A_217] : memref<10240x128xf32, #tpu.memory_space<vmem_shared>> -> memref<10240x128xf32, #tpu.memory_space<vmem_shared>>
        tpu.enqueue_indirect_dma source(%arg9 : memref<128x128xf32, #tpu.memory_space<vmem>>) target(%dma_start3A_218 : memref<10240x128xf32, #tpu.memory_space<vmem_shared>>) offsets(%arg13 : memref<128xi32, #tpu.memory_space<vmem>>) semaphore(%run_scoped3A : memref<!tpu.dma_semaphore, #tpu.memory_space<semaphore_mem>>) {add = true}
        %dma_wait3A_219 = arith.constant 0 : i32
        %dma_wait3A_220 = arith.constant 0 : i32
        %dma_wait3A_221 = tpu.memref_slice %arg28[%dma_wait3A_219, %dma_wait3A_220] : memref<10240x128xf32, #tpu.memory_space<vmem_shared>> -> memref<10240x128xf32, #tpu.memory_space<vmem_shared>>
        tpu.wait_indirect_dma semaphore(%run_scoped3A : memref<!tpu.dma_semaphore, #tpu.memory_space<semaphore_mem>>) src(%arg9 : memref<128x128xf32, #tpu.memory_space<vmem>>) dst(%dma_wait3A_221 : memref<10240x128xf32, #tpu.memory_space<vmem_shared>>)
        tpu.yield
      }) : () -> ()
      %add3A_202 = arith.constant 4 : i32
      %add3A_203 = arith.addi %add3A_198, %add3A_202 : i32
      %lt3A_204 = arith.constant 80 : i32
      %lt3A_205 = arith.cmpi slt, %add3A_203, %lt3A_204 : i32
      %convert_element_type3A_206 = arith.extui %lt3A_205 : i1 to i32
      %cond3A_207 = arith.constant 0 : i32
      %cond3A_208 = arith.cmpi ne, %convert_element_type3A_206, %cond3A_207 : i32
      scf.if %cond3A_208 {
        %add3A_216 = arith.constant 4 : i32
        %add3A_217 = arith.addi %add3A_198, %add3A_216 : i32
        %add3A_218 = arith.addi %add3A_4, %add3A_217 : i32
        %mul3A_219 = arith.constant 128 : i32
        %mul3A_220 = arith.muli %add3A_218, %mul3A_219 : i32
        %lt3A_221 = arith.cmpi slt, %add3A_217, %add3A_7 : i32
        %convert_element_type3A_222 = arith.extui %lt3A_221 : i1 to i32
        %cond3A_223 = arith.constant 0 : i32
        %cond3A_224 = arith.cmpi ne, %convert_element_type3A_222, %cond3A_223 : i32
        scf.if %cond3A_224 {
          %dma_start3A_241 = arith.constant 0 : i32
          %dma_start3A_242 = tpu.memref_slice %arg3[%dma_start3A_241, %mul3A_220] : memref<2x320000xi32, #tpu.memory_space<hbm>> -> memref<1x128xi32, #tpu.memory_space<hbm>>
          %dma_start3A_243 = tpu.memref_squeeze %dma_start3A_242 : memref<1x128xi32, #tpu.memory_space<hbm>> -> memref<128xi32, #tpu.memory_space<hbm>>
          %dma_start3A_244 = tpu.memref_slice %arg3[%dma_start3A_241, %mul3A_220] : memref<2x320000xi32, #tpu.memory_space<hbm>> -> memref<1x128xi32, #tpu.memory_space<hbm>>
          %dma_start3A_245 = tpu.memref_squeeze %dma_start3A_244 : memref<1x128xi32, #tpu.memory_space<hbm>> -> memref<128xi32, #tpu.memory_space<hbm>>
          tpu.enqueue_dma source(%dma_start3A_245 : memref<128xi32, #tpu.memory_space<hbm>>) target(%arg17 : memref<128xi32, #tpu.memory_space<vmem>>) target_semaphore(%arg23 : memref<!tpu.dma_semaphore, #tpu.memory_space<semaphore_mem>>)
        } else {
        }
        %ge3A = arith.cmpi sge, %add3A_217, %add3A_7 : i32
        %convert_element_type3A_225 = arith.extui %ge3A : i1 to i32
        %cond3A_226 = arith.constant 0 : i32
        %cond3A_227 = arith.cmpi ne, %convert_element_type3A_225, %cond3A_226 : i32
        scf.if %cond3A_227 {
          tpu.enqueue_dma source(%arg4 : memref<128xi32, #tpu.memory_space<hbm>>) target(%arg17 : memref<128xi32, #tpu.memory_space<vmem>>) target_semaphore(%arg23 : memref<!tpu.dma_semaphore, #tpu.memory_space<semaphore_mem>>)
        } else {
        }
        %add3A_228 = arith.constant 4 : i32
        %add3A_229 = arith.addi %add3A_198, %add3A_228 : i32
        %add3A_230 = arith.addi %add3A_4, %add3A_229 : i32
        %mul3A_231 = arith.constant 128 : i32
        %mul3A_232 = arith.muli %add3A_230, %mul3A_231 : i32
        %lt3A_233 = arith.cmpi slt, %add3A_229, %add3A_7 : i32
        %convert_element_type3A_234 = arith.extui %lt3A_233 : i1 to i32
        %cond3A_235 = arith.constant 0 : i32
        %cond3A_236 = arith.cmpi ne, %convert_element_type3A_234, %cond3A_235 : i32
        scf.if %cond3A_236 {
          %dma_start3A_241 = arith.constant 1 : i32
          %dma_start3A_242 = tpu.memref_slice %arg3[%dma_start3A_241, %mul3A_232] : memref<2x320000xi32, #tpu.memory_space<hbm>> -> memref<1x128xi32, #tpu.memory_space<hbm>>
          %dma_start3A_243 = tpu.memref_squeeze %dma_start3A_242 : memref<1x128xi32, #tpu.memory_space<hbm>> -> memref<128xi32, #tpu.memory_space<hbm>>
          %dma_start3A_244 = tpu.memref_slice %arg3[%dma_start3A_241, %mul3A_232] : memref<2x320000xi32, #tpu.memory_space<hbm>> -> memref<1x128xi32, #tpu.memory_space<hbm>>
          %dma_start3A_245 = tpu.memref_squeeze %dma_start3A_244 : memref<1x128xi32, #tpu.memory_space<hbm>> -> memref<128xi32, #tpu.memory_space<hbm>>
          tpu.enqueue_dma source(%dma_start3A_245 : memref<128xi32, #tpu.memory_space<hbm>>) target(%arg13 : memref<128xi32, #tpu.memory_space<vmem>>) target_semaphore(%arg27 : memref<!tpu.dma_semaphore, #tpu.memory_space<semaphore_mem>>)
        } else {
        }
        %ge3A_237 = arith.cmpi sge, %add3A_229, %add3A_7 : i32
        %convert_element_type3A_238 = arith.extui %ge3A_237 : i1 to i32
        %cond3A_239 = arith.constant 0 : i32
        %cond3A_240 = arith.cmpi ne, %convert_element_type3A_238, %cond3A_239 : i32
        scf.if %cond3A_240 {
          tpu.enqueue_dma source(%arg5 : memref<128xi32, #tpu.memory_space<hbm>>) target(%arg13 : memref<128xi32, #tpu.memory_space<vmem>>) target_semaphore(%arg27 : memref<!tpu.dma_semaphore, #tpu.memory_space<semaphore_mem>>)
        } else {
        }
      } else {
      }
      %add3A_209 = arith.constant 2 : i32
      %add3A_210 = arith.addi %add3A_198, %add3A_209 : i32
      %lt3A_211 = arith.constant 80 : i32
      %lt3A_212 = arith.cmpi slt, %add3A_210, %lt3A_211 : i32
      %convert_element_type3A_213 = arith.extui %lt3A_212 : i1 to i32
      %cond3A_214 = arith.constant 0 : i32
      %cond3A_215 = arith.cmpi ne, %convert_element_type3A_213, %cond3A_214 : i32
      scf.if %cond3A_215 {
        tpu.wait_dma2 semaphore(%arg21 : memref<!tpu.dma_semaphore, #tpu.memory_space<semaphore_mem>>) src(%arg4 : memref<128xi32, #tpu.memory_space<hbm>>) dst(%arg15 : memref<128xi32, #tpu.memory_space<vmem>>)
        %dma_start3A_216 = arith.constant 0 : i32
        %dma_start3A_217 = arith.constant 0 : i32
        %dma_start3A_218 = tpu.memref_slice %arg2[%dma_start3A_216, %dma_start3A_217] : memref<10000x128xf32, #tpu.memory_space<hbm>> -> memref<10000x128xf32, #tpu.memory_space<hbm>>
        tpu.enqueue_indirect_dma source(%dma_start3A_218 : memref<10000x128xf32, #tpu.memory_space<hbm>>) target(%arg9 : memref<128x128xf32, #tpu.memory_space<vmem>>) offsets(%arg15 : memref<128xi32, #tpu.memory_space<vmem>>) semaphore(%arg19 : memref<!tpu.dma_semaphore, #tpu.memory_space<semaphore_mem>>)
      } else {
      }
    }
    %scan3A_130 = arith.constant 20 : i32
    %barrier3A_131 = arith.constant 0 : index
    tpu.barrier barrier_id(%barrier3A_131)
    %mul3A_132 = arith.constant 640 : i32
    %mul3A_133 = arith.muli %arg1, %mul3A_132 : i32
    %mul3A_134 = arith.constant 640 : i32
    %mul3A_135 = arith.muli %arg1, %mul3A_134 : i32
    "tpu.region"() ({
      %run_scoped3A = tpu.sem_alloc : memref<!tpu.dma_semaphore, #tpu.memory_space<semaphore_mem>>
      %dma_start3A_136 = arith.constant 0 : i32
      %dma_start3A_137 = tpu.memref_slice %arg7[%arg0, %mul3A_135, %dma_start3A_136] : memref<2x10240x128xf32, #tpu.memory_space<hbm>> -> memref<1x640x128xf32, #tpu.memory_space<hbm>>
      %dma_start3A_138 = tpu.memref_squeeze %dma_start3A_137 : memref<1x640x128xf32, #tpu.memory_space<hbm>> -> memref<640x128xf32, #tpu.memory_space<hbm>>
      %dma_start3A_139 = arith.constant 0 : i32
      %dma_start3A_140 = tpu.memref_slice %arg28[%mul3A_133, %dma_start3A_139] : memref<10240x128xf32, #tpu.memory_space<vmem_shared>> -> memref<640x128xf32, #tpu.memory_space<vmem_shared>>
      tpu.enqueue_dma source(%dma_start3A_140 : memref<640x128xf32, #tpu.memory_space<vmem_shared>>) target(%dma_start3A_138 : memref<640x128xf32, #tpu.memory_space<hbm>>) target_semaphore(%run_scoped3A : memref<!tpu.dma_semaphore, #tpu.memory_space<semaphore_mem>>)
      %dma_wait3A = arith.constant 0 : i32
      %dma_wait3A_141 = tpu.memref_slice %arg7[%arg0, %mul3A_135, %dma_wait3A] : memref<2x10240x128xf32, #tpu.memory_space<hbm>> -> memref<1x640x128xf32, #tpu.memory_space<hbm>>
      %dma_wait3A_142 = tpu.memref_squeeze %dma_wait3A_141 : memref<1x640x128xf32, #tpu.memory_space<hbm>> -> memref<640x128xf32, #tpu.memory_space<hbm>>
      %dma_wait3A_143 = arith.constant 0 : i32
      %dma_wait3A_144 = tpu.memref_slice %arg28[%mul3A_133, %dma_wait3A_143] : memref<10240x128xf32, #tpu.memory_space<vmem_shared>> -> memref<640x128xf32, #tpu.memory_space<vmem_shared>>
      tpu.wait_dma2 semaphore(%run_scoped3A : memref<!tpu.dma_semaphore, #tpu.memory_space<semaphore_mem>>) src(%dma_wait3A_144 : memref<640x128xf32, #tpu.memory_space<vmem_shared>>) dst(%dma_wait3A_142 : memref<640x128xf32, #tpu.memory_space<hbm>>)
      tpu.yield
    }) : () -> ()
    return
  }
}

module attributes {stable_mosaic.version = 14 : i64} {
  func.func @_post_pre_body(%arg0: i32, %arg1: memref<2x1000x128xf32, #tpu.memory_space<vmem>>, %arg2: memref<1000x128xf32, #tpu.memory_space<vmem>>, %arg3: memref<1000x128xf32, #tpu.memory_space<vmem>>, %arg4: memref<1000x128xf32, #tpu.memory_space<vmem>>, %arg5: memref<1000x1xf32, #tpu.memory_space<vmem>>, %arg6: memref<1x128xf32, #tpu.memory_space<vmem>>, %arg7: memref<128x128xf32, #tpu.memory_space<vmem>>, %arg8: memref<1x128xf32, #tpu.memory_space<vmem>>, %arg9: memref<1x128xf32, #tpu.memory_space<vmem>>, %arg10: memref<1x128xf32, #tpu.memory_space<vmem>>, %arg11: memref<128x128xf32, #tpu.memory_space<vmem>>, %arg12: memref<1x128xf32, #tpu.memory_space<vmem>>, %arg13: memref<1x128xf32, #tpu.memory_space<vmem>>, %arg14: memref<1x128xf32, #tpu.memory_space<vmem>>, %arg15: memref<128x128xf32, #tpu.memory_space<vmem>>, %arg16: memref<1000x128xf32, #tpu.memory_space<vmem>>, %arg17: memref<1000x128xf32, #tpu.memory_space<vmem>>, %arg18: memref<1000x128xf32, #tpu.memory_space<vmem>>) attributes {dimension_semantics = [#tpu.dimension_semantics<arbitrary>], iteration_bounds = array<i64: 10>, scalar_prefetch = 0 : i64, scratch_operands = 0 : i64, tpu.core_type = #tpu.core_type<tc>, window_params = [{transform_indices = @transform_0, window_bounds = array<i64: 2, 1000, 128>}, {transform_indices = @transform_1, window_bounds = array<i64: 1000, 128>}, {transform_indices = @transform_2, window_bounds = array<i64: 1000, 128>}, {transform_indices = @transform_3, window_bounds = array<i64: 1000, 128>}, {transform_indices = @transform_4, window_bounds = array<i64: 1000, 1>}, {pipeline_mode = #tpu.pipeline_mode<synchronous>, transform_indices = @transform_5, window_bounds = array<i64: 1, 128>}, {pipeline_mode = #tpu.pipeline_mode<synchronous>, transform_indices = @transform_6, window_bounds = array<i64: 128, 128>}, {pipeline_mode = #tpu.pipeline_mode<synchronous>, transform_indices = @transform_7, window_bounds = array<i64: 1, 128>}, {pipeline_mode = #tpu.pipeline_mode<synchronous>, transform_indices = @transform_8, window_bounds = array<i64: 1, 128>}, {pipeline_mode = #tpu.pipeline_mode<synchronous>, transform_indices = @transform_9, window_bounds = array<i64: 1, 128>}, {pipeline_mode = #tpu.pipeline_mode<synchronous>, transform_indices = @transform_10, window_bounds = array<i64: 128, 128>}, {pipeline_mode = #tpu.pipeline_mode<synchronous>, transform_indices = @transform_11, window_bounds = array<i64: 1, 128>}, {pipeline_mode = #tpu.pipeline_mode<synchronous>, transform_indices = @transform_12, window_bounds = array<i64: 1, 128>}, {pipeline_mode = #tpu.pipeline_mode<synchronous>, transform_indices = @transform_13, window_bounds = array<i64: 1, 128>}, {pipeline_mode = #tpu.pipeline_mode<synchronous>, transform_indices = @transform_14, window_bounds = array<i64: 128, 128>}, {transform_indices = @transform_15, window_bounds = array<i64: 1000, 128>}, {transform_indices = @transform_16, window_bounds = array<i64: 1000, 128>}, {transform_indices = @transform_17, window_bounds = array<i64: 1000, 128>}]} {
    %get3A = arith.constant 0 : index
    %get3A_0 = arith.constant 0 : index
    %get3A_1 = arith.constant 0 : index
    %get3A_2 = vector.load %arg1[%get3A, %get3A_0, %get3A_1] : memref<2x1000x128xf32, #tpu.memory_space<vmem>>, vector<1x1000x128xf32>
    %get3A_3 = vector.shape_cast %get3A_2 : vector<1x1000x128xf32> to vector<1000x128xf32>
    %get3A_4 = arith.constant 1 : index
    %get3A_5 = arith.constant 0 : index
    %get3A_6 = arith.constant 0 : index
    %get3A_7 = vector.load %arg1[%get3A_4, %get3A_5, %get3A_6] : memref<2x1000x128xf32, #tpu.memory_space<vmem>>, vector<1x1000x128xf32>
    %get3A_8 = vector.shape_cast %get3A_7 : vector<1x1000x128xf32> to vector<1000x128xf32>
    %add3A = arith.addf %get3A_3, %get3A_8 : vector<1000x128xf32>
    %get3A_9 = arith.constant 0 : index
    %get3A_10 = arith.constant 0 : index
    %get3A_11 = vector.load %arg2[%get3A_9, %get3A_10] : memref<1000x128xf32, #tpu.memory_space<vmem>>, vector<1000x128xf32>
    %mul3A = arith.constant 2.000000e+00 : f32
    %mul3A_12 = vector.broadcast %mul3A : f32 to vector<1000x128xf32>
    %mul3A_13 = arith.mulf %mul3A_12, %get3A_11 : vector<1000x128xf32>
    %add3A_14 = arith.addf %add3A, %mul3A_13 : vector<1000x128xf32>
    %get3A_15 = arith.constant 0 : index
    %get3A_16 = arith.constant 0 : index
    %get3A_17 = vector.load %arg5[%get3A_15, %get3A_16] : memref<1000x1xf32, #tpu.memory_space<vmem>>, vector<1000x1xf32>
    %mul3A_18 = vector.broadcast %get3A_17 : vector<1000x1xf32> to vector<1000x128xf32>
    %mul3A_19 = arith.mulf %mul3A_18, %add3A_14 : vector<1000x128xf32>
    %get3A_20 = arith.constant 0 : index
    %get3A_21 = arith.constant 0 : index
    %get3A_22 = vector.load %arg6[%get3A_20, %get3A_21] : memref<1x128xf32, #tpu.memory_space<vmem>>, vector<1x128xf32>
    %add3A_23 = vector.broadcast %get3A_22 : vector<1x128xf32> to vector<1000x128xf32>
    %add3A_24 = arith.addf %mul3A_19, %add3A_23 : vector<1000x128xf32>
    %tanh3A = math.tanh %add3A_24 : vector<1000x128xf32>
    %get3A_25 = arith.constant 0 : index
    %get3A_26 = arith.constant 0 : index
    %get3A_27 = vector.load %arg3[%get3A_25, %get3A_26] : memref<1000x128xf32, #tpu.memory_space<vmem>>, vector<1000x128xf32>
    %mul3A_28 = arith.mulf %tanh3A, %get3A_27 : vector<1000x128xf32>
    %get3A_29 = arith.constant 0 : index
    %get3A_30 = arith.constant 0 : index
    %get3A_31 = vector.load %arg4[%get3A_29, %get3A_30] : memref<1000x128xf32, #tpu.memory_space<vmem>>, vector<1000x128xf32>
    %get3A_32 = arith.constant 0 : index
    %get3A_33 = arith.constant 0 : index
    %get3A_34 = vector.load %arg7[%get3A_32, %get3A_33] : memref<128x128xf32, #tpu.memory_space<vmem>>, vector<128x128xf32>
    %dot_general3A = arith.constant dense<0.000000e+00> : vector<1000x128xf32>
    %dot_general3A_35 = tpu.matmul %mul3A_28, %get3A_34, %dot_general3A {dimension_numbers = #tpu.dot_dimension_numbers<[1], [1], [0], [0], [0, 0, 1, 0], [], []>, transpose_lhs_hint = false} : vector<1000x128xf32>, vector<128x128xf32>, vector<1000x128xf32> -> vector<1000x128xf32>
    %add3A_36 = arith.addf %get3A_31, %dot_general3A_35 : vector<1000x128xf32>
    %get3A_37 = arith.constant 0 : index
    %get3A_38 = arith.constant 0 : index
    %get3A_39 = vector.load %arg8[%get3A_37, %get3A_38] : memref<1x128xf32, #tpu.memory_space<vmem>>, vector<1x128xf32>
    %add3A_40 = vector.broadcast %get3A_39 : vector<1x128xf32> to vector<1000x128xf32>
    %add3A_41 = arith.addf %add3A_36, %add3A_40 : vector<1000x128xf32>
    %swap3A = arith.constant 0 : index
    %swap3A_42 = arith.constant 0 : index
    %swap3A_43 = vector.load %arg16[%swap3A, %swap3A_42] : memref<1000x128xf32, #tpu.memory_space<vmem>>, vector<1000x128xf32>
    tpu.vector_store %arg16[%swap3A, %swap3A_42], %add3A_41 {strides = array<i32>} : memref<1000x128xf32, #tpu.memory_space<vmem>>, vector<1000x128xf32>,
    %get3A_44 = arith.constant 0 : index
    %get3A_45 = arith.constant 0 : index
    %get3A_46 = vector.load %arg9[%get3A_44, %get3A_45] : memref<1x128xf32, #tpu.memory_space<vmem>>, vector<1x128xf32>
    %get3A_47 = arith.constant 0 : index
    %get3A_48 = arith.constant 0 : index
    %get3A_49 = vector.load %arg10[%get3A_47, %get3A_48] : memref<1x128xf32, #tpu.memory_space<vmem>>, vector<1x128xf32>
    %reduce_sum3A = arith.constant dense<0.000000e+00> : vector<1000xf32>
    %reduce_sum3A_50 = vector.multi_reduction <add>, %add3A_41, %reduce_sum3A [1] : vector<1000x128xf32> to vector<1000xf32>
    %broadcast_in_dim3A = vector.shape_cast %reduce_sum3A_50 : vector<1000xf32> to vector<1000x1xf32>
    %div3A = arith.constant 1.280000e+02 : f32
    %div3A_51 = vector.broadcast %div3A : f32 to vector<1000x1xf32>
    %div3A_52 = arith.divf %broadcast_in_dim3A, %div3A_51 : vector<1000x1xf32>
    %sub3A = vector.broadcast %div3A_52 : vector<1000x1xf32> to vector<1000x128xf32>
    %sub3A_53 = arith.subf %add3A_41, %sub3A : vector<1000x128xf32>
    %integer_pow3A = arith.mulf %sub3A_53, %sub3A_53 : vector<1000x128xf32>
    %reduce_sum3A_54 = arith.constant dense<0.000000e+00> : vector<1000xf32>
    %reduce_sum3A_55 = vector.multi_reduction <add>, %integer_pow3A, %reduce_sum3A_54 [1] : vector<1000x128xf32> to vector<1000xf32>
    %broadcast_in_dim3A_56 = vector.shape_cast %reduce_sum3A_55 : vector<1000xf32> to vector<1000x1xf32>
    %div3A_57 = arith.constant 1.280000e+02 : f32
    %div3A_58 = vector.broadcast %div3A_57 : f32 to vector<1000x1xf32>
    %div3A_59 = arith.divf %broadcast_in_dim3A_56, %div3A_58 : vector<1000x1xf32>
    %sub3A_60 = vector.broadcast %div3A_52 : vector<1000x1xf32> to vector<1000x128xf32>
    %sub3A_61 = arith.subf %add3A_41, %sub3A_60 : vector<1000x128xf32>
    %add3A_62 = arith.constant 9.99999974E-6 : f32
    %add3A_63 = vector.broadcast %add3A_62 : f32 to vector<1000x1xf32>
    %add3A_64 = arith.addf %div3A_59, %add3A_63 : vector<1000x1xf32>
    %rsqrt3A = math.rsqrt %add3A_64 : vector<1000x1xf32>
    %mul3A_65 = vector.broadcast %rsqrt3A : vector<1000x1xf32> to vector<1000x128xf32>
    %mul3A_66 = arith.mulf %sub3A_61, %mul3A_65 : vector<1000x128xf32>
    %mul3A_67 = vector.broadcast %get3A_46 : vector<1x128xf32> to vector<1000x128xf32>
    %mul3A_68 = arith.mulf %mul3A_66, %mul3A_67 : vector<1000x128xf32>
    %add3A_69 = vector.broadcast %get3A_49 : vector<1x128xf32> to vector<1000x128xf32>
    %add3A_70 = arith.addf %mul3A_68, %add3A_69 : vector<1000x128xf32>
    %get3A_71 = arith.constant 0 : index
    %get3A_72 = arith.constant 0 : index
    %get3A_73 = vector.load %arg11[%get3A_71, %get3A_72] : memref<128x128xf32, #tpu.memory_space<vmem>>, vector<128x128xf32>
    %dot_general3A_74 = arith.constant dense<0.000000e+00> : vector<1000x128xf32>
    %dot_general3A_75 = tpu.matmul %add3A_70, %get3A_73, %dot_general3A_74 {dimension_numbers = #tpu.dot_dimension_numbers<[1], [1], [0], [0], [0, 0, 1, 0], [], []>, transpose_lhs_hint = false} : vector<1000x128xf32>, vector<128x128xf32>, vector<1000x128xf32> -> vector<1000x128xf32>
    %get3A_76 = arith.constant 0 : index
    %get3A_77 = arith.constant 0 : index
    %get3A_78 = vector.load %arg12[%get3A_76, %get3A_77] : memref<1x128xf32, #tpu.memory_space<vmem>>, vector<1x128xf32>
    %add3A_79 = vector.broadcast %get3A_78 : vector<1x128xf32> to vector<1000x128xf32>
    %add3A_80 = arith.addf %dot_general3A_75, %add3A_79 : vector<1000x128xf32>
    %mul3A_81 = arith.constant 5.000000e-01 : f32
    %mul3A_82 = vector.broadcast %mul3A_81 : f32 to vector<1000x128xf32>
    %mul3A_83 = arith.mulf %mul3A_82, %add3A_80 : vector<1000x128xf32>
    %mul3A_84 = arith.constant 0.707106769 : f32
    %mul3A_85 = vector.broadcast %mul3A_84 : f32 to vector<1000x128xf32>
    %mul3A_86 = arith.mulf %add3A_80, %mul3A_85 : vector<1000x128xf32>
    %erf3A = math.erf %mul3A_86 : vector<1000x128xf32>
    %add3A_87 = arith.constant 1.000000e+00 : f32
    %add3A_88 = vector.broadcast %add3A_87 : f32 to vector<1000x128xf32>
    %add3A_89 = arith.addf %add3A_88, %erf3A : vector<1000x128xf32>
    %mul3A_90 = arith.mulf %mul3A_83, %add3A_89 : vector<1000x128xf32>
    %get3A_91 = arith.constant 0 : index
    %get3A_92 = arith.constant 0 : index
    %get3A_93 = vector.load %arg13[%get3A_91, %get3A_92] : memref<1x128xf32, #tpu.memory_space<vmem>>, vector<1x128xf32>
    %get3A_94 = arith.constant 0 : index
    %get3A_95 = arith.constant 0 : index
    %get3A_96 = vector.load %arg14[%get3A_94, %get3A_95] : memref<1x128xf32, #tpu.memory_space<vmem>>, vector<1x128xf32>
    %reduce_sum3A_97 = arith.constant dense<0.000000e+00> : vector<1000xf32>
    %reduce_sum3A_98 = vector.multi_reduction <add>, %mul3A_90, %reduce_sum3A_97 [1] : vector<1000x128xf32> to vector<1000xf32>
    %broadcast_in_dim3A_99 = vector.shape_cast %reduce_sum3A_98 : vector<1000xf32> to vector<1000x1xf32>
    %div3A_100 = arith.constant 1.280000e+02 : f32
    %div3A_101 = vector.broadcast %div3A_100 : f32 to vector<1000x1xf32>
    %div3A_102 = arith.divf %broadcast_in_dim3A_99, %div3A_101 : vector<1000x1xf32>
    %sub3A_103 = vector.broadcast %div3A_102 : vector<1000x1xf32> to vector<1000x128xf32>
    %sub3A_104 = arith.subf %mul3A_90, %sub3A_103 : vector<1000x128xf32>
    %integer_pow3A_105 = arith.mulf %sub3A_104, %sub3A_104 : vector<1000x128xf32>
    %reduce_sum3A_106 = arith.constant dense<0.000000e+00> : vector<1000xf32>
    %reduce_sum3A_107 = vector.multi_reduction <add>, %integer_pow3A_105, %reduce_sum3A_106 [1] : vector<1000x128xf32> to vector<1000xf32>
    %broadcast_in_dim3A_108 = vector.shape_cast %reduce_sum3A_107 : vector<1000xf32> to vector<1000x1xf32>
    %div3A_109 = arith.constant 1.280000e+02 : f32
    %div3A_110 = vector.broadcast %div3A_109 : f32 to vector<1000x1xf32>
    %div3A_111 = arith.divf %broadcast_in_dim3A_108, %div3A_110 : vector<1000x1xf32>
    %sub3A_112 = vector.broadcast %div3A_102 : vector<1000x1xf32> to vector<1000x128xf32>
    %sub3A_113 = arith.subf %mul3A_90, %sub3A_112 : vector<1000x128xf32>
    %add3A_114 = arith.constant 9.99999974E-6 : f32
    %add3A_115 = vector.broadcast %add3A_114 : f32 to vector<1000x1xf32>
    %add3A_116 = arith.addf %div3A_111, %add3A_115 : vector<1000x1xf32>
    %rsqrt3A_117 = math.rsqrt %add3A_116 : vector<1000x1xf32>
    %mul3A_118 = vector.broadcast %rsqrt3A_117 : vector<1000x1xf32> to vector<1000x128xf32>
    %mul3A_119 = arith.mulf %sub3A_113, %mul3A_118 : vector<1000x128xf32>
    %mul3A_120 = vector.broadcast %get3A_93 : vector<1x128xf32> to vector<1000x128xf32>
    %mul3A_121 = arith.mulf %mul3A_119, %mul3A_120 : vector<1000x128xf32>
    %add3A_122 = vector.broadcast %get3A_96 : vector<1x128xf32> to vector<1000x128xf32>
    %add3A_123 = arith.addf %mul3A_121, %add3A_122 : vector<1000x128xf32>
    %get3A_124 = arith.constant 0 : index
    %get3A_125 = arith.constant 0 : index
    %get3A_126 = vector.load %arg5[%get3A_124, %get3A_125] : memref<1000x1xf32, #tpu.memory_space<vmem>>, vector<1000x1xf32>
    %get3A_127 = arith.constant 0 : index
    %get3A_128 = arith.constant 0 : index
    %get3A_129 = vector.load %arg15[%get3A_127, %get3A_128] : memref<128x128xf32, #tpu.memory_space<vmem>>, vector<128x128xf32>
    %dot_general3A_130 = arith.constant dense<0.000000e+00> : vector<1000x128xf32>
    %dot_general3A_131 = tpu.matmul %add3A_123, %get3A_129, %dot_general3A_130 {dimension_numbers = #tpu.dot_dimension_numbers<[1], [1], [0], [0], [0, 0, 1, 0], [], []>, transpose_lhs_hint = false} : vector<1000x128xf32>, vector<128x128xf32>, vector<1000x128xf32> -> vector<1000x128xf32>
    %mul3A_132 = vector.broadcast %get3A_126 : vector<1000x1xf32> to vector<1000x128xf32>
    %mul3A_133 = arith.mulf %mul3A_132, %dot_general3A_131 : vector<1000x128xf32>
    %swap3A_134 = arith.constant 0 : index
    %swap3A_135 = arith.constant 0 : index
    %swap3A_136 = vector.load %arg17[%swap3A_134, %swap3A_135] : memref<1000x128xf32, #tpu.memory_space<vmem>>, vector<1000x128xf32>
    tpu.vector_store %arg17[%swap3A_134, %swap3A_135], %mul3A_90 {strides = array<i32>} : memref<1000x128xf32, #tpu.memory_space<vmem>>, vector<1000x128xf32>,
    %swap3A_137 = arith.constant 0 : index
    %swap3A_138 = arith.constant 0 : index
    %swap3A_139 = vector.load %arg18[%swap3A_137, %swap3A_138] : memref<1000x128xf32, #tpu.memory_space<vmem>>, vector<1000x128xf32>
    tpu.vector_store %arg18[%swap3A_137, %swap3A_138], %mul3A_133 {strides = array<i32>} : memref<1000x128xf32, #tpu.memory_space<vmem>>, vector<1000x128xf32>,
    return
  }
  func.func @transform_0(%arg0: i32) -> (i32, i32, i32) {
    %c0_i32 = arith.constant 0 : i32
    %c0_i32_0 = arith.constant 0 : i32
    %c0_i32_1 = arith.constant 0 : i32
    return %c0_i32, %arg0, %c0_i32_0 : i32, i32, i32
  }
  func.func @transform_1(%arg0: i32) -> (i32, i32) {
    %c0_i32 = arith.constant 0 : i32
    %c0_i32_0 = arith.constant 0 : i32
    return %arg0, %c0_i32 : i32, i32
  }
  func.func @transform_2(%arg0: i32) -> (i32, i32) {
    %c0_i32 = arith.constant 0 : i32
    %c0_i32_0 = arith.constant 0 : i32
    return %arg0, %c0_i32 : i32, i32
  }
  func.func @transform_3(%arg0: i32) -> (i32, i32) {
    %c0_i32 = arith.constant 0 : i32
    %c0_i32_0 = arith.constant 0 : i32
    return %arg0, %c0_i32 : i32, i32
  }
  func.func @transform_4(%arg0: i32) -> (i32, i32) {
    %c0_i32 = arith.constant 0 : i32
    %c0_i32_0 = arith.constant 0 : i32
    return %arg0, %c0_i32 : i32, i32
  }
  func.func @transform_5(%arg0: i32) -> (i32, i32) {
    %c0_i32 = arith.constant 0 : i32
    %c0_i32_0 = arith.constant 0 : i32
    %c0_i32_1 = arith.constant 0 : i32
    return %c0_i32, %c0_i32_0 : i32, i32
  }
  func.func @transform_6(%arg0: i32) -> (i32, i32) {
    %c0_i32 = arith.constant 0 : i32
    %c0_i32_0 = arith.constant 0 : i32
    %c0_i32_1 = arith.constant 0 : i32
    return %c0_i32, %c0_i32_0 : i32, i32
  }
  func.func @transform_7(%arg0: i32) -> (i32, i32) {
    %c0_i32 = arith.constant 0 : i32
    %c0_i32_0 = arith.constant 0 : i32
    %c0_i32_1 = arith.constant 0 : i32
    return %c0_i32, %c0_i32_0 : i32, i32
  }
  func.func @transform_8(%arg0: i32) -> (i32, i32) {
    %c0_i32 = arith.constant 0 : i32
    %c0_i32_0 = arith.constant 0 : i32
    %c0_i32_1 = arith.constant 0 : i32
    return %c0_i32, %c0_i32_0 : i32, i32
  }
  func.func @transform_9(%arg0: i32) -> (i32, i32) {
    %c0_i32 = arith.constant 0 : i32
    %c0_i32_0 = arith.constant 0 : i32
    %c0_i32_1 = arith.constant 0 : i32
    return %c0_i32, %c0_i32_0 : i32, i32
  }
  func.func @transform_10(%arg0: i32) -> (i32, i32) {
    %c0_i32 = arith.constant 0 : i32
    %c0_i32_0 = arith.constant 0 : i32
    %c0_i32_1 = arith.constant 0 : i32
    return %c0_i32, %c0_i32_0 : i32, i32
  }
  func.func @transform_11(%arg0: i32) -> (i32, i32) {
    %c0_i32 = arith.constant 0 : i32
    %c0_i32_0 = arith.constant 0 : i32
    %c0_i32_1 = arith.constant 0 : i32
    return %c0_i32, %c0_i32_0 : i32, i32
  }
  func.func @transform_12(%arg0: i32) -> (i32, i32) {
    %c0_i32 = arith.constant 0 : i32
    %c0_i32_0 = arith.constant 0 : i32
    %c0_i32_1 = arith.constant 0 : i32
    return %c0_i32, %c0_i32_0 : i32, i32
  }
  func.func @transform_13(%arg0: i32) -> (i32, i32) {
    %c0_i32 = arith.constant 0 : i32
    %c0_i32_0 = arith.constant 0 : i32
    %c0_i32_1 = arith.constant 0 : i32
    return %c0_i32, %c0_i32_0 : i32, i32
  }
  func.func @transform_14(%arg0: i32) -> (i32, i32) {
    %c0_i32 = arith.constant 0 : i32
    %c0_i32_0 = arith.constant 0 : i32
    %c0_i32_1 = arith.constant 0 : i32
    return %c0_i32, %c0_i32_0 : i32, i32
  }
  func.func @transform_15(%arg0: i32) -> (i32, i32) {
    %c0_i32 = arith.constant 0 : i32
    %c0_i32_0 = arith.constant 0 : i32
    return %arg0, %c0_i32 : i32, i32
  }
  func.func @transform_16(%arg0: i32) -> (i32, i32) {
    %c0_i32 = arith.constant 0 : i32
    %c0_i32_0 = arith.constant 0 : i32
    return %arg0, %c0_i32 : i32, i32
  }
  func.func @transform_17(%arg0: i32) -> (i32, i32) {
    %c0_i32 = arith.constant 0 : i32
    %c0_i32_0 = arith.constant 0 : i32
    return %arg0, %c0_i32 : i32, i32
  }
}

module attributes {stable_mosaic.version = 14 : i64} {
  func.func @_embed_body(%arg0: i32, %arg1: memref<1000x128xf32, #tpu.memory_space<vmem>>, %arg2: memref<128x128xf32, #tpu.memory_space<vmem>>, %arg3: memref<1x128xf32, #tpu.memory_space<vmem>>, %arg4: memref<1000x128xf32, #tpu.memory_space<vmem>>) attributes {dimension_semantics = [#tpu.dimension_semantics<arbitrary>], iteration_bounds = array<i64: 10>, scalar_prefetch = 0 : i64, scratch_operands = 0 : i64, tpu.core_type = #tpu.core_type<tc>, window_params = [{transform_indices = @transform_0, window_bounds = array<i64: 1000, 128>}, {pipeline_mode = #tpu.pipeline_mode<synchronous>, transform_indices = @transform_1, window_bounds = array<i64: 128, 128>}, {pipeline_mode = #tpu.pipeline_mode<synchronous>, transform_indices = @transform_2, window_bounds = array<i64: 1, 128>}, {transform_indices = @transform_3, window_bounds = array<i64: 1000, 128>}]} {
    %get3A = arith.constant 0 : index
    %get3A_0 = arith.constant 0 : index
    %get3A_1 = vector.load %arg1[%get3A, %get3A_0] : memref<1000x128xf32, #tpu.memory_space<vmem>>, vector<1000x128xf32>
    %get3A_2 = arith.constant 0 : index
    %get3A_3 = arith.constant 0 : index
    %get3A_4 = vector.load %arg2[%get3A_2, %get3A_3] : memref<128x128xf32, #tpu.memory_space<vmem>>, vector<128x128xf32>
    %dot_general3A = arith.constant dense<0.000000e+00> : vector<1000x128xf32>
    %dot_general3A_5 = tpu.matmul %get3A_1, %get3A_4, %dot_general3A {dimension_numbers = #tpu.dot_dimension_numbers<[1], [1], [0], [0], [0, 0, 1, 0], [], []>, transpose_lhs_hint = false} : vector<1000x128xf32>, vector<128x128xf32>, vector<1000x128xf32> -> vector<1000x128xf32>
    %get3A_6 = arith.constant 0 : index
    %get3A_7 = arith.constant 0 : index
    %get3A_8 = vector.load %arg3[%get3A_6, %get3A_7] : memref<1x128xf32, #tpu.memory_space<vmem>>, vector<1x128xf32>
    %add3A = vector.broadcast %get3A_8 : vector<1x128xf32> to vector<1000x128xf32>
    %add3A_9 = arith.addf %dot_general3A_5, %add3A : vector<1000x128xf32>
    %swap3A = arith.constant 0 : index
    %swap3A_10 = arith.constant 0 : index
    %swap3A_11 = vector.load %arg4[%swap3A, %swap3A_10] : memref<1000x128xf32, #tpu.memory_space<vmem>>, vector<1000x128xf32>
    tpu.vector_store %arg4[%swap3A, %swap3A_10], %add3A_9 {strides = array<i32>} : memref<1000x128xf32, #tpu.memory_space<vmem>>, vector<1000x128xf32>,
    return
  }
  func.func @transform_0(%arg0: i32) -> (i32, i32) {
    %c0_i32 = arith.constant 0 : i32
    %c0_i32_0 = arith.constant 0 : i32
    return %arg0, %c0_i32 : i32, i32
  }
  func.func @transform_1(%arg0: i32) -> (i32, i32) {
    %c0_i32 = arith.constant 0 : i32
    %c0_i32_0 = arith.constant 0 : i32
    %c0_i32_1 = arith.constant 0 : i32
    return %c0_i32, %c0_i32_0 : i32, i32
  }
  func.func @transform_2(%arg0: i32) -> (i32, i32) {
    %c0_i32 = arith.constant 0 : i32
    %c0_i32_0 = arith.constant 0 : i32
    %c0_i32_1 = arith.constant 0 : i32
    return %c0_i32, %c0_i32_0 : i32, i32
  }
  func.func @transform_3(%arg0: i32) -> (i32, i32) {
    %c0_i32 = arith.constant 0 : i32
    %c0_i32_0 = arith.constant 0 : i32
    return %arg0, %c0_i32 : i32, i32
  }
}

module attributes {stable_mosaic.version = 14 : i64} {
  func.func @_dinv_body(%arg0: memref<32x10240xf32, #tpu.memory_space<vmem>>, %arg1: memref<10240x1xf32, #tpu.memory_space<vmem>>) attributes {dimension_semantics = [], scalar_prefetch = 0 : i64, scratch_operands = 0 : i64, tpu.core_type = #tpu.core_type<tc>} {
    %get3A = arith.constant 0 : index
    %get3A_0 = arith.constant 0 : index
    %get3A_1 = vector.load %arg0[%get3A, %get3A_0] : memref<32x10240xf32, #tpu.memory_space<vmem>>, vector<32x10240xf32>
    %reduce_sum3A = arith.constant dense<0.000000e+00> : vector<10240xf32>
    %reduce_sum3A_2 = vector.multi_reduction <add>, %get3A_1, %reduce_sum3A [0] : vector<32x10240xf32> to vector<10240xf32>
    %add3A = arith.constant 2.000000e+00 : f32
    %add3A_3 = vector.broadcast %add3A : f32 to vector<10240xf32>
    %add3A_4 = arith.addf %reduce_sum3A_2, %add3A_3 : vector<10240xf32>
    %rsqrt3A = math.rsqrt %add3A_4 : vector<10240xf32>
    %broadcast_in_dim3A = vector.shape_cast %rsqrt3A : vector<10240xf32> to vector<10240x1xf32>
    %swap3A = arith.constant 0 : index
    %swap3A_5 = arith.constant 0 : index
    %swap3A_6 = vector.load %arg1[%swap3A, %swap3A_5] : memref<10240x1xf32, #tpu.memory_space<vmem>>, vector<10240x1xf32>
    tpu.vector_store %arg1[%swap3A, %swap3A_5], %broadcast_in_dim3A {strides = array<i32>} : memref<10240x1xf32, #tpu.memory_space<vmem>>, vector<10240x1xf32>,
    return
  }
}

module attributes {stable_mosaic.version = 14 : i64} {
  func.func @_pre_body(%arg0: i32, %arg1: memref<1000x128xf32, #tpu.memory_space<vmem>>, %arg2: memref<1000x1xf32, #tpu.memory_space<vmem>>, %arg3: memref<1x128xf32, #tpu.memory_space<vmem>>, %arg4: memref<1x128xf32, #tpu.memory_space<vmem>>, %arg5: memref<128x128xf32, #tpu.memory_space<vmem>>, %arg6: memref<1x128xf32, #tpu.memory_space<vmem>>, %arg7: memref<1x128xf32, #tpu.memory_space<vmem>>, %arg8: memref<1x128xf32, #tpu.memory_space<vmem>>, %arg9: memref<128x128xf32, #tpu.memory_space<vmem>>, %arg10: memref<1000x128xf32, #tpu.memory_space<vmem>>, %arg11: memref<1000x128xf32, #tpu.memory_space<vmem>>) attributes {dimension_semantics = [#tpu.dimension_semantics<arbitrary>], iteration_bounds = array<i64: 10>, scalar_prefetch = 0 : i64, scratch_operands = 0 : i64, tpu.core_type = #tpu.core_type<tc>, window_params = [{transform_indices = @transform_0, window_bounds = array<i64: 1000, 128>}, {transform_indices = @transform_1, window_bounds = array<i64: 1000, 1>}, {pipeline_mode = #tpu.pipeline_mode<synchronous>, transform_indices = @transform_2, window_bounds = array<i64: 1, 128>}, {pipeline_mode = #tpu.pipeline_mode<synchronous>, transform_indices = @transform_3, window_bounds = array<i64: 1, 128>}, {pipeline_mode = #tpu.pipeline_mode<synchronous>, transform_indices = @transform_4, window_bounds = array<i64: 128, 128>}, {pipeline_mode = #tpu.pipeline_mode<synchronous>, transform_indices = @transform_5, window_bounds = array<i64: 1, 128>}, {pipeline_mode = #tpu.pipeline_mode<synchronous>, transform_indices = @transform_6, window_bounds = array<i64: 1, 128>}, {pipeline_mode = #tpu.pipeline_mode<synchronous>, transform_indices = @transform_7, window_bounds = array<i64: 1, 128>}, {pipeline_mode = #tpu.pipeline_mode<synchronous>, transform_indices = @transform_8, window_bounds = array<i64: 128, 128>}, {transform_indices = @transform_9, window_bounds = array<i64: 1000, 128>}, {transform_indices = @transform_10, window_bounds = array<i64: 1000, 128>}]} {
    %get3A = arith.constant 0 : index
    %get3A_0 = arith.constant 0 : index
    %get3A_1 = vector.load %arg1[%get3A, %get3A_0] : memref<1000x128xf32, #tpu.memory_space<vmem>>, vector<1000x128xf32>
    %get3A_2 = arith.constant 0 : index
    %get3A_3 = arith.constant 0 : index
    %get3A_4 = vector.load %arg3[%get3A_2, %get3A_3] : memref<1x128xf32, #tpu.memory_space<vmem>>, vector<1x128xf32>
    %get3A_5 = arith.constant 0 : index
    %get3A_6 = arith.constant 0 : index
    %get3A_7 = vector.load %arg4[%get3A_5, %get3A_6] : memref<1x128xf32, #tpu.memory_space<vmem>>, vector<1x128xf32>
    %reduce_sum3A = arith.constant dense<0.000000e+00> : vector<1000xf32>
    %reduce_sum3A_8 = vector.multi_reduction <add>, %get3A_1, %reduce_sum3A [1] : vector<1000x128xf32> to vector<1000xf32>
    %broadcast_in_dim3A = vector.shape_cast %reduce_sum3A_8 : vector<1000xf32> to vector<1000x1xf32>
    %div3A = arith.constant 1.280000e+02 : f32
    %div3A_9 = vector.broadcast %div3A : f32 to vector<1000x1xf32>
    %div3A_10 = arith.divf %broadcast_in_dim3A, %div3A_9 : vector<1000x1xf32>
    %sub3A = vector.broadcast %div3A_10 : vector<1000x1xf32> to vector<1000x128xf32>
    %sub3A_11 = arith.subf %get3A_1, %sub3A : vector<1000x128xf32>
    %integer_pow3A = arith.mulf %sub3A_11, %sub3A_11 : vector<1000x128xf32>
    %reduce_sum3A_12 = arith.constant dense<0.000000e+00> : vector<1000xf32>
    %reduce_sum3A_13 = vector.multi_reduction <add>, %integer_pow3A, %reduce_sum3A_12 [1] : vector<1000x128xf32> to vector<1000xf32>
    %broadcast_in_dim3A_14 = vector.shape_cast %reduce_sum3A_13 : vector<1000xf32> to vector<1000x1xf32>
    %div3A_15 = arith.constant 1.280000e+02 : f32
    %div3A_16 = vector.broadcast %div3A_15 : f32 to vector<1000x1xf32>
    %div3A_17 = arith.divf %broadcast_in_dim3A_14, %div3A_16 : vector<1000x1xf32>
    %sub3A_18 = vector.broadcast %div3A_10 : vector<1000x1xf32> to vector<1000x128xf32>
    %sub3A_19 = arith.subf %get3A_1, %sub3A_18 : vector<1000x128xf32>
    %add3A = arith.constant 9.99999974E-6 : f32
    %add3A_20 = vector.broadcast %add3A : f32 to vector<1000x1xf32>
    %add3A_21 = arith.addf %div3A_17, %add3A_20 : vector<1000x1xf32>
    %rsqrt3A = math.rsqrt %add3A_21 : vector<1000x1xf32>
    %mul3A = vector.broadcast %rsqrt3A : vector<1000x1xf32> to vector<1000x128xf32>
    %mul3A_22 = arith.mulf %sub3A_19, %mul3A : vector<1000x128xf32>
    %mul3A_23 = vector.broadcast %get3A_4 : vector<1x128xf32> to vector<1000x128xf32>
    %mul3A_24 = arith.mulf %mul3A_22, %mul3A_23 : vector<1000x128xf32>
    %add3A_25 = vector.broadcast %get3A_7 : vector<1x128xf32> to vector<1000x128xf32>
    %add3A_26 = arith.addf %mul3A_24, %add3A_25 : vector<1000x128xf32>
    %get3A_27 = arith.constant 0 : index
    %get3A_28 = arith.constant 0 : index
    %get3A_29 = vector.load %arg5[%get3A_27, %get3A_28] : memref<128x128xf32, #tpu.memory_space<vmem>>, vector<128x128xf32>
    %dot_general3A = arith.constant dense<0.000000e+00> : vector<1000x128xf32>
    %dot_general3A_30 = tpu.matmul %add3A_26, %get3A_29, %dot_general3A {dimension_numbers = #tpu.dot_dimension_numbers<[1], [1], [0], [0], [0, 0, 1, 0], [], []>, transpose_lhs_hint = false} : vector<1000x128xf32>, vector<128x128xf32>, vector<1000x128xf32> -> vector<1000x128xf32>
    %get3A_31 = arith.constant 0 : index
    %get3A_32 = arith.constant 0 : index
    %get3A_33 = vector.load %arg6[%get3A_31, %get3A_32] : memref<1x128xf32, #tpu.memory_space<vmem>>, vector<1x128xf32>
    %add3A_34 = vector.broadcast %get3A_33 : vector<1x128xf32> to vector<1000x128xf32>
    %add3A_35 = arith.addf %dot_general3A_30, %add3A_34 : vector<1000x128xf32>
    %mul3A_36 = arith.constant 5.000000e-01 : f32
    %mul3A_37 = vector.broadcast %mul3A_36 : f32 to vector<1000x128xf32>
    %mul3A_38 = arith.mulf %mul3A_37, %add3A_35 : vector<1000x128xf32>
    %mul3A_39 = arith.constant 0.707106769 : f32
    %mul3A_40 = vector.broadcast %mul3A_39 : f32 to vector<1000x128xf32>
    %mul3A_41 = arith.mulf %add3A_35, %mul3A_40 : vector<1000x128xf32>
    %erf3A = math.erf %mul3A_41 : vector<1000x128xf32>
    %add3A_42 = arith.constant 1.000000e+00 : f32
    %add3A_43 = vector.broadcast %add3A_42 : f32 to vector<1000x128xf32>
    %add3A_44 = arith.addf %add3A_43, %erf3A : vector<1000x128xf32>
    %mul3A_45 = arith.mulf %mul3A_38, %add3A_44 : vector<1000x128xf32>
    %get3A_46 = arith.constant 0 : index
    %get3A_47 = arith.constant 0 : index
    %get3A_48 = vector.load %arg7[%get3A_46, %get3A_47] : memref<1x128xf32, #tpu.memory_space<vmem>>, vector<1x128xf32>
    %get3A_49 = arith.constant 0 : index
    %get3A_50 = arith.constant 0 : index
    %get3A_51 = vector.load %arg8[%get3A_49, %get3A_50] : memref<1x128xf32, #tpu.memory_space<vmem>>, vector<1x128xf32>
    %reduce_sum3A_52 = arith.constant dense<0.000000e+00> : vector<1000xf32>
    %reduce_sum3A_53 = vector.multi_reduction <add>, %mul3A_45, %reduce_sum3A_52 [1] : vector<1000x128xf32> to vector<1000xf32>
    %broadcast_in_dim3A_54 = vector.shape_cast %reduce_sum3A_53 : vector<1000xf32> to vector<1000x1xf32>
    %div3A_55 = arith.constant 1.280000e+02 : f32
    %div3A_56 = vector.broadcast %div3A_55 : f32 to vector<1000x1xf32>
    %div3A_57 = arith.divf %broadcast_in_dim3A_54, %div3A_56 : vector<1000x1xf32>
    %sub3A_58 = vector.broadcast %div3A_57 : vector<1000x1xf32> to vector<1000x128xf32>
    %sub3A_59 = arith.subf %mul3A_45, %sub3A_58 : vector<1000x128xf32>
    %integer_pow3A_60 = arith.mulf %sub3A_59, %sub3A_59 : vector<1000x128xf32>
    %reduce_sum3A_61 = arith.constant dense<0.000000e+00> : vector<1000xf32>
    %reduce_sum3A_62 = vector.multi_reduction <add>, %integer_pow3A_60, %reduce_sum3A_61 [1] : vector<1000x128xf32> to vector<1000xf32>
    %broadcast_in_dim3A_63 = vector.shape_cast %reduce_sum3A_62 : vector<1000xf32> to vector<1000x1xf32>
    %div3A_64 = arith.constant 1.280000e+02 : f32
    %div3A_65 = vector.broadcast %div3A_64 : f32 to vector<1000x1xf32>
    %div3A_66 = arith.divf %broadcast_in_dim3A_63, %div3A_65 : vector<1000x1xf32>
    %sub3A_67 = vector.broadcast %div3A_57 : vector<1000x1xf32> to vector<1000x128xf32>
    %sub3A_68 = arith.subf %mul3A_45, %sub3A_67 : vector<1000x128xf32>
    %add3A_69 = arith.constant 9.99999974E-6 : f32
    %add3A_70 = vector.broadcast %add3A_69 : f32 to vector<1000x1xf32>
    %add3A_71 = arith.addf %div3A_66, %add3A_70 : vector<1000x1xf32>
    %rsqrt3A_72 = math.rsqrt %add3A_71 : vector<1000x1xf32>
    %mul3A_73 = vector.broadcast %rsqrt3A_72 : vector<1000x1xf32> to vector<1000x128xf32>
    %mul3A_74 = arith.mulf %sub3A_68, %mul3A_73 : vector<1000x128xf32>
    %mul3A_75 = vector.broadcast %get3A_48 : vector<1x128xf32> to vector<1000x128xf32>
    %mul3A_76 = arith.mulf %mul3A_74, %mul3A_75 : vector<1000x128xf32>
    %add3A_77 = vector.broadcast %get3A_51 : vector<1x128xf32> to vector<1000x128xf32>
    %add3A_78 = arith.addf %mul3A_76, %add3A_77 : vector<1000x128xf32>
    %get3A_79 = arith.constant 0 : index
    %get3A_80 = arith.constant 0 : index
    %get3A_81 = vector.load %arg2[%get3A_79, %get3A_80] : memref<1000x1xf32, #tpu.memory_space<vmem>>, vector<1000x1xf32>
    %get3A_82 = arith.constant 0 : index
    %get3A_83 = arith.constant 0 : index
    %get3A_84 = vector.load %arg9[%get3A_82, %get3A_83] : memref<128x128xf32, #tpu.memory_space<vmem>>, vector<128x128xf32>
    %dot_general3A_85 = arith.constant dense<0.000000e+00> : vector<1000x128xf32>
    %dot_general3A_86 = tpu.matmul %add3A_78, %get3A_84, %dot_general3A_85 {dimension_numbers = #tpu.dot_dimension_numbers<[1], [1], [0], [0], [0, 0, 1, 0], [], []>, transpose_lhs_hint = false} : vector<1000x128xf32>, vector<128x128xf32>, vector<1000x128xf32> -> vector<1000x128xf32>
    %mul3A_87 = vector.broadcast %get3A_81 : vector<1000x1xf32> to vector<1000x128xf32>
    %mul3A_88 = arith.mulf %mul3A_87, %dot_general3A_86 : vector<1000x128xf32>
    %swap3A = arith.constant 0 : index
    %swap3A_89 = arith.constant 0 : index
    %swap3A_90 = vector.load %arg10[%swap3A, %swap3A_89] : memref<1000x128xf32, #tpu.memory_space<vmem>>, vector<1000x128xf32>
    tpu.vector_store %arg10[%swap3A, %swap3A_89], %mul3A_45 {strides = array<i32>} : memref<1000x128xf32, #tpu.memory_space<vmem>>, vector<1000x128xf32>,
    %swap3A_91 = arith.constant 0 : index
    %swap3A_92 = arith.constant 0 : index
    %swap3A_93 = vector.load %arg11[%swap3A_91, %swap3A_92] : memref<1000x128xf32, #tpu.memory_space<vmem>>, vector<1000x128xf32>
    tpu.vector_store %arg11[%swap3A_91, %swap3A_92], %mul3A_88 {strides = array<i32>} : memref<1000x128xf32, #tpu.memory_space<vmem>>, vector<1000x128xf32>,
    return
  }
  func.func @transform_0(%arg0: i32) -> (i32, i32) {
    %c0_i32 = arith.constant 0 : i32
    %c0_i32_0 = arith.constant 0 : i32
    return %arg0, %c0_i32 : i32, i32
  }
  func.func @transform_1(%arg0: i32) -> (i32, i32) {
    %c0_i32 = arith.constant 0 : i32
    %c0_i32_0 = arith.constant 0 : i32
    return %arg0, %c0_i32 : i32, i32
  }
  func.func @transform_2(%arg0: i32) -> (i32, i32) {
    %c0_i32 = arith.constant 0 : i32
    %c0_i32_0 = arith.constant 0 : i32
    %c0_i32_1 = arith.constant 0 : i32
    return %c0_i32, %c0_i32_0 : i32, i32
  }
  func.func @transform_3(%arg0: i32) -> (i32, i32) {
    %c0_i32 = arith.constant 0 : i32
    %c0_i32_0 = arith.constant 0 : i32
    %c0_i32_1 = arith.constant 0 : i32
    return %c0_i32, %c0_i32_0 : i32, i32
  }
  func.func @transform_4(%arg0: i32) -> (i32, i32) {
    %c0_i32 = arith.constant 0 : i32
    %c0_i32_0 = arith.constant 0 : i32
    %c0_i32_1 = arith.constant 0 : i32
    return %c0_i32, %c0_i32_0 : i32, i32
  }
  func.func @transform_5(%arg0: i32) -> (i32, i32) {
    %c0_i32 = arith.constant 0 : i32
    %c0_i32_0 = arith.constant 0 : i32
    %c0_i32_1 = arith.constant 0 : i32
    return %c0_i32, %c0_i32_0 : i32, i32
  }
  func.func @transform_6(%arg0: i32) -> (i32, i32) {
    %c0_i32 = arith.constant 0 : i32
    %c0_i32_0 = arith.constant 0 : i32
    %c0_i32_1 = arith.constant 0 : i32
    return %c0_i32, %c0_i32_0 : i32, i32
  }
  func.func @transform_7(%arg0: i32) -> (i32, i32) {
    %c0_i32 = arith.constant 0 : i32
    %c0_i32_0 = arith.constant 0 : i32
    %c0_i32_1 = arith.constant 0 : i32
    return %c0_i32, %c0_i32_0 : i32, i32
  }
  func.func @transform_8(%arg0: i32) -> (i32, i32) {
    %c0_i32 = arith.constant 0 : i32
    %c0_i32_0 = arith.constant 0 : i32
    %c0_i32_1 = arith.constant 0 : i32
    return %c0_i32, %c0_i32_0 : i32, i32
  }
  func.func @transform_9(%arg0: i32) -> (i32, i32) {
    %c0_i32 = arith.constant 0 : i32
    %c0_i32_0 = arith.constant 0 : i32
    return %arg0, %c0_i32 : i32, i32
  }
  func.func @transform_10(%arg0: i32) -> (i32, i32) {
    %c0_i32 = arith.constant 0 : i32
    %c0_i32_0 = arith.constant 0 : i32
    return %arg0, %c0_i32 : i32, i32
  }
}

module attributes {stable_mosaic.version = 14 : i64} {
  func.func @_post_final_body(%arg0: i32, %arg1: memref<2x1000x128xf32, #tpu.memory_space<vmem>>, %arg2: memref<1000x128xf32, #tpu.memory_space<vmem>>, %arg3: memref<1000x128xf32, #tpu.memory_space<vmem>>, %arg4: memref<1000x128xf32, #tpu.memory_space<vmem>>, %arg5: memref<1000x1xf32, #tpu.memory_space<vmem>>, %arg6: memref<1x128xf32, #tpu.memory_space<vmem>>, %arg7: memref<128x128xf32, #tpu.memory_space<vmem>>, %arg8: memref<1x128xf32, #tpu.memory_space<vmem>>, %arg9: memref<64x128xf32, #tpu.memory_space<vmem>>, %arg10: memref<1x64xf32, #tpu.memory_space<vmem>>, %arg11: memref<1000x64xf32, #tpu.memory_space<vmem>>) attributes {dimension_semantics = [#tpu.dimension_semantics<arbitrary>], iteration_bounds = array<i64: 10>, scalar_prefetch = 0 : i64, scratch_operands = 0 : i64, tpu.core_type = #tpu.core_type<tc>, window_params = [{transform_indices = @transform_0, window_bounds = array<i64: 2, 1000, 128>}, {transform_indices = @transform_1, window_bounds = array<i64: 1000, 128>}, {transform_indices = @transform_2, window_bounds = array<i64: 1000, 128>}, {transform_indices = @transform_3, window_bounds = array<i64: 1000, 128>}, {transform_indices = @transform_4, window_bounds = array<i64: 1000, 1>}, {pipeline_mode = #tpu.pipeline_mode<synchronous>, transform_indices = @transform_5, window_bounds = array<i64: 1, 128>}, {pipeline_mode = #tpu.pipeline_mode<synchronous>, transform_indices = @transform_6, window_bounds = array<i64: 128, 128>}, {pipeline_mode = #tpu.pipeline_mode<synchronous>, transform_indices = @transform_7, window_bounds = array<i64: 1, 128>}, {pipeline_mode = #tpu.pipeline_mode<synchronous>, transform_indices = @transform_8, window_bounds = array<i64: 64, 128>}, {pipeline_mode = #tpu.pipeline_mode<synchronous>, transform_indices = @transform_9, window_bounds = array<i64: 1, 64>}, {transform_indices = @transform_10, window_bounds = array<i64: 1000, 64>}]} {
    %get3A = arith.constant 0 : index
    %get3A_0 = arith.constant 0 : index
    %get3A_1 = arith.constant 0 : index
    %get3A_2 = vector.load %arg1[%get3A, %get3A_0, %get3A_1] : memref<2x1000x128xf32, #tpu.memory_space<vmem>>, vector<1x1000x128xf32>
    %get3A_3 = vector.shape_cast %get3A_2 : vector<1x1000x128xf32> to vector<1000x128xf32>
    %get3A_4 = arith.constant 1 : index
    %get3A_5 = arith.constant 0 : index
    %get3A_6 = arith.constant 0 : index
    %get3A_7 = vector.load %arg1[%get3A_4, %get3A_5, %get3A_6] : memref<2x1000x128xf32, #tpu.memory_space<vmem>>, vector<1x1000x128xf32>
    %get3A_8 = vector.shape_cast %get3A_7 : vector<1x1000x128xf32> to vector<1000x128xf32>
    %add3A = arith.addf %get3A_3, %get3A_8 : vector<1000x128xf32>
    %get3A_9 = arith.constant 0 : index
    %get3A_10 = arith.constant 0 : index
    %get3A_11 = vector.load %arg2[%get3A_9, %get3A_10] : memref<1000x128xf32, #tpu.memory_space<vmem>>, vector<1000x128xf32>
    %mul3A = arith.constant 2.000000e+00 : f32
    %mul3A_12 = vector.broadcast %mul3A : f32 to vector<1000x128xf32>
    %mul3A_13 = arith.mulf %mul3A_12, %get3A_11 : vector<1000x128xf32>
    %add3A_14 = arith.addf %add3A, %mul3A_13 : vector<1000x128xf32>
    %get3A_15 = arith.constant 0 : index
    %get3A_16 = arith.constant 0 : index
    %get3A_17 = vector.load %arg5[%get3A_15, %get3A_16] : memref<1000x1xf32, #tpu.memory_space<vmem>>, vector<1000x1xf32>
    %mul3A_18 = vector.broadcast %get3A_17 : vector<1000x1xf32> to vector<1000x128xf32>
    %mul3A_19 = arith.mulf %mul3A_18, %add3A_14 : vector<1000x128xf32>
    %get3A_20 = arith.constant 0 : index
    %get3A_21 = arith.constant 0 : index
    %get3A_22 = vector.load %arg6[%get3A_20, %get3A_21] : memref<1x128xf32, #tpu.memory_space<vmem>>, vector<1x128xf32>
    %add3A_23 = vector.broadcast %get3A_22 : vector<1x128xf32> to vector<1000x128xf32>
    %add3A_24 = arith.addf %mul3A_19, %add3A_23 : vector<1000x128xf32>
    %tanh3A = math.tanh %add3A_24 : vector<1000x128xf32>
    %get3A_25 = arith.constant 0 : index
    %get3A_26 = arith.constant 0 : index
    %get3A_27 = vector.load %arg3[%get3A_25, %get3A_26] : memref<1000x128xf32, #tpu.memory_space<vmem>>, vector<1000x128xf32>
    %mul3A_28 = arith.mulf %tanh3A, %get3A_27 : vector<1000x128xf32>
    %get3A_29 = arith.constant 0 : index
    %get3A_30 = arith.constant 0 : index
    %get3A_31 = vector.load %arg4[%get3A_29, %get3A_30] : memref<1000x128xf32, #tpu.memory_space<vmem>>, vector<1000x128xf32>
    %get3A_32 = arith.constant 0 : index
    %get3A_33 = arith.constant 0 : index
    %get3A_34 = vector.load %arg7[%get3A_32, %get3A_33] : memref<128x128xf32, #tpu.memory_space<vmem>>, vector<128x128xf32>
    %dot_general3A = arith.constant dense<0.000000e+00> : vector<1000x128xf32>
    %dot_general3A_35 = tpu.matmul %mul3A_28, %get3A_34, %dot_general3A {dimension_numbers = #tpu.dot_dimension_numbers<[1], [1], [0], [0], [0, 0, 1, 0], [], []>, transpose_lhs_hint = false} : vector<1000x128xf32>, vector<128x128xf32>, vector<1000x128xf32> -> vector<1000x128xf32>
    %add3A_36 = arith.addf %get3A_31, %dot_general3A_35 : vector<1000x128xf32>
    %get3A_37 = arith.constant 0 : index
    %get3A_38 = arith.constant 0 : index
    %get3A_39 = vector.load %arg8[%get3A_37, %get3A_38] : memref<1x128xf32, #tpu.memory_space<vmem>>, vector<1x128xf32>
    %add3A_40 = vector.broadcast %get3A_39 : vector<1x128xf32> to vector<1000x128xf32>
    %add3A_41 = arith.addf %add3A_36, %add3A_40 : vector<1000x128xf32>
    %get3A_42 = arith.constant 0 : index
    %get3A_43 = arith.constant 0 : index
    %get3A_44 = vector.load %arg9[%get3A_42, %get3A_43] : memref<64x128xf32, #tpu.memory_space<vmem>>, vector<64x128xf32>
    %dot_general3A_45 = arith.constant dense<0.000000e+00> : vector<1000x64xf32>
    %dot_general3A_46 = tpu.matmul %add3A_41, %get3A_44, %dot_general3A_45 {dimension_numbers = #tpu.dot_dimension_numbers<[1], [1], [0], [0], [0, 0, 1, 0], [], []>, transpose_lhs_hint = false} : vector<1000x128xf32>, vector<64x128xf32>, vector<1000x64xf32> -> vector<1000x64xf32>
    %get3A_47 = arith.constant 0 : index
    %get3A_48 = arith.constant 0 : index
    %get3A_49 = vector.load %arg10[%get3A_47, %get3A_48] : memref<1x64xf32, #tpu.memory_space<vmem>>, vector<1x64xf32>
    %add3A_50 = vector.broadcast %get3A_49 : vector<1x64xf32> to vector<1000x64xf32>
    %add3A_51 = arith.addf %dot_general3A_46, %add3A_50 : vector<1000x64xf32>
    %swap3A = arith.constant 0 : index
    %swap3A_52 = arith.constant 0 : index
    %swap3A_53 = vector.load %arg11[%swap3A, %swap3A_52] : memref<1000x64xf32, #tpu.memory_space<vmem>>, vector<1000x64xf32>
    tpu.vector_store %arg11[%swap3A, %swap3A_52], %add3A_51 {strides = array<i32>} : memref<1000x64xf32, #tpu.memory_space<vmem>>, vector<1000x64xf32>,
    return
  }
  func.func @transform_0(%arg0: i32) -> (i32, i32, i32) {
    %c0_i32 = arith.constant 0 : i32
    %c0_i32_0 = arith.constant 0 : i32
    %c0_i32_1 = arith.constant 0 : i32
    return %c0_i32, %arg0, %c0_i32_0 : i32, i32, i32
  }
  func.func @transform_1(%arg0: i32) -> (i32, i32) {
    %c0_i32 = arith.constant 0 : i32
    %c0_i32_0 = arith.constant 0 : i32
    return %arg0, %c0_i32 : i32, i32
  }
  func.func @transform_2(%arg0: i32) -> (i32, i32) {
    %c0_i32 = arith.constant 0 : i32
    %c0_i32_0 = arith.constant 0 : i32
    return %arg0, %c0_i32 : i32, i32
  }
  func.func @transform_3(%arg0: i32) -> (i32, i32) {
    %c0_i32 = arith.constant 0 : i32
    %c0_i32_0 = arith.constant 0 : i32
    return %arg0, %c0_i32 : i32, i32
  }
  func.func @transform_4(%arg0: i32) -> (i32, i32) {
    %c0_i32 = arith.constant 0 : i32
    %c0_i32_0 = arith.constant 0 : i32
    return %arg0, %c0_i32 : i32, i32
  }
  func.func @transform_5(%arg0: i32) -> (i32, i32) {
    %c0_i32 = arith.constant 0 : i32
    %c0_i32_0 = arith.constant 0 : i32
    %c0_i32_1 = arith.constant 0 : i32
    return %c0_i32, %c0_i32_0 : i32, i32
  }
  func.func @transform_6(%arg0: i32) -> (i32, i32) {
    %c0_i32 = arith.constant 0 : i32
    %c0_i32_0 = arith.constant 0 : i32
    %c0_i32_1 = arith.constant 0 : i32
    return %c0_i32, %c0_i32_0 : i32, i32
  }
  func.func @transform_7(%arg0: i32) -> (i32, i32) {
    %c0_i32 = arith.constant 0 : i32
    %c0_i32_0 = arith.constant 0 : i32
    %c0_i32_1 = arith.constant 0 : i32
    return %c0_i32, %c0_i32_0 : i32, i32
  }
  func.func @transform_8(%arg0: i32) -> (i32, i32) {
    %c0_i32 = arith.constant 0 : i32
    %c0_i32_0 = arith.constant 0 : i32
    %c0_i32_1 = arith.constant 0 : i32
    return %c0_i32, %c0_i32_0 : i32, i32
  }
  func.func @transform_9(%arg0: i32) -> (i32, i32) {
    %c0_i32 = arith.constant 0 : i32
    %c0_i32_0 = arith.constant 0 : i32
    %c0_i32_1 = arith.constant 0 : i32
    return %c0_i32, %c0_i32_0 : i32, i32
  }
  func.func @transform_10(%arg0: i32) -> (i32, i32) {
    %c0_i32 = arith.constant 0 : i32
    %c0_i32_0 = arith.constant 0 : i32
    return %arg0, %c0_i32 : i32, i32
  }
}

</mosaic_0001>

<sc_bundles>
// kernel: kernel.10.cloned.1.call-start
scs
__scs_entry_jumppad:
0x0: {  	(pc) =	sbr.rel $0x88, $3  }
0x1: {  	(tag) =	ssettag $0x0;
	lr =	simm.s32 $0x1  }
0x2: {  	[smem:$0x3F91] =	sst lr;
	_ =	strace $0xD0000000  }
0x3: {  	_ = 	snop  }
0x4: {  	_ = 	snop  }
0x5: {  	_ = 	snop  }
0x6: {  	_ = 	snop  }
0x7: {  	_ = 	snop  }
__scs_overlays_trampoline_lowered:
0x8: {  	[smem:$0x3FA0] =	sst s0  }
0x9: {  	[smem:$0x3FA1] =	sst s1  }
0xa: {  	[smem:$0x3FA2] =	sst s2  }
0xb: {  	[smem:$0x3FA3] =	sst s3  }
0xc: {  	[smem:$0x3FA4] =	sst s4  }
0xd: {  	[smem:$0x3FA5] =	sst s5  }
0xe: {  	[smem:$0x3FA6] =	sst s6  }
0xf: {  	[smem:$0x3FA7] =	sst s7  }
0x10: {  	[smem:$0x3FA8] =	sst s8  }
0x11: {  	[smem:$0x3FA9] =	sst s9;
	s0 =	simm.s32 @!p0 $0x0  }
0x12: {  	s1 =	sld [smem:$0x3F8F];
	s0 =	simm.s32 @p0 $0x1  }
0x13: {  	[smem:$0x3FAA] =	sst s0;
	s0 =	simm.s32 @!p1 $0x0  }
0x14: {  	s2 =	sld [smem:$0x3F8E];
	s0 =	simm.s32 @p1 $0x1  }
0x15: {  	[smem:$0x3FAB] =	sst s0;
	s0 =	simm.s32 @!p2 $0x0  }
0x16: {  	s3 =	sld [smem:$0x3FDB];
	s0 =	simm.s32 @p2 $0x1  }
0x17: {  	s4 =	simm.s32 $0x1BF5;
	[smem:$0x3FAD] =	sst s0  }
0x18: {  	s0 =	sld [smem:$0x3F90];
	_ =	swait.ge [sflag:s4], $0x0  }
0x19: {  	s7 =	sld [smem:$0x3F91]  }
0x1a: {  	s8 =	sadd.s32 $0xFFFFE003, lr  }
0x1b: {  	s9 =	sadd.s32 $0xFFFFFEF7, lr;
	s5 =	simm.s32 $0xFFFFFFFF;
	p2 =	slt.u32 s8, $0xFFFFF086  }
0x1c: {  	p1 =	slt.u32 s9, $0xF7A;
	s5 =	simm.s32 @!p2 $0x0  }
0x1d: {  	s5 =	simm.s32 @p1 $0x1;
	p0 =	seq.s32 s7, s2  }
0x1e: {  	s7 =	smul.u32 @!p0 $0xF7A, s2;
	p2 =	seq.s32 @!p0 s5, $0x0  }
0x1f: {  	s9 =	smul.u32 $0xF7A, s1;
	s8 =	simm.s32 @!p0 $0x1BF5;
	p2 =	por !p2, p0  }
0x20: {  	[sflag:s8] =	ssyncset.s32 @!p0 $0xFFFFF086;
	s6 =	sadd.s32 @!p0 s3, s7;
	s7 =	simm.s32 @!p0 $0x108  }
0x21: {  	s3 =	sadd.s32 s3, s9;
	s6 =	sadd.s32 @!p0 $0x88, s6;
	s7 =	simm.s32 @p2 $0x1082  }
0x22: {  	[simem:s7], [sflag:s8] =	dma.local @!p0 [hbm:s6], $0xF7A  }
0x23: {  	s9 =	sor.u32 $0xD0000000, s2;
	s6 =	simm.s32 $0x108;
	_ =	swait.ge @!p0 [sflag:s8], $0x0  }
0x24: {  	s3 =	sadd.s32 $0x88, s3;
	s6 =	simm.s32 @!p1 $0x1082;
	[sflag:s4] =	ssyncset.s32 $0xFFFFF086  }
0x25: {  	[simem:s6], [sflag:s4] =	dma.local [hbm:s3], $0xF7A  }
0x26: {  	[smem:$0x3F91] =	sst s1;
	(tag) =	ssettag s2;
	_ =	strace s9  }
0x27: {  	s1 =	sld [smem:$0x3FA1]  }
0x28: {  	s2 =	sld [smem:$0x3FA2]  }
0x29: {  	s4 =	sld [smem:$0x3FA4]  }
0x2a: {  	p0 =	seq.s32 s5, $0x0;
	s5 =	sld [smem:$0x3FA5]  }
0x2b: {  	s6 =	sld [smem:$0x3FA6]  }
0x2c: {  	s7 =	sld [smem:$0x3FA7]  }
0x2d: {  	s3 =	simm.s32 $0x108;
	s8 =	sld [smem:$0x3FA8]  }
0x2e: {  	s3 =	simm.s32 @!p0 $0x1082;
	s9 =	sld [smem:$0x3FA9]  }
0x2f: {  	lr =	sadd.s32 s0, s3;
	s0 =	sld [smem:$0x3FA0]  }
0x30: {  	s3 =	sld [smem:$0x3FA3]  }
0x31: {  	[smem:$0x3FAC] =	sst s10  }
0x32: {  	s10 =	sld [smem:$0x3FAA];
	_ =	sdelay $0x3  }
0x33: {  	p0 =	seq.s32 s10, $0x1;
	s10 =	sld [smem:$0x3FAC];
	_ =	sdelay $0x3  }
0x34: {  	[smem:$0x3FAC] =	sst s10  }
0x35: {  	s10 =	sld [smem:$0x3FAB];
	_ =	sdelay $0x3  }
0x36: {  	p1 =	seq.s32 s10, $0x1;
	s10 =	sld [smem:$0x3FAC];
	_ =	sdelay $0x3  }
0x37: {  	[smem:$0x3FAC] =	sst s10  }
0x38: {  	s10 =	sld [smem:$0x3FAD]  }
0x39: {  	_ = 	snop;
	(pc) =	sbr.ind lr, $3  }
0x3a: {  	_ = 	snop  }
0x3b: {  	_ = 	snop  }
0x3c: {  	p2 =	seq.s32 s10, $0x1;
	s10 =	sld [smem:$0x3FAC]  }
0x3d: {  	_ =	shalt  }
0x3e: {  	_ =	shalt  }
0x3f: {  	_ =	shalt  }
0x40: {  	_ =	shalt  }
0x41: {  	_ =	shalt  }
0x42: {  	_ =	shalt  }
0x43: {  	_ =	shalt  }
0x44: {  	_ =	shalt  }
0x45: {  	_ =	shalt  }
0x46: {  	_ =	shalt  }
0x47: {  	_ =	shalt  }
0x48: {  	_ =	shalt  }
0x49: {  	_ =	shalt  }
0x4a: {  	_ =	shalt  }
0x4b: {  	_ =	shalt  }
0x4c: {  	_ =	shalt  }
0x4d: {  	_ =	shalt  }
0x4e: {  	_ =	shalt  }
0x4f: {  	_ =	shalt  }
0x50: {  	_ =	shalt  }
0x51: {  	_ =	shalt  }
0x52: {  	_ =	shalt  }
0x53: {  	_ =	shalt  }
0x54: {  	_ =	shalt  }
0x55: {  	_ =	shalt  }
0x56: {  	_ =	shalt  }
0x57: {  	_ =	shalt  }
0x58: {  	_ =	shalt  }
0x59: {  	_ =	shalt  }
0x5a: {  	_ =	shalt  }
0x5b: {  	_ =	shalt  }
0x5c: {  	_ =	shalt  }
0x5d: {  	_ =	shalt  }
0x5e: {  	_ =	shalt  }
0x5f: {  	_ =	shalt  }
0x60: {  	_ =	shalt  }
0x61: {  	_ =	shalt  }
0x62: {  	_ =	shalt  }
0x63: {  	_ =	shalt  }
0x64: {  	_ =	shalt  }
0x65: {  	_ =	shalt  }
0x66: {  	_ =	shalt  }
0x67: {  	_ =	shalt  }
0x68: {  	_ =	shalt  }
0x69: {  	_ =	shalt  }
0x6a: {  	_ =	shalt  }
0x6b: {  	_ =	shalt  }
0x6c: {  	_ =	shalt  }
0x6d: {  	_ =	shalt  }
0x6e: {  	_ =	shalt  }
0x6f: {  	_ =	shalt  }
0x70: {  	_ =	shalt  }
0x71: {  	_ =	shalt  }
0x72: {  	_ =	shalt  }
0x73: {  	_ =	shalt  }
0x74: {  	_ =	shalt  }
0x75: {  	_ =	shalt  }
0x76: {  	_ =	shalt  }
0x77: {  	_ =	shalt  }
0x78: {  	_ =	shalt  }
0x79: {  	_ =	shalt  }
0x7a: {  	_ =	shalt  }
0x7b: {  	_ =	shalt  }
0x7c: {  	_ =	shalt  }
0x7d: {  	_ =	shalt  }
0x7e: {  	_ =	shalt  }
0x7f: {  	_ =	shalt  }
0x80: {  	_ =	shalt  }
0x81: {  	_ =	shalt  }
0x82: {  	_ =	shalt  }
0x83: {  	_ =	shalt  }
0x84: {  	_ =	shalt  }
0x85: {  	_ =	shalt  }
0x86: {  	_ =	shalt  }
0x87: {  	_ =	shalt  }
.Lfunc_end0:
.L_simem_size_0:
called_computation_lowered:
.L_overlay_start_0:
0x88: {  	s2 =	sld [smem:$0x3FD9]  }
0x89: {  	s3 =	sld [smem:$0x3FFE];
	_ =	sdelay $0x1  }
0x8a: {  	s1 =	srdreg.scid  }
0x8b: {  	s0 =	sand.u32 $0x1, s1  }
0x8c: {  	s18 =	sshll.u32 s0, $0xA;
	s2 =	sadd.s32 s3, s2  }
0x8d: {  	s2 =	sadd.s32 s2, s18  }
0x8e: {  	[smem:$0x3FB8] =	sst s2  }
0x8f: {  	_ = 	snop  }
0x90: {  	s2 =	sld [smem:$0x3FC8]  }
0x91: {  	s19 =	sld [smem:$0x3FD0];
	(tm) =	ssettm $0x1  }
0x92: {  	s4 =	sld [smem:$0x3FFB];
	_ =	sdelay $0x3  }
0x93: {  	_ =	strace s4  }
0x94: {  	s4 =	sld [smem:$0x3FFC];
	_ =	sdelay $0x3  }
0x95: {  	_ =	strace s4  }
0x96: {  	s4 =	sld [smem:$0x3FFD];
	_ =	sdelay $0x3  }
0x97: {  	_ =	strace s4  }
0x98: {  	_ =	strace $0x8FFFFFFF  }
0x99: {  	s20 =	sld [smem:$0x3FDB];
	_ =	sdelay $0x1  }
0x9a: {  	s5 =	simm.s32 $_scs_section_size  }
0x9b: {  	s6 =	simm.s32 $_size__tile_overlayer_lowered;
	s7 =	simm.s32 $_tile_overlayer_lowered  }
0x9c: {  	s23 =	simm.s32 $0x1BFF;
	s22 =	sshll.u32 s7, $0x1;
	s4 =	sadd.s32 s5, s20  }
0x9d: {  	s8 =	simm.s32 $0x0;
	s21 =	sshll.u32 s6, $0x1;
	s6 =	sadd.s32 s22, s4  }
0x9e: {  	[timem:s8], [sflag:s23] =	dma.local [hbm:s6], s21  }
0x9f: {  	_ =	swait.ge [sflag:s23], s21  }
0xa0: {  	s5 =	ssub.s32 $0x0, s21;
	[sflag:s23] =	ssyncset.done $0x0  }
0xa1: {  	[sflag:s23] =	ssyncadd.s32 s5;
	_ =	sdelay $0x1  }
0xa2: {  	s24 =	simm.s32 $0x1B8B  }
0xa3: {  	_ =	swait.ge [sflag:s24], $0x1  }
0xa4: {  	[sflag:s24] =	ssyncset.done $0x0  }
0xa5: {  	s25 =	simm.s32 $0x1B8E;
	[sflag:s24] =	ssyncadd.s32 $0xFFFFFFFF  }
0xa6: {  	s26 =	simm.s32 $execute0_lowered;
	[smem:$0x3FD2] =	sst s25  }
0xa7: {  	s5 =	sshll.u32 s26, $0x1;
	_ =	strace $0x80000046;
	[dreg:$0x1] =	wrdreg $0xFFFFFFFF  }
0xa8: {  	s28 =	simm.s32 $_size_execute0_lowered;
	s4 =	sadd.s32 s4, s5;
	[dreg:$0x0] =	wrdreg $0x0  }
0xa9: {  	s5 =	sshll.u32 s28, $0x1;
	[dreg:$0x2] =	wrdreg s4  }
0xaa: {  	[dreg:$0x3] =	wrdreg s5  }
0xab: {  	[dreg:$0x4] =	wrdreg $0xC0  }
0xac: {  	_ =	task [dreg:s8], $0x5FFFF  }
0xad: {  	[dreg:$0x1] =	wrdreg $0xFFFFFFFF  }
0xae: {  	[dreg:$0x0] =	wrdreg $0x60  }
0xaf: {  	[dreg:$0x2] =	wrdreg s2  }
0xb0: {  	[dreg:$0x3] =	wrdreg s19  }
0xb1: {  	[dreg:$0x4] =	wrdreg $0x9  }
0xb2: {  	_ =	task.clear_ibuf [dreg:s8], $0x5FFFF;
	_ =	strace $0x90000046  }
0xb3: {  	s29 =	simm.s32 $0x9;
	_ =	strace $0x80000048  }
0xb4: {  	_ =	swait.ge [sflag:s29], $0x1  }
0xb5: {  	[sflag:s29] =	ssyncadd.s32 $0xFFFFFFFF  }
0xb6: {  	_ =	strace $0x90000048  }
0xb7: {  	_ =	sfence  }
0xb8: {  	s30 =	sld [smem:$0x0];
	_ =	sdelay $0x2  }
0xb9: {  	s31 =	sshll.u32 s1, $0xD;
	s1 =	sshrl.u32 s1, $0x2  }
0xba: {  	s3 =	sand.u32 $0x4000, s31;
	s1 =	sadd.s32 s1, s30  }
0xbb: {  	s0 =	sor.u32 s3, s0;
	s1 =	sshll.u32 s1, $0x11  }
0xbc: {  	s0 =	sor.u32 s1, s0  }
0xbd: {  	s0 =	sadd.s32 $0x8F2B, s0  }
0xbe: {  	[sflag:s0] =	ssyncadd.remote.s32 $0x1  }
0xbf: {  	_ =	sfence.sel $0xFFFF  }
0xc0: {  	[dreg:$0x0] =	wrdreg $0xFFFFFFFF;
	(pc) =	sbr.abs _section_cstart, $3  }
0xc1: {  	[dreg:$0x1] =	wrdreg $0xFFFFFFFF  }
0xc2: {  	_ =	task.clear_ibuf [dreg:s8], $0x2FFFF;
	_ =	strace $0x9FFFFFFF  }
0xc3: {  	(tm) =	ssettm $0x7FFFFFFF  }
tec
execute0_lowered:
.L_overlay_start_1:
0x0: {  	(tag) =	ssettag $0x1  }
0x1: {  	s3 =	rddreg [dreg:$0x0]  }
0x2: {  	s5 =	rddreg [dreg:$0x1];
	s1 =	srdreg.scid  }
0x3: {  	s0 =	rddreg [dreg:$0x2];
	s2 =	simm.s32 $0x0;
	s10 =	simm.s32 $0x1  }
0x4: {  	s12 =	simm.s32 $0x0;
	s4 =	sand.u32 $0x1, s1;
	[smem:$0x7FF] =	sst s2  }
0x5: {  	s1 =	stileid.u32;
	s6 =	sshll.u32 s4, $0x4;
	_ =	strace $0x80000047  }
0x6: {  	s4 =	ssub.s32 $0x2, s4;
	s29 =	sshll.u32 s1, $0x7;
	s11 =	sor.u32 s1, s6  }
0x7: {  	s9 =	sshrl.u32 s4, $0x1;
	s6 =	smul.u32 $0x4E, s11;
	s7 =	smin.u32 s11, $0x4  }
0x8: {  	s8 =	sshrl.u32 s11, $0x3;
	s9 =	ssub.s32 s4, s9;
	p0 =	sgt.u32 s11, $0x3  }
0x9: {  	s11 =	simm.s32 $0x400;
	s28 =	smul.u32 $0x14000, s8;
	s6 =	sadd.s32 s7, s6  }
0xa: {  	s8 =	sand.u32 $0x380, s29;
	s7 =	simm.s32 $0x80;
	s6 =	sshll.u32 s6, $0x5  }
0xb: {  	s31 =	sor.u32 s8, s28;
	s8 =	simm.s32 $0x100;
	s30 =	sadd.s32 s6, s3  }
0xc: {  	s6 =	sshrl.u32 s31, $0x3;
	s3 =	sadd.s32 $0x10, s30;
	s4 =	sadd.s32 $0x9D0, s30  }
0xd: {  	v0 =	vimm.f32 $0.0e+00;
	v1 =	vimm.f32 $1.000000000e+00;
	s5 =	sadd.s32 s5, s6;
	s6 =	smax.u32 s9, $0x1;
	s9 =	simm.s32 $0x2800  }
.LBB2_1:
0xe: {  	s13 =	simm.s32 $0x40;
	s14 =	simm.s32 $0x0  }
.LBB2_2:
0xf: {  	p1 =	sne.s32 s13, $0x9FC0;
	[tilespmem:s14+$0x0] =	vst v0;
	s14 =	smov.u32 s13;
	s13 =	sadd.s32 $0x40, s13  }
.Ltmp0:
0x10: {  	(pc) =	sbr.rel @p1 .LBB2_2-.Ltmp0, $2  }
0x11: {  	_ =	sdelay $0x2  }
0x12: {  	s14 =	sshra.s32 s14, $0x2  }
0x13: {  	[tilespmem:s14+$0x0] =	vst v0  }
0x14: {  	[tilespmem:s9], [sflag:$0x1] =	stream.strided.gather [hbm4b:s3+s7], $0x2700, s8, s7, $0x38;
	[tilespmem:$0x4F80] =	vst v63  }
0x15: {  	_ =	swait.ge [sflag:s10], $0x2700  }
0x16: {  	[sflag:s10] =	ssyncset.done $0x0  }
0x17: {  	s14 =	simm.s32 $0x0;
	s13 =	simm.s32 $0x40;
	[sflag:s10] =	ssyncadd.s32 $0xFFFFD900  }
.LBB2_4:
0x18: {  	p1 =	sne.s32 s13, $0x9BC0;
	v2 =	vld [tilespmem:s14+$0x2800];
	_ =	sdelay $0x3  }
.Ltmp1:
0x19: {  	(pc) =	sbr.rel @p1 .LBB2_4-.Ltmp1, $2  }
0x1a: {  	_ =	sdelay $0x2  }
0x1b: {  	s14 =	sshra.s32 s13, $0x2;
	s13 =	sadd.s32 $0x40, s13;
	[tilespmem:v2+s2+$0x0] =	vst.idx.add.f32.msk $0xffff, v1  }
0x1c: {  	v2 =	vld [tilespmem:s14+$0x2800];
	_ =	sdelay $0x7  }
0x1d: {  	s13 =	simm.s32 @!p0 $0x0;
	s14 =	simm.s32 @!p0 $0x4F00;
	[tilespmem:v2+s2+$0x0] =	vst.idx.add.f32.msk $0xffff, v1  }
0x1e: {  	[tilespmem:s14], [sflag:$0x1] =	stream.linear.gather @!p0 [hbm4b:s4+s13], $0x80, $0x38;
	[tilespmem:$0x4F80] =	vst v63  }
0x1f: {  	s14 =	simm.s32 @!p0 $0x1  }
0x20: {  	_ =	swait.ge @!p0 [sflag:s14], $0x80  }
0x21: {  	[sflag:s14] =	ssyncset.done @!p0 $0x0  }
0x22: {  	[sflag:s14] =	ssyncadd.s32 @!p0 $0xFFFFFF80  }
0x23: {  	v2 =	vld @!p0 [tilespmem:$0x4F00];
	_ =	sdelay $0x6  }
0x24: {  	v3 =	vimm.f32 @!p0 $1.000000000e+00  }
0x25: {  	[tilespmem:v2+s13+$0x0] =	vst.idx.add.f32.msk @!p0 $0xffff, v3  }
0x26: {  	v2 =	vld @!p0 [tilespmem:$0x4F10];
	_ =	sdelay $0x7  }
0x27: {  	[tilespmem:v2+s13+$0x0] =	vst.idx.add.f32.msk @!p0 $0xffff, v3  }
0x28: {  	v2 =	vld @!p0 [tilespmem:$0x4F20];
	_ =	sdelay $0x7  }
0x29: {  	[tilespmem:v2+s13+$0x0] =	vst.idx.add.f32.msk @!p0 $0xffff, v3  }
0x2a: {  	v2 =	vld @!p0 [tilespmem:$0x4F30];
	_ =	sdelay $0x7  }
0x2b: {  	[tilespmem:v2+s13+$0x0] =	vst.idx.add.f32.msk @!p0 $0xffff, v3  }
0x2c: {  	v2 =	vld @!p0 [tilespmem:$0x4F40];
	_ =	sdelay $0x7  }
0x2d: {  	[tilespmem:v2+s13+$0x0] =	vst.idx.add.f32.msk @!p0 $0xffff, v3  }
0x2e: {  	v2 =	vld @!p0 [tilespmem:$0x4F50];
	_ =	sdelay $0x7  }
0x2f: {  	[tilespmem:v2+s13+$0x0] =	vst.idx.add.f32.msk @!p0 $0xffff, v3  }
0x30: {  	v2 =	vld @!p0 [tilespmem:$0x4F60];
	_ =	sdelay $0x7  }
0x31: {  	[tilespmem:v2+s13+$0x0] =	vst.idx.add.f32.msk @!p0 $0xffff, v3  }
0x32: {  	v2 =	vld @!p0 [tilespmem:$0x4F70];
	_ =	sdelay $0x5  }
0x33: {  	s12 =	sadd.s32 $0x1, s12  }
0x34: {  	p1 =	sne.s32 s12, s6  }
.Ltmp2:
0x35: {  	[tilespmem:v2+s13+$0x0] =	vst.idx.add.f32.msk @!p0 $0xffff, v3;
	(pc) =	sbr.rel @p1 .LBB2_1-.Ltmp2, $4  }
0x36: {  	[hbm4b:s5+s7] =	stream.strided.scatter [tilespmem:s2], [sflag:$0x1], $0x2800, s11, s7, $0x38;
	[tilespmem:$0x4F80] =	vst v63  }
0x37: {  	_ =	swait.ge [sflag:s10], $0x2800  }
0x38: {  	[sflag:s10] =	ssyncset.done $0x0  }
0x39: {  	[sflag:s10] =	ssyncadd.s32 $0xFFFFD800  }
0x3a: {  	_ =	sfence.sel $0x180000  }
0x3b: {  	[bflag:$0x0] =	sbarrier.arrive $0xFFFF  }
0x3c: {  	p0 =	sne.s32 s1, $0x0;
	_ =	strace $0x90000047  }
0x3d: {  	s0 =	sadd.s32 @!p0 $0x100000, s0;
	[bflag:$0x2] =	sbarrier.arrive $0xFFFF  }
0x3e: {  	[sflag:s0] =	ssyncadd.tile.s32 @!p0 $0x1;
	_ =	shalt  }
.Lfunc_end2:
_tile_overlayer_lowered:
.L_overlay_start_2:
0x3f: {  	(tag) =	ssettag $0x2  }
0x40: {  	s0 =	rddreg [dreg:$0x0];
	s2 =	stileid.u32  }
0x41: {  	s1 =	rddreg [dreg:$0x1];
	p0 =	sne.s32 s2, $0x0  }
0x42: {  	s3 =	rddreg [dreg:$0x2];
	[bflag:$0x3] =	sbarrier.arrive $0xFFFF;
	s2 =	simm.s32 @!p0 $0x1C01  }
0x43: {  	[timem:s3], [sflag:s2] =	dma.local @!p0 [hbm:s0], s1  }
0x44: {  	s0 =	simm.s32 @!p0 $0x1  }
0x45: {  	_ =	swait.ge @!p0 [sflag:s0], s1  }
0x46: {  	s1 =	ssub.s32 @!p0 $0x0, s1;
	[sflag:s0] =	ssyncset.done @!p0 $0x0  }
0x47: {  	[sflag:s0] =	ssyncadd.s32 @!p0 s1  }
0x48: {  	[bflag:$0x3] =	sbarrier.arrive $0xFFFF  }
0x49: {  	_ =	shalt  }

// kernel: kernel.13.cloned.1.call-start
scs
__scs_entry_jumppad:
0x0: {  	(pc) =	sbr.rel $0x88, $3  }
0x1: {  	(tag) =	ssettag $0x0;
	lr =	simm.s32 $0x1  }
0x2: {  	[smem:$0x3F91] =	sst lr;
	_ =	strace $0xD0000000  }
0x3: {  	_ = 	snop  }
0x4: {  	_ = 	snop  }
0x5: {  	_ = 	snop  }
0x6: {  	_ = 	snop  }
0x7: {  	_ = 	snop  }
__scs_overlays_trampoline_lowered:
0x8: {  	[smem:$0x3FA0] =	sst s0  }
0x9: {  	[smem:$0x3FA1] =	sst s1  }
0xa: {  	[smem:$0x3FA2] =	sst s2  }
0xb: {  	[smem:$0x3FA3] =	sst s3  }
0xc: {  	[smem:$0x3FA4] =	sst s4  }
0xd: {  	[smem:$0x3FA5] =	sst s5  }
0xe: {  	[smem:$0x3FA6] =	sst s6  }
0xf: {  	[smem:$0x3FA7] =	sst s7  }
0x10: {  	[smem:$0x3FA8] =	sst s8  }
0x11: {  	[smem:$0x3FA9] =	sst s9;
	s0 =	simm.s32 @!p0 $0x0  }
0x12: {  	s1 =	sld [smem:$0x3F8F];
	s0 =	simm.s32 @p0 $0x1  }
0x13: {  	[smem:$0x3FAA] =	sst s0;
	s0 =	simm.s32 @!p1 $0x0  }
0x14: {  	s2 =	sld [smem:$0x3F8E];
	s0 =	simm.s32 @p1 $0x1  }
0x15: {  	[smem:$0x3FAB] =	sst s0;
	s0 =	simm.s32 @!p2 $0x0  }
0x16: {  	s3 =	sld [smem:$0x3FDB];
	s0 =	simm.s32 @p2 $0x1  }
0x17: {  	s4 =	simm.s32 $0x1BF5;
	[smem:$0x3FAD] =	sst s0  }
0x18: {  	s0 =	sld [smem:$0x3F90];
	_ =	swait.ge [sflag:s4], $0x0  }
0x19: {  	s7 =	sld [smem:$0x3F91]  }
0x1a: {  	s8 =	sadd.s32 $0xFFFFE003, lr  }
0x1b: {  	s9 =	sadd.s32 $0xFFFFFEF7, lr;
	s5 =	simm.s32 $0xFFFFFFFF;
	p2 =	slt.u32 s8, $0xFFFFF086  }
0x1c: {  	p1 =	slt.u32 s9, $0xF7A;
	s5 =	simm.s32 @!p2 $0x0  }
0x1d: {  	s5 =	simm.s32 @p1 $0x1;
	p0 =	seq.s32 s7, s2  }
0x1e: {  	s7 =	smul.u32 @!p0 $0xF7A, s2;
	p2 =	seq.s32 @!p0 s5, $0x0  }
0x1f: {  	s9 =	smul.u32 $0xF7A, s1;
	s8 =	simm.s32 @!p0 $0x1BF5;
	p2 =	por !p2, p0  }
0x20: {  	[sflag:s8] =	ssyncset.s32 @!p0 $0xFFFFF086;
	s6 =	sadd.s32 @!p0 s3, s7;
	s7 =	simm.s32 @!p0 $0x108  }
0x21: {  	s3 =	sadd.s32 s3, s9;
	s6 =	sadd.s32 @!p0 $0x88, s6;
	s7 =	simm.s32 @p2 $0x1082  }
0x22: {  	[simem:s7], [sflag:s8] =	dma.local @!p0 [hbm:s6], $0xF7A  }
0x23: {  	s9 =	sor.u32 $0xD0000000, s2;
	s6 =	simm.s32 $0x108;
	_ =	swait.ge @!p0 [sflag:s8], $0x0  }
0x24: {  	s3 =	sadd.s32 $0x88, s3;
	s6 =	simm.s32 @!p1 $0x1082;
	[sflag:s4] =	ssyncset.s32 $0xFFFFF086  }
0x25: {  	[simem:s6], [sflag:s4] =	dma.local [hbm:s3], $0xF7A  }
0x26: {  	[smem:$0x3F91] =	sst s1;
	(tag) =	ssettag s2;
	_ =	strace s9  }
0x27: {  	s1 =	sld [smem:$0x3FA1]  }
0x28: {  	s2 =	sld [smem:$0x3FA2]  }
0x29: {  	s4 =	sld [smem:$0x3FA4]  }
0x2a: {  	p0 =	seq.s32 s5, $0x0;
	s5 =	sld [smem:$0x3FA5]  }
0x2b: {  	s6 =	sld [smem:$0x3FA6]  }
0x2c: {  	s7 =	sld [smem:$0x3FA7]  }
0x2d: {  	s3 =	simm.s32 $0x108;
	s8 =	sld [smem:$0x3FA8]  }
0x2e: {  	s3 =	simm.s32 @!p0 $0x1082;
	s9 =	sld [smem:$0x3FA9]  }
0x2f: {  	lr =	sadd.s32 s0, s3;
	s0 =	sld [smem:$0x3FA0]  }
0x30: {  	s3 =	sld [smem:$0x3FA3]  }
0x31: {  	[smem:$0x3FAC] =	sst s10  }
0x32: {  	s10 =	sld [smem:$0x3FAA];
	_ =	sdelay $0x3  }
0x33: {  	p0 =	seq.s32 s10, $0x1;
	s10 =	sld [smem:$0x3FAC];
	_ =	sdelay $0x3  }
0x34: {  	[smem:$0x3FAC] =	sst s10  }
0x35: {  	s10 =	sld [smem:$0x3FAB];
	_ =	sdelay $0x3  }
0x36: {  	p1 =	seq.s32 s10, $0x1;
	s10 =	sld [smem:$0x3FAC];
	_ =	sdelay $0x3  }
0x37: {  	[smem:$0x3FAC] =	sst s10  }
0x38: {  	s10 =	sld [smem:$0x3FAD]  }
0x39: {  	_ = 	snop;
	(pc) =	sbr.ind lr, $3  }
0x3a: {  	_ = 	snop  }
0x3b: {  	_ = 	snop  }
0x3c: {  	p2 =	seq.s32 s10, $0x1;
	s10 =	sld [smem:$0x3FAC]  }
0x3d: {  	_ =	shalt  }
0x3e: {  	_ =	shalt  }
0x3f: {  	_ =	shalt  }
0x40: {  	_ =	shalt  }
0x41: {  	_ =	shalt  }
0x42: {  	_ =	shalt  }
0x43: {  	_ =	shalt  }
0x44: {  	_ =	shalt  }
0x45: {  	_ =	shalt  }
0x46: {  	_ =	shalt  }
0x47: {  	_ =	shalt  }
0x48: {  	_ =	shalt  }
0x49: {  	_ =	shalt  }
0x4a: {  	_ =	shalt  }
0x4b: {  	_ =	shalt  }
0x4c: {  	_ =	shalt  }
0x4d: {  	_ =	shalt  }
0x4e: {  	_ =	shalt  }
0x4f: {  	_ =	shalt  }
0x50: {  	_ =	shalt  }
0x51: {  	_ =	shalt  }
0x52: {  	_ =	shalt  }
0x53: {  	_ =	shalt  }
0x54: {  	_ =	shalt  }
0x55: {  	_ =	shalt  }
0x56: {  	_ =	shalt  }
0x57: {  	_ =	shalt  }
0x58: {  	_ =	shalt  }
0x59: {  	_ =	shalt  }
0x5a: {  	_ =	shalt  }
0x5b: {  	_ =	shalt  }
0x5c: {  	_ =	shalt  }
0x5d: {  	_ =	shalt  }
0x5e: {  	_ =	shalt  }
0x5f: {  	_ =	shalt  }
0x60: {  	_ =	shalt  }
0x61: {  	_ =	shalt  }
0x62: {  	_ =	shalt  }
0x63: {  	_ =	shalt  }
0x64: {  	_ =	shalt  }
0x65: {  	_ =	shalt  }
0x66: {  	_ =	shalt  }
0x67: {  	_ =	shalt  }
0x68: {  	_ =	shalt  }
0x69: {  	_ =	shalt  }
0x6a: {  	_ =	shalt  }
0x6b: {  	_ =	shalt  }
0x6c: {  	_ =	shalt  }
0x6d: {  	_ =	shalt  }
0x6e: {  	_ =	shalt  }
0x6f: {  	_ =	shalt  }
0x70: {  	_ =	shalt  }
0x71: {  	_ =	shalt  }
0x72: {  	_ =	shalt  }
0x73: {  	_ =	shalt  }
0x74: {  	_ =	shalt  }
0x75: {  	_ =	shalt  }
0x76: {  	_ =	shalt  }
0x77: {  	_ =	shalt  }
0x78: {  	_ =	shalt  }
0x79: {  	_ =	shalt  }
0x7a: {  	_ =	shalt  }
0x7b: {  	_ =	shalt  }
0x7c: {  	_ =	shalt  }
0x7d: {  	_ =	shalt  }
0x7e: {  	_ =	shalt  }
0x7f: {  	_ =	shalt  }
0x80: {  	_ =	shalt  }
0x81: {  	_ =	shalt  }
0x82: {  	_ =	shalt  }
0x83: {  	_ =	shalt  }
0x84: {  	_ =	shalt  }
0x85: {  	_ =	shalt  }
0x86: {  	_ =	shalt  }
0x87: {  	_ =	shalt  }
.Lfunc_end0:
.L_simem_size_0:
called_computation.1_lowered:
.L_overlay_start_0:
0x88: {  	s2 =	sld [smem:$0x3FD9]  }
0x89: {  	s3 =	sld [smem:$0x3FFE];
	_ =	sdelay $0x1  }
0x8a: {  	s1 =	srdreg.scid  }
0x8b: {  	s0 =	sand.u32 $0x1, s1  }
0x8c: {  	s17 =	sshll.u32 s0, $0xA;
	s2 =	sadd.s32 s3, s2  }
0x8d: {  	s2 =	sadd.s32 s2, s17  }
0x8e: {  	[smem:$0x3FB8] =	sst s2  }
0x8f: {  	_ = 	snop  }
0x90: {  	s2 =	sld [smem:$0x3FC8]  }
0x91: {  	s18 =	sld [smem:$0x3FD0];
	(tm) =	ssettm $0x1  }
0x92: {  	s4 =	sld [smem:$0x3FFB];
	_ =	sdelay $0x3  }
0x93: {  	_ =	strace s4  }
0x94: {  	s4 =	sld [smem:$0x3FFC];
	_ =	sdelay $0x3  }
0x95: {  	_ =	strace s4  }
0x96: {  	s4 =	sld [smem:$0x3FFD];
	_ =	sdelay $0x3  }
0x97: {  	_ =	strace s4  }
0x98: {  	_ =	strace $0x8FFFFFFF  }
0x99: {  	s19 =	sld [smem:$0x3FDB];
	_ =	sdelay $0x1  }
0x9a: {  	s5 =	simm.s32 $_scs_section_size  }
0x9b: {  	s6 =	simm.s32 $_size__tile_overlayer_lowered;
	s7 =	simm.s32 $_tile_overlayer_lowered  }
0x9c: {  	s22 =	simm.s32 $0x1BFF;
	s21 =	sshll.u32 s7, $0x1;
	s4 =	sadd.s32 s5, s19  }
0x9d: {  	s8 =	simm.s32 $0x0;
	s20 =	sshll.u32 s6, $0x1;
	s6 =	sadd.s32 s21, s4  }
0x9e: {  	[timem:s8], [sflag:s22] =	dma.local [hbm:s6], s20  }
0x9f: {  	_ =	swait.ge [sflag:s22], s20  }
0xa0: {  	s5 =	ssub.s32 $0x0, s20;
	[sflag:s22] =	ssyncset.done $0x0  }
0xa1: {  	[sflag:s22] =	ssyncadd.s32 s5;
	_ =	sdelay $0x1  }
0xa2: {  	s23 =	simm.s32 $0x1B8B  }
0xa3: {  	_ =	swait.ge [sflag:s23], $0x1  }
0xa4: {  	[sflag:s23] =	ssyncset.done $0x0  }
0xa5: {  	s25 =	simm.s32 $0x1B8E;
	s24 =	sld [smem:$0x3FFE];
	[sflag:s23] =	ssyncadd.s32 $0xFFFFFFFF  }
0xa6: {  	s26 =	simm.s32 $execute0_lowered;
	[smem:$0x3FD2] =	sst s25  }
0xa7: {  	s6 =	sshll.u32 s26, $0x1;
	_ =	strace $0x80000049;
	[dreg:$0x1] =	wrdreg $0xFFFFFFFF  }
0xa8: {  	s28 =	simm.s32 $_size_execute0_lowered;
	s4 =	sadd.s32 s4, s6;
	[dreg:$0x0] =	wrdreg $0x0  }
0xa9: {  	s6 =	sshll.u32 s28, $0x1;
	[dreg:$0x2] =	wrdreg s4  }
0xaa: {  	[dreg:$0x3] =	wrdreg s6  }
0xab: {  	[dreg:$0x4] =	wrdreg $0xC0  }
0xac: {  	_ =	task [dreg:s8], $0x5FFFF  }
0xad: {  	[dreg:$0x1] =	wrdreg $0xFFFFFFFF  }
0xae: {  	[dreg:$0x0] =	wrdreg $0x60  }
0xaf: {  	[dreg:$0x2] =	wrdreg s24  }
0xb0: {  	[dreg:$0x3] =	wrdreg s2  }
0xb1: {  	[dreg:$0x4] =	wrdreg s18  }
0xb2: {  	[dreg:$0x5] =	wrdreg $0x84000  }
0xb3: {  	[dreg:$0x6] =	wrdreg $0x9  }
0xb4: {  	_ =	task.clear_ibuf [dreg:s8], $0x7FFFF;
	_ =	strace $0x90000049  }
0xb5: {  	s29 =	simm.s32 $0x9;
	_ =	strace $0x8000004B  }
0xb6: {  	_ =	swait.ge [sflag:s29], $0x1  }
0xb7: {  	[sflag:s29] =	ssyncadd.s32 $0xFFFFFFFF  }
0xb8: {  	_ =	strace $0x9000004B  }
0xb9: {  	_ =	sfence  }
0xba: {  	s30 =	sld [smem:$0x0];
	_ =	sdelay $0x2  }
0xbb: {  	s31 =	sshll.u32 s1, $0xD;
	s1 =	sshrl.u32 s1, $0x2  }
0xbc: {  	s3 =	sand.u32 $0x4000, s31;
	s1 =	sadd.s32 s1, s30  }
0xbd: {  	s0 =	sor.u32 s3, s0;
	s1 =	sshll.u32 s1, $0x11  }
0xbe: {  	s0 =	sor.u32 s1, s0  }
0xbf: {  	s0 =	sadd.s32 $0x8F2B, s0  }
0xc0: {  	[sflag:s0] =	ssyncadd.remote.s32 $0x1  }
0xc1: {  	_ =	sfence.sel $0xFFFF  }
0xc2: {  	[dreg:$0x0] =	wrdreg $0xFFFFFFFF;
	(pc) =	sbr.abs _section_cstart, $3  }
0xc3: {  	[dreg:$0x1] =	wrdreg $0xFFFFFFFF  }
0xc4: {  	_ =	task.clear_ibuf [dreg:s8], $0x2FFFF;
	_ =	strace $0x9FFFFFFF  }
0xc5: {  	(tm) =	ssettm $0x7FFFFFFF  }
tec
execute0_lowered:
.L_overlay_start_1:
0x0: {  	(tag) =	ssettag $0x1  }
0x1: {  	s0 =	rddreg [dreg:$0x0]  }
0x2: {  	s1 =	rddreg [dreg:$0x1]  }
0x3: {  	s2 =	rddreg [dreg:$0x3];
	s4 =	simm.s32 $0x0  }
0x4: {  	s3 =	srdreg.scid;
	s15 =	stileid.u32;
	s29 =	simm.s32 $0xB  }
0x5: {  	[smem:$0x7FF] =	sst s4;
	s3 =	sand.u32 $0x1, s3;
	s9 =	smul.u32 $0x14000, s15  }
0x6: {  	s5 =	sadd.s32 $0x54000, s0;
	s6 =	sadd.s32 $0x2BE00, s0;
	s25 =	smul.u32 $0x50000, s15  }
0x7: {  	s7 =	sadd.s32 $0xA2400, s0;
	s31 =	sadd.s32 $0x10, s1;
	s8 =	smul.u32 $0x140000, s3  }
0x8: {  	s10 =	sshll.u32 s3, $0x4;
	s24 =	ssub.s32 $0x2, s3;
	s3 =	smul.u32 $0x4E0, s3  }
0x9: {  	_ =	strace $0x8000004A;
	s10 =	sor.u32 s15, s10;
	s15 =	smul.u32 $0x4E, s15  }
0xa: {  	s11 =	sshrl.u32 s24, $0x1;
	s8 =	sadd.s32 s9, s8;
	s12 =	smul.u32 $0x4E, s10  }
0xb: {  	s9 =	ssub.s32 s24, s11;
	s13 =	smin.u32 s10, $0x4;
	s11 =	sshrl.u32 s25, $0x2  }
0xc: {  	p0 =	slt.u32 s10, $0x4;
	s8 =	sshrl.u32 s8, $0x3;
	s30 =	sadd.s32 s11, s2  }
0xd: {  	s3 =	sadd.s32 s15, s3;
	s22 =	smax.u32 s9, $0x1;
	s15 =	simm.s32 $0x4  }
0xe: {  	s9 =	simm.s32 $0xA;
	s0 =	sadd.s32 s8, s0;
	s8 =	simm.s32 $0x4F  }
0xf: {  	s26 =	sadd.s32 s13, s12;
	s3 =	sadd.s32 s13, s3;
	[dreg:$0xf] =	wrdreg s22  }
0x10: {  	s24 =	sadd.s32 $0x4000, s30;
	s25 =	sadd.s32 $0x8000, s30;
	s13 =	simm.s32 $0x3  }
0x11: {  	[dreg:$0x5] =	wrdreg s30;
	s8 =	simm.s32 @!p0 $0x4E;
	s10 =	sshll.u32 s26, $0x5  }
0x12: {  	s0 =	sadd.s32 $0xA2800, s0;
	s23 =	sshll.u32 s3, $0x5;
	[dreg:$0x10] =	wrdreg s24  }
0x13: {  	[dreg:$0x11] =	wrdreg s25;
	s26 =	sadd.s32 $0xC000, s30;
	s24 =	simm.s32 $0x9  }
0x14: {  	s16 =	sadd.s32 s1, s10;
	s17 =	sadd.s32 s10, s31;
	[dreg:$0xe] =	wrdreg s0  }
0x15: {  	s18 =	sadd.s32 $0x20, s10;
	s14 =	sadd.s32 $0x40, s10;
	[dreg:$0x12] =	wrdreg s26  }
0x16: {  	s10 =	sadd.s32 $0x60, s10;
	s22 =	sadd.s32 s23, s1;
	[dreg:$0x6] =	wrdreg s16  }
0x17: {  	s23 =	simm.s32 $0x6;
	[dreg:$0x7] =	wrdreg s17;
	s16 =	sadd.s32 s1, s18  }
0x18: {  	s12 =	sadd.s32 s18, s31;
	s19 =	sadd.s32 s1, s14;
	[dreg:$0x8] =	wrdreg s16  }
0x19: {  	s20 =	sadd.s32 s14, s31;
	s21 =	sadd.s32 s1, s10;
	[dreg:$0x9] =	wrdreg s12  }
0x1a: {  	s10 =	sadd.s32 s10, s31;
	s31 =	sadd.s32 $0x10000, s30;
	[dreg:$0xa] =	wrdreg s19  }
0x1b: {  	s25 =	sadd.s32 $0xA0, s22;
	s26 =	sadd.s32 $0xC0, s22;
	[dreg:$0xb] =	wrdreg s20  }
.Ltmp0:
0x1c: {  	s28 =	sadd.s32 $0xE0, s22;
	[dreg:$0xc] =	wrdreg s21;
	(pc) =	sbr.rel .LBB2_1-.Ltmp0, $4  }
0x1d: {  	s14 =	simm.s32 $0x80;
	s17 =	simm.s32 $0x1;
	[dreg:$0xd] =	wrdreg s10  }
0x1e: {  	s18 =	simm.s32 $0x7;
	s1 =	simm.s32 $0x0;
	[dreg:$0x13] =	wrdreg s31  }
0x1f: {  	s10 =	simm.s32 $0x8100;
	s12 =	simm.s32 $0x8180;
	s16 =	simm.s32 $0x4000  }
0x20: {  	s19 =	simm.s32 $0x5;
	s20 =	simm.s32 $0x2;
	s21 =	simm.s32 $0x8  }
.LBB2_4:
0x21: {  	_ =	swait.ge [sflag:s20], $0x4000  }
0x22: {  	[sflag:s20] =	ssyncset.done $0x0  }
0x23: {  	[sflag:s20] =	ssyncadd.s32 $0xFFFFC000  }
0x24: {  	_ =	swait.ge [sflag:s9], $0x80  }
0x25: {  	[sflag:s9] =	ssyncset.done $0x0  }
0x26: {  	[sflag:s9] =	ssyncadd.s32 $0xFFFFFF80  }
0x27: {  	[spmem:s2] =	stream.indirect.scatter.add.f32 [tilespmem:s16], [sflag:$0xB], $0x80, s12, s14, $0xb8;
	[tilespmem:$0x1C400] =	vst v63  }
0x28: {  	_ =	swait.ge [sflag:s29], $0x4000  }
0x29: {  	[sflag:s29] =	ssyncset.done $0x0  }
0x2a: {  	[sflag:s29] =	ssyncadd.s32 $0xFFFFC000  }
0x2b: {  	s0 =	stileid.u32;
	[bflag:$0x0] =	sbarrier.arrive $0xFFFF  }
0x2c: {  	s0 =	sshll.u32 s0, $0x6;
	s30 =	rddreg [dreg:$0x5]  }
0x2d: {  	s0 =	sor.u32 $0x1C0B, s0;
	s3 =	rddreg [dreg:$0xe];
	s1 =	sshrl.u32 s30, $0x3  }
0x2e: {  	[hbm:s3], [sflag:s0] =	dma.local [spmem:s1], $0x2800  }
0x2f: {  	_ =	swait.ge [sflag:s29], $0x2800  }
0x30: {  	s11 =	rddreg [dreg:$0x14]  }
0x31: {  	s31 =	rddreg [dreg:$0xf];
	s1 =	sadd.s32 $0x1, s11  }
0x32: {  	p0 =	sne.s32 s1, s31  }
.Ltmp1:
0x33: {  	_ = 	snop;
	(pc) =	sbr.rel @!p0 .LBB2_5-.Ltmp1, $3  }
0x34: {  	_ =	sdelay $0x1  }
0x35: {  	[sflag:s29] =	ssyncset.done $0x0  }
0x36: {  	[sflag:s29] =	ssyncadd.s32 $0xFFFFD800  }
.LBB2_1:
0x37: {  	[dreg:$0x14] =	wrdreg s1  }
0x38: {  	s0 =	rddreg [dreg:$0x2]  }
0x39: {  	[tilespmem:s4], [sflag:$0xB] =	stream.linear.gather [hbm4b:s0+s4], $0x4000, $0x38;
	[tilespmem:$0x1C400] =	vst v63  }
0x3a: {  	_ =	swait.ge [sflag:s29], $0x4000  }
0x3b: {  	[sflag:s29] =	ssyncset.done $0x0  }
0x3c: {  	[sflag:s29] =	ssyncadd.s32 $0xFFFFC000  }
0x3d: {  	[spmem:s30] =	stream.linear.scatter [tilespmem:s4], [sflag:$0xB], $0x4000, $0x38;
	[tilespmem:$0x1C400] =	vst v63  }
0x3e: {  	_ =	swait.ge [sflag:s29], $0x4000  }
0x3f: {  	[sflag:s29] =	ssyncset.done $0x0  }
0x40: {  	s1 =	rddreg [dreg:$0x10];
	[sflag:s29] =	ssyncadd.s32 $0xFFFFC000  }
0x41: {  	[spmem:s1] =	stream.linear.scatter [tilespmem:s4], [sflag:$0xB], $0x4000, $0x38;
	[tilespmem:$0x1C400] =	vst v63  }
0x42: {  	_ =	swait.ge [sflag:s29], $0x4000  }
0x43: {  	[sflag:s29] =	ssyncset.done $0x0  }
0x44: {  	s3 =	rddreg [dreg:$0x11];
	[sflag:s29] =	ssyncadd.s32 $0xFFFFC000  }
0x45: {  	[spmem:s3] =	stream.linear.scatter [tilespmem:s4], [sflag:$0xB], $0x4000, $0x38;
	[tilespmem:$0x1C400] =	vst v63  }
0x46: {  	_ =	swait.ge [sflag:s29], $0x4000  }
0x47: {  	[sflag:s29] =	ssyncset.done $0x0  }
0x48: {  	s11 =	rddreg [dreg:$0x12];
	[sflag:s29] =	ssyncadd.s32 $0xFFFFC000  }
0x49: {  	[spmem:s11] =	stream.linear.scatter [tilespmem:s4], [sflag:$0xB], $0x4000, $0x38;
	[tilespmem:$0x1C400] =	vst v63  }
0x4a: {  	_ =	swait.ge [sflag:s29], $0x4000  }
0x4b: {  	[sflag:s29] =	ssyncset.done $0x0  }
0x4c: {  	s1 =	rddreg [dreg:$0x13];
	[sflag:s29] =	ssyncadd.s32 $0xFFFFC000  }
0x4d: {  	[spmem:s1] =	stream.linear.scatter [tilespmem:s4], [sflag:$0xB], $0x4000, $0x38;
	[tilespmem:$0x1C400] =	vst v63  }
0x4e: {  	_ =	swait.ge [sflag:s29], $0x4000  }
0x4f: {  	[sflag:s29] =	ssyncset.done $0x0  }
0x50: {  	[sflag:s29] =	ssyncadd.s32 $0xFFFFC000  }
0x51: {  	[bflag:$0x0] =	sbarrier.arrive $0xFFFF  }
0x52: {  	s1 =	simm.s32 $0x8200;
	s3 =	rddreg [dreg:$0x6]  }
0x53: {  	[tilespmem:s1], [sflag:$0x3] =	stream.linear.gather [hbm4b:s3+s4], $0x80, $0x38;
	[tilespmem:$0x1C400] =	vst v63  }
0x54: {  	s11 =	rddreg [dreg:$0x7];
	s3 =	simm.s32 $0x8000  }
0x55: {  	[tilespmem:s3], [sflag:$0x7] =	stream.linear.gather [hbm4b:s11+s4], $0x80, $0x38;
	[tilespmem:$0x1C400] =	vst v63  }
0x56: {  	s11 =	rddreg [dreg:$0x8];
	s3 =	simm.s32 $0x8280  }
0x57: {  	[tilespmem:s3], [sflag:$0x4] =	stream.linear.gather [hbm4b:s11+s4], $0x80, $0x38;
	[tilespmem:$0x1C400] =	vst v63  }
0x58: {  	s0 =	rddreg [dreg:$0x9];
	s11 =	simm.s32 $0x8080  }
0x59: {  	[tilespmem:s11], [sflag:$0x8] =	stream.linear.gather [hbm4b:s0+s4], $0x80, $0x38;
	[tilespmem:$0x1C400] =	vst v63  }
0x5a: {  	s0 =	rddreg [dreg:$0xa];
	s11 =	simm.s32 $0x8300  }
0x5b: {  	[tilespmem:s11], [sflag:$0x5] =	stream.linear.gather [hbm4b:s0+s4], $0x80, $0x38;
	[tilespmem:$0x1C400] =	vst v63  }
0x5c: {  	s11 =	rddreg [dreg:$0xb]  }
0x5d: {  	[tilespmem:s10], [sflag:$0x9] =	stream.linear.gather [hbm4b:s11+s4], $0x80, $0x38;
	[tilespmem:$0x1C400] =	vst v63  }
0x5e: {  	s0 =	rddreg [dreg:$0xc];
	s11 =	simm.s32 $0x8380  }
0x5f: {  	[tilespmem:s11], [sflag:$0x6] =	stream.linear.gather [hbm4b:s0+s4], $0x80, $0x38;
	[tilespmem:$0x1C400] =	vst v63  }
0x60: {  	s11 =	rddreg [dreg:$0xd]  }
0x61: {  	[tilespmem:s12], [sflag:$0xA] =	stream.linear.gather [hbm4b:s11+s4], $0x80, $0x38;
	[tilespmem:$0x1C400] =	vst v63  }
0x62: {  	_ =	swait.ge [sflag:s13], $0x80  }
0x63: {  	[sflag:s13] =	ssyncset.done $0x0  }
0x64: {  	[sflag:s13] =	ssyncadd.s32 $0xFFFFFF80  }
0x65: {  	[tilespmem:s4], [sflag:$0x1] =	stream.indirect.gather [hbm4b:s5+s14], $0x80, s1, s14, $0xb8;
	[tilespmem:$0x1C400] =	vst v63  }
0x66: {  	_ =	swait.ge [sflag:s15], $0x80  }
0x67: {  	[sflag:s15] =	ssyncset.done $0x0  }
0x68: {  	s31 =	simm.s32 $0x0;
	s30 =	simm.s32 $0x7;
	[sflag:s15] =	ssyncadd.s32 $0xFFFFFF80  }
0x69: {  	[tilespmem:s16], [sflag:$0x2] =	stream.indirect.gather [hbm4b:s5+s14], $0x80, s3, s14, $0xb8;
	[tilespmem:$0x1C400] =	vst v63  }
.LBB2_2:
0x6a: {  	_ =	swait.ge [sflag:s17], $0x4000  }
0x6b: {  	[sflag:s17] =	ssyncset.done $0x0  }
0x6c: {  	[sflag:s17] =	ssyncadd.s32 $0xFFFFC000  }
0x6d: {  	_ =	swait.ge [sflag:s18], $0x80  }
0x6e: {  	[sflag:s18] =	ssyncset.done $0x0  }
0x6f: {  	s0 =	simm.s32 $0x8000;
	p0 =	seq.s32 s31, $0x980;
	[sflag:s18] =	ssyncadd.s32 $0xFFFFFF80  }
0x70: {  	[spmem:s2] =	stream.indirect.scatter.add.f32 [tilespmem:s4], [sflag:$0xB], $0x80, s0, s14, $0xb8;
	[tilespmem:$0x1C400] =	vst v63  }
0x71: {  	s0 =	sadd.s32 @!p0 $0xFFFFFFFD, s30  }
0x72: {  	_ =	swait.ge [sflag:s29], $0x4000;
	p1 =	sge.u32 @!p0 s0, s8  }
0x73: {  	[sflag:s29] =	ssyncset.done $0x0;
	p2 =	por !p1, p0;
	p1 =	por p1, p0  }
0x74: {  	[sflag:s29] =	ssyncadd.s32 $0xFFFFC000;
	s0 =	simm.s32 @!p2 $0x0;
	s1 =	simm.s32 @!p2 $0x8200  }
0x75: {  	[tilespmem:s1], [sflag:$0x3] =	stream.linear.gather @!p2 [hbm4b:s6+s0], $0x80, $0x38;
	[tilespmem:$0x1C400] =	vst v63  }
0x76: {  	s0 =	sadd.s32 @!p1 s31, s22  }
0x77: {  	s3 =	simm.s32 @!p1 $0x0;
	s11 =	simm.s32 @!p1 $0x8200;
	s1 =	sadd.s32 @!p1 $0x80, s0  }
0x78: {  	[tilespmem:s11], [sflag:$0x3] =	stream.linear.gather @!p1 [hbm4b:s1+s3], $0x80, $0x38;
	[tilespmem:$0x1C400] =	vst v63  }
0x79: {  	s0 =	sadd.s32 @!p1 $0x90, s0;
	s1 =	smov.u32 s7  }
0x7a: {  	s3 =	simm.s32 @!p0 $0x8000;
	s1 =	smov.u32 @p2 s0;
	s0 =	simm.s32 @!p0 $0x0  }
0x7b: {  	[tilespmem:s3], [sflag:$0x7] =	stream.linear.gather @!p0 [hbm4b:s1+s0], $0x80, $0x38;
	[tilespmem:$0x1C400] =	vst v63  }
0x7c: {  	_ =	swait.ge [sflag:s19], $0x80  }
0x7d: {  	[sflag:s19] =	ssyncset.done $0x0  }
0x7e: {  	s11 =	simm.s32 $0x8300;
	[sflag:s19] =	ssyncadd.s32 $0xFFFFFF80  }
0x7f: {  	[tilespmem:s4], [sflag:$0x1] =	stream.indirect.gather [hbm4b:s5+s14], $0x80, s11, s14, $0xb8;
	[tilespmem:$0x1C400] =	vst v63  }
0x80: {  	_ =	swait.ge [sflag:s20], $0x4000  }
0x81: {  	[sflag:s20] =	ssyncset.done $0x0  }
0x82: {  	[sflag:s20] =	ssyncadd.s32 $0xFFFFC000  }
0x83: {  	_ =	swait.ge [sflag:s21], $0x80  }
0x84: {  	[sflag:s21] =	ssyncset.done $0x0  }
0x85: {  	s3 =	simm.s32 $0x8080;
	s1 =	sadd.s32 @!p0 $0xFFFFFFFE, s30;
	[sflag:s21] =	ssyncadd.s32 $0xFFFFFF80  }
0x86: {  	[spmem:s2] =	stream.indirect.scatter.add.f32 [tilespmem:s16], [sflag:$0xB], $0x80, s3, s14, $0xb8;
	[tilespmem:$0x1C400] =	vst v63  }
0x87: {  	p1 =	sge.u32 @!p0 s1, s8;
	_ =	swait.ge [sflag:s29], $0x4000  }
0x88: {  	p2 =	por !p1, p0;
	p1 =	por p1, p0;
	[sflag:s29] =	ssyncset.done $0x0  }
0x89: {  	s1 =	simm.s32 @!p2 $0x0;
	s3 =	simm.s32 @!p2 $0x8280;
	[sflag:s29] =	ssyncadd.s32 $0xFFFFC000  }
0x8a: {  	[tilespmem:s3], [sflag:$0x4] =	stream.linear.gather @!p2 [hbm4b:s6+s1], $0x80, $0x38;
	[tilespmem:$0x1C400] =	vst v63  }
0x8b: {  	s11 =	simm.s32 @!p1 $0x8280;
	s1 =	sadd.s32 @!p1 s31, s25;
	s3 =	simm.s32 @!p1 $0x0  }
0x8c: {  	[tilespmem:s11], [sflag:$0x4] =	stream.linear.gather @!p1 [hbm4b:s1+s3], $0x80, $0x38;
	[tilespmem:$0x1C400] =	vst v63  }
0x8d: {  	s1 =	sadd.s32 @!p1 $0x10, s1;
	s3 =	smov.u32 s7  }
0x8e: {  	s3 =	smov.u32 @p2 s1;
	s1 =	simm.s32 @!p0 $0x8080  }
0x8f: {  	[tilespmem:s1], [sflag:$0x8] =	stream.linear.gather @!p0 [hbm4b:s3+s0], $0x80, $0x38;
	[tilespmem:$0x1C400] =	vst v63  }
0x90: {  	_ =	swait.ge [sflag:s23], $0x80  }
0x91: {  	[sflag:s23] =	ssyncset.done $0x0  }
0x92: {  	s11 =	simm.s32 $0x8380;
	[sflag:s23] =	ssyncadd.s32 $0xFFFFFF80  }
0x93: {  	[tilespmem:s16], [sflag:$0x2] =	stream.indirect.gather [hbm4b:s5+s14], $0x80, s11, s14, $0xb8;
	[tilespmem:$0x1C400] =	vst v63  }
0x94: {  	_ =	swait.ge [sflag:s17], $0x4000  }
0x95: {  	[sflag:s17] =	ssyncset.done $0x0  }
0x96: {  	[sflag:s17] =	ssyncadd.s32 $0xFFFFC000  }
0x97: {  	_ =	swait.ge [sflag:s24], $0x80  }
0x98: {  	[sflag:s24] =	ssyncset.done $0x0  }
.Ltmp2:
0x99: {  	[sflag:s24] =	ssyncadd.s32 $0xFFFFFF80;
	(pc) =	sbr.rel @p0 .LBB2_4-.Ltmp2, $4  }
0x9a: {  	[spmem:s2] =	stream.indirect.scatter.add.f32 [tilespmem:s4], [sflag:$0xB], $0x80, s10, s14, $0xb8;
	[tilespmem:$0x1C400] =	vst v63  }
0x9b: {  	_ =	swait.ge [sflag:s29], $0x4000  }
0x9c: {  	[sflag:s29] =	ssyncset.done $0x0  }
0x9d: {  	[sflag:s29] =	ssyncadd.s32 $0xFFFFC000  }
0x9e: {  	s0 =	sadd.s32 $0xFFFFFFFF, s30  }
0x9f: {  	p0 =	sge.u32 s0, s8  }
0xa0: {  	s0 =	simm.s32 @p0 $0x0;
	s1 =	simm.s32 @p0 $0x8300  }
0xa1: {  	[tilespmem:s1], [sflag:$0x5] =	stream.linear.gather @p0 [hbm4b:s6+s0], $0x80, $0x38;
	[tilespmem:$0x1C400] =	vst v63  }
0xa2: {  	s3 =	simm.s32 @!p0 $0x8300;
	s0 =	sadd.s32 @!p0 s31, s26;
	s1 =	simm.s32 @!p0 $0x0  }
0xa3: {  	[tilespmem:s3], [sflag:$0x5] =	stream.linear.gather @!p0 [hbm4b:s0+s1], $0x80, $0x38;
	[tilespmem:$0x1C400] =	vst v63  }
0xa4: {  	s0 =	sadd.s32 @!p0 $0x10, s0  }
0xa5: {  	s0 =	smov.u32 @p0 s7  }
0xa6: {  	[tilespmem:s10], [sflag:$0x9] =	stream.linear.gather [hbm4b:s0+s4], $0x80, $0x38;
	[tilespmem:$0x1C400] =	vst v63  }
0xa7: {  	_ =	swait.ge [sflag:s13], $0x80  }
0xa8: {  	[sflag:s13] =	ssyncset.done $0x0  }
0xa9: {  	s3 =	simm.s32 $0x8200;
	[sflag:s13] =	ssyncadd.s32 $0xFFFFFF80  }
0xaa: {  	[tilespmem:s4], [sflag:$0x1] =	stream.indirect.gather [hbm4b:s5+s14], $0x80, s3, s14, $0xb8;
	[tilespmem:$0x1C400] =	vst v63  }
0xab: {  	_ =	swait.ge [sflag:s20], $0x4000  }
0xac: {  	[sflag:s20] =	ssyncset.done $0x0  }
0xad: {  	[sflag:s20] =	ssyncadd.s32 $0xFFFFC000  }
0xae: {  	_ =	swait.ge [sflag:s9], $0x80  }
0xaf: {  	[sflag:s9] =	ssyncset.done $0x0  }
0xb0: {  	[sflag:s9] =	ssyncadd.s32 $0xFFFFFF80  }
0xb1: {  	[spmem:s2] =	stream.indirect.scatter.add.f32 [tilespmem:s16], [sflag:$0xB], $0x80, s12, s14, $0xb8;
	[tilespmem:$0x1C400] =	vst v63  }
0xb2: {  	_ =	swait.ge [sflag:s29], $0x4000  }
0xb3: {  	p0 =	sge.u32 s30, s8;
	[sflag:s29] =	ssyncset.done $0x0  }
0xb4: {  	s0 =	simm.s32 @p0 $0x0;
	s1 =	simm.s32 @p0 $0x8380;
	[sflag:s29] =	ssyncadd.s32 $0xFFFFC000  }
0xb5: {  	[tilespmem:s1], [sflag:$0x6] =	stream.linear.gather @p0 [hbm4b:s6+s0], $0x80, $0x38;
	[tilespmem:$0x1C400] =	vst v63  }
0xb6: {  	s3 =	simm.s32 @!p0 $0x8380;
	s0 =	sadd.s32 @!p0 s31, s28;
	s1 =	simm.s32 @!p0 $0x0  }
0xb7: {  	[tilespmem:s3], [sflag:$0x6] =	stream.linear.gather @!p0 [hbm4b:s0+s1], $0x80, $0x38;
	[tilespmem:$0x1C400] =	vst v63  }
0xb8: {  	s0 =	sadd.s32 @!p0 $0x10, s0  }
0xb9: {  	s0 =	smov.u32 @p0 s7  }
0xba: {  	[tilespmem:s12], [sflag:$0xA] =	stream.linear.gather [hbm4b:s0+s4], $0x80, $0x38;
	[tilespmem:$0x1C400] =	vst v63  }
.Ltmp3:
0xbb: {  	_ = 	snop;
	(pc) =	sbr.rel .LBB2_2-.Ltmp3, $4  }
0xbc: {  	_ =	swait.ge [sflag:s15], $0x80  }
0xbd: {  	s11 =	simm.s32 $0x8280;
	[sflag:s15] =	ssyncset.done $0x0  }
0xbe: {  	s30 =	sadd.s32 $0x4, s30;
	s31 =	sadd.s32 $0x80, s31;
	[sflag:s15] =	ssyncadd.s32 $0xFFFFFF80  }
0xbf: {  	[tilespmem:s16], [sflag:$0x2] =	stream.indirect.gather [hbm4b:s5+s14], $0x80, s11, s14, $0xb8;
	[tilespmem:$0x1C400] =	vst v63  }
.LBB2_5:
0xc0: {  	_ =	sfence.sel $0x180000  }
0xc1: {  	[bflag:$0x0] =	sbarrier.arrive $0xFFFF  }
0xc2: {  	_ =	strace $0x9000004A  }
0xc3: {  	s0 =	stileid.u32;
	[bflag:$0x2] =	sbarrier.arrive $0xFFFF  }
0xc4: {  	p0 =	sne.s32 s0, $0x0;
	s0 =	rddreg [dreg:$0x4]  }
0xc5: {  	s0 =	sadd.s32 @!p0 $0x100000, s0  }
0xc6: {  	[sflag:s0] =	ssyncadd.tile.s32 @!p0 $0x1;
	_ =	shalt  }
.Lfunc_end2:
_tile_overlayer_lowered:
.L_overlay_start_2:
0xc7: {  	(tag) =	ssettag $0x2  }
0xc8: {  	s0 =	rddreg [dreg:$0x0];
	s2 =	stileid.u32  }
0xc9: {  	s1 =	rddreg [dreg:$0x1];
	p0 =	sne.s32 s2, $0x0  }
0xca: {  	s3 =	rddreg [dreg:$0x2];
	[bflag:$0x3] =	sbarrier.arrive $0xFFFF;
	s2 =	simm.s32 @!p0 $0x1C0B  }
0xcb: {  	[timem:s3], [sflag:s2] =	dma.local @!p0 [hbm:s0], s1  }
0xcc: {  	s0 =	simm.s32 @!p0 $0xB  }
0xcd: {  	_ =	swait.ge @!p0 [sflag:s0], s1  }
0xce: {  	s1 =	ssub.s32 @!p0 $0x0, s1;
	[sflag:s0] =	ssyncset.done @!p0 $0x0  }
0xcf: {  	[sflag:s0] =	ssyncadd.s32 @!p0 s1  }
0xd0: {  	[bflag:$0x3] =	sbarrier.arrive $0xFFFF  }
0xd1: {  	_ =	shalt  }

// kernel: kernel.16.cloned.1.call-start
scs
__scs_entry_jumppad:
0x0: {  	(pc) =	sbr.rel $0x88, $3  }
0x1: {  	(tag) =	ssettag $0x0;
	lr =	simm.s32 $0x1  }
0x2: {  	[smem:$0x3F91] =	sst lr;
	_ =	strace $0xD0000000  }
0x3: {  	_ = 	snop  }
0x4: {  	_ = 	snop  }
0x5: {  	_ = 	snop  }
0x6: {  	_ = 	snop  }
0x7: {  	_ = 	snop  }
__scs_overlays_trampoline_lowered:
0x8: {  	[smem:$0x3FA0] =	sst s0  }
0x9: {  	[smem:$0x3FA1] =	sst s1  }
0xa: {  	[smem:$0x3FA2] =	sst s2  }
0xb: {  	[smem:$0x3FA3] =	sst s3  }
0xc: {  	[smem:$0x3FA4] =	sst s4  }
0xd: {  	[smem:$0x3FA5] =	sst s5  }
0xe: {  	[smem:$0x3FA6] =	sst s6  }
0xf: {  	[smem:$0x3FA7] =	sst s7  }
0x10: {  	[smem:$0x3FA8] =	sst s8  }
0x11: {  	[smem:$0x3FA9] =	sst s9;
	s0 =	simm.s32 @!p0 $0x0  }
0x12: {  	s1 =	sld [smem:$0x3F8F];
	s0 =	simm.s32 @p0 $0x1  }
0x13: {  	[smem:$0x3FAA] =	sst s0;
	s0 =	simm.s32 @!p1 $0x0  }
0x14: {  	s2 =	sld [smem:$0x3F8E];
	s0 =	simm.s32 @p1 $0x1  }
0x15: {  	[smem:$0x3FAB] =	sst s0;
	s0 =	simm.s32 @!p2 $0x0  }
0x16: {  	s3 =	sld [smem:$0x3FDB];
	s0 =	simm.s32 @p2 $0x1  }
0x17: {  	s4 =	simm.s32 $0x1BF5;
	[smem:$0x3FAD] =	sst s0  }
0x18: {  	s0 =	sld [smem:$0x3F90];
	_ =	swait.ge [sflag:s4], $0x0  }
0x19: {  	s7 =	sld [smem:$0x3F91]  }
0x1a: {  	s8 =	sadd.s32 $0xFFFFE003, lr  }
0x1b: {  	s9 =	sadd.s32 $0xFFFFFEF7, lr;
	s5 =	simm.s32 $0xFFFFFFFF;
	p2 =	slt.u32 s8, $0xFFFFF086  }
0x1c: {  	p1 =	slt.u32 s9, $0xF7A;
	s5 =	simm.s32 @!p2 $0x0  }
0x1d: {  	s5 =	simm.s32 @p1 $0x1;
	p0 =	seq.s32 s7, s2  }
0x1e: {  	s7 =	smul.u32 @!p0 $0xF7A, s2;
	p2 =	seq.s32 @!p0 s5, $0x0  }
0x1f: {  	s9 =	smul.u32 $0xF7A, s1;
	s8 =	simm.s32 @!p0 $0x1BF5;
	p2 =	por !p2, p0  }
0x20: {  	[sflag:s8] =	ssyncset.s32 @!p0 $0xFFFFF086;
	s6 =	sadd.s32 @!p0 s3, s7;
	s7 =	simm.s32 @!p0 $0x108  }
0x21: {  	s3 =	sadd.s32 s3, s9;
	s6 =	sadd.s32 @!p0 $0x88, s6;
	s7 =	simm.s32 @p2 $0x1082  }
0x22: {  	[simem:s7], [sflag:s8] =	dma.local @!p0 [hbm:s6], $0xF7A  }
0x23: {  	s9 =	sor.u32 $0xD0000000, s2;
	s6 =	simm.s32 $0x108;
	_ =	swait.ge @!p0 [sflag:s8], $0x0  }
0x24: {  	s3 =	sadd.s32 $0x88, s3;
	s6 =	simm.s32 @!p1 $0x1082;
	[sflag:s4] =	ssyncset.s32 $0xFFFFF086  }
0x25: {  	[simem:s6], [sflag:s4] =	dma.local [hbm:s3], $0xF7A  }
0x26: {  	[smem:$0x3F91] =	sst s1;
	(tag) =	ssettag s2;
	_ =	strace s9  }
0x27: {  	s1 =	sld [smem:$0x3FA1]  }
0x28: {  	s2 =	sld [smem:$0x3FA2]  }
0x29: {  	s4 =	sld [smem:$0x3FA4]  }
0x2a: {  	p0 =	seq.s32 s5, $0x0;
	s5 =	sld [smem:$0x3FA5]  }
0x2b: {  	s6 =	sld [smem:$0x3FA6]  }
0x2c: {  	s7 =	sld [smem:$0x3FA7]  }
0x2d: {  	s3 =	simm.s32 $0x108;
	s8 =	sld [smem:$0x3FA8]  }
0x2e: {  	s3 =	simm.s32 @!p0 $0x1082;
	s9 =	sld [smem:$0x3FA9]  }
0x2f: {  	lr =	sadd.s32 s0, s3;
	s0 =	sld [smem:$0x3FA0]  }
0x30: {  	s3 =	sld [smem:$0x3FA3]  }
0x31: {  	[smem:$0x3FAC] =	sst s10  }
0x32: {  	s10 =	sld [smem:$0x3FAA];
	_ =	sdelay $0x3  }
0x33: {  	p0 =	seq.s32 s10, $0x1;
	s10 =	sld [smem:$0x3FAC];
	_ =	sdelay $0x3  }
0x34: {  	[smem:$0x3FAC] =	sst s10  }
0x35: {  	s10 =	sld [smem:$0x3FAB];
	_ =	sdelay $0x3  }
0x36: {  	p1 =	seq.s32 s10, $0x1;
	s10 =	sld [smem:$0x3FAC];
	_ =	sdelay $0x3  }
0x37: {  	[smem:$0x3FAC] =	sst s10  }
0x38: {  	s10 =	sld [smem:$0x3FAD]  }
0x39: {  	_ = 	snop;
	(pc) =	sbr.ind lr, $3  }
0x3a: {  	_ = 	snop  }
0x3b: {  	_ = 	snop  }
0x3c: {  	p2 =	seq.s32 s10, $0x1;
	s10 =	sld [smem:$0x3FAC]  }
0x3d: {  	_ =	shalt  }
0x3e: {  	_ =	shalt  }
0x3f: {  	_ =	shalt  }
0x40: {  	_ =	shalt  }
0x41: {  	_ =	shalt  }
0x42: {  	_ =	shalt  }
0x43: {  	_ =	shalt  }
0x44: {  	_ =	shalt  }
0x45: {  	_ =	shalt  }
0x46: {  	_ =	shalt  }
0x47: {  	_ =	shalt  }
0x48: {  	_ =	shalt  }
0x49: {  	_ =	shalt  }
0x4a: {  	_ =	shalt  }
0x4b: {  	_ =	shalt  }
0x4c: {  	_ =	shalt  }
0x4d: {  	_ =	shalt  }
0x4e: {  	_ =	shalt  }
0x4f: {  	_ =	shalt  }
0x50: {  	_ =	shalt  }
0x51: {  	_ =	shalt  }
0x52: {  	_ =	shalt  }
0x53: {  	_ =	shalt  }
0x54: {  	_ =	shalt  }
0x55: {  	_ =	shalt  }
0x56: {  	_ =	shalt  }
0x57: {  	_ =	shalt  }
0x58: {  	_ =	shalt  }
0x59: {  	_ =	shalt  }
0x5a: {  	_ =	shalt  }
0x5b: {  	_ =	shalt  }
0x5c: {  	_ =	shalt  }
0x5d: {  	_ =	shalt  }
0x5e: {  	_ =	shalt  }
0x5f: {  	_ =	shalt  }
0x60: {  	_ =	shalt  }
0x61: {  	_ =	shalt  }
0x62: {  	_ =	shalt  }
0x63: {  	_ =	shalt  }
0x64: {  	_ =	shalt  }
0x65: {  	_ =	shalt  }
0x66: {  	_ =	shalt  }
0x67: {  	_ =	shalt  }
0x68: {  	_ =	shalt  }
0x69: {  	_ =	shalt  }
0x6a: {  	_ =	shalt  }
0x6b: {  	_ =	shalt  }
0x6c: {  	_ =	shalt  }
0x6d: {  	_ =	shalt  }
0x6e: {  	_ =	shalt  }
0x6f: {  	_ =	shalt  }
0x70: {  	_ =	shalt  }
0x71: {  	_ =	shalt  }
0x72: {  	_ =	shalt  }
0x73: {  	_ =	shalt  }
0x74: {  	_ =	shalt  }
0x75: {  	_ =	shalt  }
0x76: {  	_ =	shalt  }
0x77: {  	_ =	shalt  }
0x78: {  	_ =	shalt  }
0x79: {  	_ =	shalt  }
0x7a: {  	_ =	shalt  }
0x7b: {  	_ =	shalt  }
0x7c: {  	_ =	shalt  }
0x7d: {  	_ =	shalt  }
0x7e: {  	_ =	shalt  }
0x7f: {  	_ =	shalt  }
0x80: {  	_ =	shalt  }
0x81: {  	_ =	shalt  }
0x82: {  	_ =	shalt  }
0x83: {  	_ =	shalt  }
0x84: {  	_ =	shalt  }
0x85: {  	_ =	shalt  }
0x86: {  	_ =	shalt  }
0x87: {  	_ =	shalt  }
.Lfunc_end0:
.L_simem_size_0:
called_computation.2_lowered:
.L_overlay_start_0:
0x88: {  	s2 =	sld [smem:$0x3FD9]  }
0x89: {  	s3 =	sld [smem:$0x3FFE];
	_ =	sdelay $0x1  }
0x8a: {  	s1 =	srdreg.scid  }
0x8b: {  	s0 =	sand.u32 $0x1, s1  }
0x8c: {  	s17 =	sshll.u32 s0, $0xA;
	s2 =	sadd.s32 s3, s2  }
0x8d: {  	s2 =	sadd.s32 s2, s17  }
0x8e: {  	[smem:$0x3FB8] =	sst s2  }
0x8f: {  	_ = 	snop  }
0x90: {  	s2 =	sld [smem:$0x3FC8]  }
0x91: {  	s18 =	sld [smem:$0x3FD0];
	(tm) =	ssettm $0x1  }
0x92: {  	s4 =	sld [smem:$0x3FFB];
	_ =	sdelay $0x3  }
0x93: {  	_ =	strace s4  }
0x94: {  	s4 =	sld [smem:$0x3FFC];
	_ =	sdelay $0x3  }
0x95: {  	_ =	strace s4  }
0x96: {  	s4 =	sld [smem:$0x3FFD];
	_ =	sdelay $0x3  }
0x97: {  	_ =	strace s4  }
0x98: {  	_ =	strace $0x8FFFFFFF  }
0x99: {  	s19 =	sld [smem:$0x3FDB];
	_ =	sdelay $0x1  }
0x9a: {  	s5 =	simm.s32 $_scs_section_size  }
0x9b: {  	s6 =	simm.s32 $_size__tile_overlayer_lowered;
	s7 =	simm.s32 $_tile_overlayer_lowered  }
0x9c: {  	s22 =	simm.s32 $0x1BFF;
	s21 =	sshll.u32 s7, $0x1;
	s4 =	sadd.s32 s5, s19  }
0x9d: {  	s8 =	simm.s32 $0x0;
	s20 =	sshll.u32 s6, $0x1;
	s6 =	sadd.s32 s21, s4  }
0x9e: {  	[timem:s8], [sflag:s22] =	dma.local [hbm:s6], s20  }
0x9f: {  	_ =	swait.ge [sflag:s22], s20  }
0xa0: {  	s5 =	ssub.s32 $0x0, s20;
	[sflag:s22] =	ssyncset.done $0x0  }
0xa1: {  	[sflag:s22] =	ssyncadd.s32 s5;
	_ =	sdelay $0x1  }
0xa2: {  	s23 =	simm.s32 $0x1B8B  }
0xa3: {  	_ =	swait.ge [sflag:s23], $0x1  }
0xa4: {  	[sflag:s23] =	ssyncset.done $0x0  }
0xa5: {  	s25 =	simm.s32 $0x1B8E;
	s24 =	sld [smem:$0x3FFE];
	[sflag:s23] =	ssyncadd.s32 $0xFFFFFFFF  }
0xa6: {  	s26 =	simm.s32 $execute0_lowered;
	[smem:$0x3FD2] =	sst s25  }
0xa7: {  	s6 =	sshll.u32 s26, $0x1;
	_ =	strace $0x8000004C;
	[dreg:$0x1] =	wrdreg $0xFFFFFFFF  }
0xa8: {  	s28 =	simm.s32 $_size_execute0_lowered;
	s4 =	sadd.s32 s4, s6;
	[dreg:$0x0] =	wrdreg $0x0  }
0xa9: {  	s6 =	sshll.u32 s28, $0x1;
	[dreg:$0x2] =	wrdreg s4  }
0xaa: {  	[dreg:$0x3] =	wrdreg s6  }
0xab: {  	[dreg:$0x4] =	wrdreg $0xC0  }
0xac: {  	_ =	task [dreg:s8], $0x5FFFF  }
0xad: {  	[dreg:$0x1] =	wrdreg $0xFFFFFFFF  }
0xae: {  	[dreg:$0x0] =	wrdreg $0x60  }
0xaf: {  	[dreg:$0x2] =	wrdreg s24  }
0xb0: {  	[dreg:$0x3] =	wrdreg s2  }
0xb1: {  	[dreg:$0x4] =	wrdreg s18  }
0xb2: {  	[dreg:$0x5] =	wrdreg $0x84000  }
0xb3: {  	[dreg:$0x6] =	wrdreg $0x9  }
0xb4: {  	_ =	task.clear_ibuf [dreg:s8], $0x7FFFF;
	_ =	strace $0x9000004C  }
0xb5: {  	s29 =	simm.s32 $0x9;
	_ =	strace $0x8000004E  }
0xb6: {  	_ =	swait.ge [sflag:s29], $0x1  }
0xb7: {  	[sflag:s29] =	ssyncadd.s32 $0xFFFFFFFF  }
0xb8: {  	_ =	strace $0x9000004E  }
0xb9: {  	_ =	sfence  }
0xba: {  	s30 =	sld [smem:$0x0];
	_ =	sdelay $0x2  }
0xbb: {  	s31 =	sshll.u32 s1, $0xD;
	s1 =	sshrl.u32 s1, $0x2  }
0xbc: {  	s3 =	sand.u32 $0x4000, s31;
	s1 =	sadd.s32 s1, s30  }
0xbd: {  	s0 =	sor.u32 s3, s0;
	s1 =	sshll.u32 s1, $0x11  }
0xbe: {  	s0 =	sor.u32 s1, s0  }
0xbf: {  	s0 =	sadd.s32 $0x8F2B, s0  }
0xc0: {  	[sflag:s0] =	ssyncadd.remote.s32 $0x1  }
0xc1: {  	_ =	sfence.sel $0xFFFF  }
0xc2: {  	[dreg:$0x0] =	wrdreg $0xFFFFFFFF;
	(pc) =	sbr.abs _section_cstart, $3  }
0xc3: {  	[dreg:$0x1] =	wrdreg $0xFFFFFFFF  }
0xc4: {  	_ =	task.clear_ibuf [dreg:s8], $0x2FFFF;
	_ =	strace $0x9FFFFFFF  }
0xc5: {  	(tm) =	ssettm $0x7FFFFFFF  }
tec
execute0_lowered:
.L_overlay_start_1:
0x0: {  	(tag) =	ssettag $0x1  }
0x1: {  	s0 =	rddreg [dreg:$0x0]  }
0x2: {  	s1 =	rddreg [dreg:$0x1]  }
0x3: {  	s2 =	rddreg [dreg:$0x3];
	s4 =	simm.s32 $0x0  }
0x4: {  	s3 =	srdreg.scid;
	s15 =	stileid.u32;
	s29 =	simm.s32 $0xB  }
0x5: {  	[smem:$0x7FF] =	sst s4;
	s3 =	sand.u32 $0x1, s3;
	s9 =	smul.u32 $0x14000, s15  }
0x6: {  	s5 =	sadd.s32 $0x4C00, s0;
	s6 =	sadd.s32 $0x2BE00, s0;
	s25 =	smul.u32 $0x50000, s15  }
0x7: {  	s7 =	sadd.s32 $0xA2600, s0;
	s31 =	sadd.s32 $0x10, s1;
	s8 =	smul.u32 $0x140000, s3  }
0x8: {  	s10 =	sshll.u32 s3, $0x4;
	s24 =	ssub.s32 $0x2, s3;
	s3 =	smul.u32 $0x4E0, s3  }
0x9: {  	_ =	strace $0x8000004D;
	s10 =	sor.u32 s15, s10;
	s15 =	smul.u32 $0x4E, s15  }
0xa: {  	s11 =	sshrl.u32 s24, $0x1;
	s8 =	sadd.s32 s9, s8;
	s12 =	smul.u32 $0x4E, s10  }
0xb: {  	s9 =	ssub.s32 s24, s11;
	s13 =	smin.u32 s10, $0x4;
	s11 =	sshrl.u32 s25, $0x2  }
0xc: {  	p0 =	slt.u32 s10, $0x4;
	s8 =	sshrl.u32 s8, $0x3;
	s30 =	sadd.s32 s11, s2  }
0xd: {  	s3 =	sadd.s32 s15, s3;
	s22 =	smax.u32 s9, $0x1;
	s15 =	simm.s32 $0x4  }
0xe: {  	s9 =	simm.s32 $0xA;
	s0 =	sadd.s32 s8, s0;
	s8 =	simm.s32 $0x4F  }
0xf: {  	s26 =	sadd.s32 s13, s12;
	s3 =	sadd.s32 s13, s3;
	[dreg:$0xf] =	wrdreg s22  }
0x10: {  	s24 =	sadd.s32 $0x4000, s30;
	s25 =	sadd.s32 $0x8000, s30;
	s13 =	simm.s32 $0x3  }
0x11: {  	[dreg:$0x5] =	wrdreg s30;
	s8 =	simm.s32 @!p0 $0x4E;
	s10 =	sshll.u32 s26, $0x5  }
0x12: {  	s0 =	sadd.s32 $0xA2800, s0;
	s23 =	sshll.u32 s3, $0x5;
	[dreg:$0x10] =	wrdreg s24  }
0x13: {  	[dreg:$0x11] =	wrdreg s25;
	s26 =	sadd.s32 $0xC000, s30;
	s24 =	simm.s32 $0x9  }
0x14: {  	s16 =	sadd.s32 s1, s10;
	s17 =	sadd.s32 s10, s31;
	[dreg:$0xe] =	wrdreg s0  }
0x15: {  	s18 =	sadd.s32 $0x20, s10;
	s14 =	sadd.s32 $0x40, s10;
	[dreg:$0x12] =	wrdreg s26  }
0x16: {  	s10 =	sadd.s32 $0x60, s10;
	s22 =	sadd.s32 s23, s1;
	[dreg:$0x6] =	wrdreg s16  }
0x17: {  	s23 =	simm.s32 $0x6;
	[dreg:$0x7] =	wrdreg s17;
	s16 =	sadd.s32 s1, s18  }
0x18: {  	s12 =	sadd.s32 s18, s31;
	s19 =	sadd.s32 s1, s14;
	[dreg:$0x8] =	wrdreg s16  }
0x19: {  	s20 =	sadd.s32 s14, s31;
	s21 =	sadd.s32 s1, s10;
	[dreg:$0x9] =	wrdreg s12  }
0x1a: {  	s10 =	sadd.s32 s10, s31;
	s31 =	sadd.s32 $0x10000, s30;
	[dreg:$0xa] =	wrdreg s19  }
0x1b: {  	s25 =	sadd.s32 $0xA0, s22;
	s26 =	sadd.s32 $0xC0, s22;
	[dreg:$0xb] =	wrdreg s20  }
.Ltmp0:
0x1c: {  	s28 =	sadd.s32 $0xE0, s22;
	[dreg:$0xc] =	wrdreg s21;
	(pc) =	sbr.rel .LBB2_1-.Ltmp0, $4  }
0x1d: {  	s14 =	simm.s32 $0x80;
	s17 =	simm.s32 $0x1;
	[dreg:$0xd] =	wrdreg s10  }
0x1e: {  	s18 =	simm.s32 $0x7;
	s1 =	simm.s32 $0x0;
	[dreg:$0x13] =	wrdreg s31  }
0x1f: {  	s10 =	simm.s32 $0x8100;
	s12 =	simm.s32 $0x8180;
	s16 =	simm.s32 $0x4000  }
0x20: {  	s19 =	simm.s32 $0x5;
	s20 =	simm.s32 $0x2;
	s21 =	simm.s32 $0x8  }
.LBB2_4:
0x21: {  	_ =	swait.ge [sflag:s20], $0x4000  }
0x22: {  	[sflag:s20] =	ssyncset.done $0x0  }
0x23: {  	[sflag:s20] =	ssyncadd.s32 $0xFFFFC000  }
0x24: {  	_ =	swait.ge [sflag:s9], $0x80  }
0x25: {  	[sflag:s9] =	ssyncset.done $0x0  }
0x26: {  	[sflag:s9] =	ssyncadd.s32 $0xFFFFFF80  }
0x27: {  	[spmem:s2] =	stream.indirect.scatter.add.f32 [tilespmem:s16], [sflag:$0xB], $0x80, s12, s14, $0xb8;
	[tilespmem:$0x1C400] =	vst v63  }
0x28: {  	_ =	swait.ge [sflag:s29], $0x4000  }
0x29: {  	[sflag:s29] =	ssyncset.done $0x0  }
0x2a: {  	[sflag:s29] =	ssyncadd.s32 $0xFFFFC000  }
0x2b: {  	s0 =	stileid.u32;
	[bflag:$0x0] =	sbarrier.arrive $0xFFFF  }
0x2c: {  	s0 =	sshll.u32 s0, $0x6;
	s30 =	rddreg [dreg:$0x5]  }
0x2d: {  	s0 =	sor.u32 $0x1C0B, s0;
	s3 =	rddreg [dreg:$0xe];
	s1 =	sshrl.u32 s30, $0x3  }
0x2e: {  	[hbm:s3], [sflag:s0] =	dma.local [spmem:s1], $0x2800  }
0x2f: {  	_ =	swait.ge [sflag:s29], $0x2800  }
0x30: {  	s11 =	rddreg [dreg:$0x14]  }
0x31: {  	s31 =	rddreg [dreg:$0xf];
	s1 =	sadd.s32 $0x1, s11  }
0x32: {  	p0 =	sne.s32 s1, s31  }
.Ltmp1:
0x33: {  	_ = 	snop;
	(pc) =	sbr.rel @!p0 .LBB2_5-.Ltmp1, $3  }
0x34: {  	_ =	sdelay $0x1  }
0x35: {  	[sflag:s29] =	ssyncset.done $0x0  }
0x36: {  	[sflag:s29] =	ssyncadd.s32 $0xFFFFD800  }
.LBB2_1:
0x37: {  	[dreg:$0x14] =	wrdreg s1  }
0x38: {  	s0 =	rddreg [dreg:$0x2]  }
0x39: {  	[tilespmem:s4], [sflag:$0xB] =	stream.linear.gather [hbm4b:s0+s4], $0x4000, $0x38;
	[tilespmem:$0x1C400] =	vst v63  }
0x3a: {  	_ =	swait.ge [sflag:s29], $0x4000  }
0x3b: {  	[sflag:s29] =	ssyncset.done $0x0  }
0x3c: {  	[sflag:s29] =	ssyncadd.s32 $0xFFFFC000  }
0x3d: {  	[spmem:s30] =	stream.linear.scatter [tilespmem:s4], [sflag:$0xB], $0x4000, $0x38;
	[tilespmem:$0x1C400] =	vst v63  }
0x3e: {  	_ =	swait.ge [sflag:s29], $0x4000  }
0x3f: {  	[sflag:s29] =	ssyncset.done $0x0  }
0x40: {  	s1 =	rddreg [dreg:$0x10];
	[sflag:s29] =	ssyncadd.s32 $0xFFFFC000  }
0x41: {  	[spmem:s1] =	stream.linear.scatter [tilespmem:s4], [sflag:$0xB], $0x4000, $0x38;
	[tilespmem:$0x1C400] =	vst v63  }
0x42: {  	_ =	swait.ge [sflag:s29], $0x4000  }
0x43: {  	[sflag:s29] =	ssyncset.done $0x0  }
0x44: {  	s3 =	rddreg [dreg:$0x11];
	[sflag:s29] =	ssyncadd.s32 $0xFFFFC000  }
0x45: {  	[spmem:s3] =	stream.linear.scatter [tilespmem:s4], [sflag:$0xB], $0x4000, $0x38;
	[tilespmem:$0x1C400] =	vst v63  }
0x46: {  	_ =	swait.ge [sflag:s29], $0x4000  }
0x47: {  	[sflag:s29] =	ssyncset.done $0x0  }
0x48: {  	s11 =	rddreg [dreg:$0x12];
	[sflag:s29] =	ssyncadd.s32 $0xFFFFC000  }
0x49: {  	[spmem:s11] =	stream.linear.scatter [tilespmem:s4], [sflag:$0xB], $0x4000, $0x38;
	[tilespmem:$0x1C400] =	vst v63  }
0x4a: {  	_ =	swait.ge [sflag:s29], $0x4000  }
0x4b: {  	[sflag:s29] =	ssyncset.done $0x0  }
0x4c: {  	s1 =	rddreg [dreg:$0x13];
	[sflag:s29] =	ssyncadd.s32 $0xFFFFC000  }
0x4d: {  	[spmem:s1] =	stream.linear.scatter [tilespmem:s4], [sflag:$0xB], $0x4000, $0x38;
	[tilespmem:$0x1C400] =	vst v63  }
0x4e: {  	_ =	swait.ge [sflag:s29], $0x4000  }
0x4f: {  	[sflag:s29] =	ssyncset.done $0x0  }
0x50: {  	[sflag:s29] =	ssyncadd.s32 $0xFFFFC000  }
0x51: {  	[bflag:$0x0] =	sbarrier.arrive $0xFFFF  }
0x52: {  	s1 =	simm.s32 $0x8200;
	s3 =	rddreg [dreg:$0x6]  }
0x53: {  	[tilespmem:s1], [sflag:$0x3] =	stream.linear.gather [hbm4b:s3+s4], $0x80, $0x38;
	[tilespmem:$0x1C400] =	vst v63  }
0x54: {  	s11 =	rddreg [dreg:$0x7];
	s3 =	simm.s32 $0x8000  }
0x55: {  	[tilespmem:s3], [sflag:$0x7] =	stream.linear.gather [hbm4b:s11+s4], $0x80, $0x38;
	[tilespmem:$0x1C400] =	vst v63  }
0x56: {  	s11 =	rddreg [dreg:$0x8];
	s3 =	simm.s32 $0x8280  }
0x57: {  	[tilespmem:s3], [sflag:$0x4] =	stream.linear.gather [hbm4b:s11+s4], $0x80, $0x38;
	[tilespmem:$0x1C400] =	vst v63  }
0x58: {  	s0 =	rddreg [dreg:$0x9];
	s11 =	simm.s32 $0x8080  }
0x59: {  	[tilespmem:s11], [sflag:$0x8] =	stream.linear.gather [hbm4b:s0+s4], $0x80, $0x38;
	[tilespmem:$0x1C400] =	vst v63  }
0x5a: {  	s0 =	rddreg [dreg:$0xa];
	s11 =	simm.s32 $0x8300  }
0x5b: {  	[tilespmem:s11], [sflag:$0x5] =	stream.linear.gather [hbm4b:s0+s4], $0x80, $0x38;
	[tilespmem:$0x1C400] =	vst v63  }
0x5c: {  	s11 =	rddreg [dreg:$0xb]  }
0x5d: {  	[tilespmem:s10], [sflag:$0x9] =	stream.linear.gather [hbm4b:s11+s4], $0x80, $0x38;
	[tilespmem:$0x1C400] =	vst v63  }
0x5e: {  	s0 =	rddreg [dreg:$0xc];
	s11 =	simm.s32 $0x8380  }
0x5f: {  	[tilespmem:s11], [sflag:$0x6] =	stream.linear.gather [hbm4b:s0+s4], $0x80, $0x38;
	[tilespmem:$0x1C400] =	vst v63  }
0x60: {  	s11 =	rddreg [dreg:$0xd]  }
0x61: {  	[tilespmem:s12], [sflag:$0xA] =	stream.linear.gather [hbm4b:s11+s4], $0x80, $0x38;
	[tilespmem:$0x1C400] =	vst v63  }
0x62: {  	_ =	swait.ge [sflag:s13], $0x80  }
0x63: {  	[sflag:s13] =	ssyncset.done $0x0  }
0x64: {  	[sflag:s13] =	ssyncadd.s32 $0xFFFFFF80  }
0x65: {  	[tilespmem:s4], [sflag:$0x1] =	stream.indirect.gather [hbm4b:s5+s14], $0x80, s1, s14, $0xb8;
	[tilespmem:$0x1C400] =	vst v63  }
0x66: {  	_ =	swait.ge [sflag:s15], $0x80  }
0x67: {  	[sflag:s15] =	ssyncset.done $0x0  }
0x68: {  	s31 =	simm.s32 $0x0;
	s30 =	simm.s32 $0x7;
	[sflag:s15] =	ssyncadd.s32 $0xFFFFFF80  }
0x69: {  	[tilespmem:s16], [sflag:$0x2] =	stream.indirect.gather [hbm4b:s5+s14], $0x80, s3, s14, $0xb8;
	[tilespmem:$0x1C400] =	vst v63  }
.LBB2_2:
0x6a: {  	_ =	swait.ge [sflag:s17], $0x4000  }
0x6b: {  	[sflag:s17] =	ssyncset.done $0x0  }
0x6c: {  	[sflag:s17] =	ssyncadd.s32 $0xFFFFC000  }
0x6d: {  	_ =	swait.ge [sflag:s18], $0x80  }
0x6e: {  	[sflag:s18] =	ssyncset.done $0x0  }
0x6f: {  	s0 =	simm.s32 $0x8000;
	p0 =	seq.s32 s31, $0x980;
	[sflag:s18] =	ssyncadd.s32 $0xFFFFFF80  }
0x70: {  	[spmem:s2] =	stream.indirect.scatter.add.f32 [tilespmem:s4], [sflag:$0xB], $0x80, s0, s14, $0xb8;
	[tilespmem:$0x1C400] =	vst v63  }
0x71: {  	s0 =	sadd.s32 @!p0 $0xFFFFFFFD, s30  }
0x72: {  	_ =	swait.ge [sflag:s29], $0x4000;
	p1 =	sge.u32 @!p0 s0, s8  }
0x73: {  	[sflag:s29] =	ssyncset.done $0x0;
	p2 =	por !p1, p0;
	p1 =	por p1, p0  }
0x74: {  	[sflag:s29] =	ssyncadd.s32 $0xFFFFC000;
	s0 =	simm.s32 @!p2 $0x0;
	s1 =	simm.s32 @!p2 $0x8200  }
0x75: {  	[tilespmem:s1], [sflag:$0x3] =	stream.linear.gather @!p2 [hbm4b:s6+s0], $0x80, $0x38;
	[tilespmem:$0x1C400] =	vst v63  }
0x76: {  	s0 =	sadd.s32 @!p1 s31, s22  }
0x77: {  	s3 =	simm.s32 @!p1 $0x0;
	s11 =	simm.s32 @!p1 $0x8200;
	s1 =	sadd.s32 @!p1 $0x80, s0  }
0x78: {  	[tilespmem:s11], [sflag:$0x3] =	stream.linear.gather @!p1 [hbm4b:s1+s3], $0x80, $0x38;
	[tilespmem:$0x1C400] =	vst v63  }
0x79: {  	s0 =	sadd.s32 @!p1 $0x90, s0;
	s1 =	smov.u32 s7  }
0x7a: {  	s3 =	simm.s32 @!p0 $0x8000;
	s1 =	smov.u32 @p2 s0;
	s0 =	simm.s32 @!p0 $0x0  }
0x7b: {  	[tilespmem:s3], [sflag:$0x7] =	stream.linear.gather @!p0 [hbm4b:s1+s0], $0x80, $0x38;
	[tilespmem:$0x1C400] =	vst v63  }
0x7c: {  	_ =	swait.ge [sflag:s19], $0x80  }
0x7d: {  	[sflag:s19] =	ssyncset.done $0x0  }
0x7e: {  	s11 =	simm.s32 $0x8300;
	[sflag:s19] =	ssyncadd.s32 $0xFFFFFF80  }
0x7f: {  	[tilespmem:s4], [sflag:$0x1] =	stream.indirect.gather [hbm4b:s5+s14], $0x80, s11, s14, $0xb8;
	[tilespmem:$0x1C400] =	vst v63  }
0x80: {  	_ =	swait.ge [sflag:s20], $0x4000  }
0x81: {  	[sflag:s20] =	ssyncset.done $0x0  }
0x82: {  	[sflag:s20] =	ssyncadd.s32 $0xFFFFC000  }
0x83: {  	_ =	swait.ge [sflag:s21], $0x80  }
0x84: {  	[sflag:s21] =	ssyncset.done $0x0  }
0x85: {  	s3 =	simm.s32 $0x8080;
	s1 =	sadd.s32 @!p0 $0xFFFFFFFE, s30;
	[sflag:s21] =	ssyncadd.s32 $0xFFFFFF80  }
0x86: {  	[spmem:s2] =	stream.indirect.scatter.add.f32 [tilespmem:s16], [sflag:$0xB], $0x80, s3, s14, $0xb8;
	[tilespmem:$0x1C400] =	vst v63  }
0x87: {  	p1 =	sge.u32 @!p0 s1, s8;
	_ =	swait.ge [sflag:s29], $0x4000  }
0x88: {  	p2 =	por !p1, p0;
	p1 =	por p1, p0;
	[sflag:s29] =	ssyncset.done $0x0  }
0x89: {  	s1 =	simm.s32 @!p2 $0x0;
	s3 =	simm.s32 @!p2 $0x8280;
	[sflag:s29] =	ssyncadd.s32 $0xFFFFC000  }
0x8a: {  	[tilespmem:s3], [sflag:$0x4] =	stream.linear.gather @!p2 [hbm4b:s6+s1], $0x80, $0x38;
	[tilespmem:$0x1C400] =	vst v63  }
0x8b: {  	s11 =	simm.s32 @!p1 $0x8280;
	s1 =	sadd.s32 @!p1 s31, s25;
	s3 =	simm.s32 @!p1 $0x0  }
0x8c: {  	[tilespmem:s11], [sflag:$0x4] =	stream.linear.gather @!p1 [hbm4b:s1+s3], $0x80, $0x38;
	[tilespmem:$0x1C400] =	vst v63  }
0x8d: {  	s1 =	sadd.s32 @!p1 $0x10, s1;
	s3 =	smov.u32 s7  }
0x8e: {  	s3 =	smov.u32 @p2 s1;
	s1 =	simm.s32 @!p0 $0x8080  }
0x8f: {  	[tilespmem:s1], [sflag:$0x8] =	stream.linear.gather @!p0 [hbm4b:s3+s0], $0x80, $0x38;
	[tilespmem:$0x1C400] =	vst v63  }
0x90: {  	_ =	swait.ge [sflag:s23], $0x80  }
0x91: {  	[sflag:s23] =	ssyncset.done $0x0  }
0x92: {  	s11 =	simm.s32 $0x8380;
	[sflag:s23] =	ssyncadd.s32 $0xFFFFFF80  }
0x93: {  	[tilespmem:s16], [sflag:$0x2] =	stream.indirect.gather [hbm4b:s5+s14], $0x80, s11, s14, $0xb8;
	[tilespmem:$0x1C400] =	vst v63  }
0x94: {  	_ =	swait.ge [sflag:s17], $0x4000  }
0x95: {  	[sflag:s17] =	ssyncset.done $0x0  }
0x96: {  	[sflag:s17] =	ssyncadd.s32 $0xFFFFC000  }
0x97: {  	_ =	swait.ge [sflag:s24], $0x80  }
0x98: {  	[sflag:s24] =	ssyncset.done $0x0  }
.Ltmp2:
0x99: {  	[sflag:s24] =	ssyncadd.s32 $0xFFFFFF80;
	(pc) =	sbr.rel @p0 .LBB2_4-.Ltmp2, $4  }
0x9a: {  	[spmem:s2] =	stream.indirect.scatter.add.f32 [tilespmem:s4], [sflag:$0xB], $0x80, s10, s14, $0xb8;
	[tilespmem:$0x1C400] =	vst v63  }
0x9b: {  	_ =	swait.ge [sflag:s29], $0x4000  }
0x9c: {  	[sflag:s29] =	ssyncset.done $0x0  }
0x9d: {  	[sflag:s29] =	ssyncadd.s32 $0xFFFFC000  }
0x9e: {  	s0 =	sadd.s32 $0xFFFFFFFF, s30  }
0x9f: {  	p0 =	sge.u32 s0, s8  }
0xa0: {  	s0 =	simm.s32 @p0 $0x0;
	s1 =	simm.s32 @p0 $0x8300  }
0xa1: {  	[tilespmem:s1], [sflag:$0x5] =	stream.linear.gather @p0 [hbm4b:s6+s0], $0x80, $0x38;
	[tilespmem:$0x1C400] =	vst v63  }
0xa2: {  	s3 =	simm.s32 @!p0 $0x8300;
	s0 =	sadd.s32 @!p0 s31, s26;
	s1 =	simm.s32 @!p0 $0x0  }
0xa3: {  	[tilespmem:s3], [sflag:$0x5] =	stream.linear.gather @!p0 [hbm4b:s0+s1], $0x80, $0x38;
	[tilespmem:$0x1C400] =	vst v63  }
0xa4: {  	s0 =	sadd.s32 @!p0 $0x10, s0  }
0xa5: {  	s0 =	smov.u32 @p0 s7  }
0xa6: {  	[tilespmem:s10], [sflag:$0x9] =	stream.linear.gather [hbm4b:s0+s4], $0x80, $0x38;
	[tilespmem:$0x1C400] =	vst v63  }
0xa7: {  	_ =	swait.ge [sflag:s13], $0x80  }
0xa8: {  	[sflag:s13] =	ssyncset.done $0x0  }
0xa9: {  	s3 =	simm.s32 $0x8200;
	[sflag:s13] =	ssyncadd.s32 $0xFFFFFF80  }
0xaa: {  	[tilespmem:s4], [sflag:$0x1] =	stream.indirect.gather [hbm4b:s5+s14], $0x80, s3, s14, $0xb8;
	[tilespmem:$0x1C400] =	vst v63  }
0xab: {  	_ =	swait.ge [sflag:s20], $0x4000  }
0xac: {  	[sflag:s20] =	ssyncset.done $0x0  }
0xad: {  	[sflag:s20] =	ssyncadd.s32 $0xFFFFC000  }
0xae: {  	_ =	swait.ge [sflag:s9], $0x80  }
0xaf: {  	[sflag:s9] =	ssyncset.done $0x0  }
0xb0: {  	[sflag:s9] =	ssyncadd.s32 $0xFFFFFF80  }
0xb1: {  	[spmem:s2] =	stream.indirect.scatter.add.f32 [tilespmem:s16], [sflag:$0xB], $0x80, s12, s14, $0xb8;
	[tilespmem:$0x1C400] =	vst v63  }
0xb2: {  	_ =	swait.ge [sflag:s29], $0x4000  }
0xb3: {  	p0 =	sge.u32 s30, s8;
	[sflag:s29] =	ssyncset.done $0x0  }
0xb4: {  	s0 =	simm.s32 @p0 $0x0;
	s1 =	simm.s32 @p0 $0x8380;
	[sflag:s29] =	ssyncadd.s32 $0xFFFFC000  }
0xb5: {  	[tilespmem:s1], [sflag:$0x6] =	stream.linear.gather @p0 [hbm4b:s6+s0], $0x80, $0x38;
	[tilespmem:$0x1C400] =	vst v63  }
0xb6: {  	s3 =	simm.s32 @!p0 $0x8380;
	s0 =	sadd.s32 @!p0 s31, s28;
	s1 =	simm.s32 @!p0 $0x0  }
0xb7: {  	[tilespmem:s3], [sflag:$0x6] =	stream.linear.gather @!p0 [hbm4b:s0+s1], $0x80, $0x38;
	[tilespmem:$0x1C400] =	vst v63  }
0xb8: {  	s0 =	sadd.s32 @!p0 $0x10, s0  }
0xb9: {  	s0 =	smov.u32 @p0 s7  }
0xba: {  	[tilespmem:s12], [sflag:$0xA] =	stream.linear.gather [hbm4b:s0+s4], $0x80, $0x38;
	[tilespmem:$0x1C400] =	vst v63  }
.Ltmp3:
0xbb: {  	_ = 	snop;
	(pc) =	sbr.rel .LBB2_2-.Ltmp3, $4  }
0xbc: {  	_ =	swait.ge [sflag:s15], $0x80  }
0xbd: {  	s11 =	simm.s32 $0x8280;
	[sflag:s15] =	ssyncset.done $0x0  }
0xbe: {  	s30 =	sadd.s32 $0x4, s30;
	s31 =	sadd.s32 $0x80, s31;
	[sflag:s15] =	ssyncadd.s32 $0xFFFFFF80  }
0xbf: {  	[tilespmem:s16], [sflag:$0x2] =	stream.indirect.gather [hbm4b:s5+s14], $0x80, s11, s14, $0xb8;
	[tilespmem:$0x1C400] =	vst v63  }
.LBB2_5:
0xc0: {  	_ =	sfence.sel $0x180000  }
0xc1: {  	[bflag:$0x0] =	sbarrier.arrive $0xFFFF  }
0xc2: {  	_ =	strace $0x9000004D  }
0xc3: {  	s0 =	stileid.u32;
	[bflag:$0x2] =	sbarrier.arrive $0xFFFF  }
0xc4: {  	p0 =	sne.s32 s0, $0x0;
	s0 =	rddreg [dreg:$0x4]  }
0xc5: {  	s0 =	sadd.s32 @!p0 $0x100000, s0  }
0xc6: {  	[sflag:s0] =	ssyncadd.tile.s32 @!p0 $0x1;
	_ =	shalt  }
.Lfunc_end2:
_tile_overlayer_lowered:
.L_overlay_start_2:
0xc7: {  	(tag) =	ssettag $0x2  }
0xc8: {  	s0 =	rddreg [dreg:$0x0];
	s2 =	stileid.u32  }
0xc9: {  	s1 =	rddreg [dreg:$0x1];
	p0 =	sne.s32 s2, $0x0  }
0xca: {  	s3 =	rddreg [dreg:$0x2];
	[bflag:$0x3] =	sbarrier.arrive $0xFFFF;
	s2 =	simm.s32 @!p0 $0x1C0B  }
0xcb: {  	[timem:s3], [sflag:s2] =	dma.local @!p0 [hbm:s0], s1  }
0xcc: {  	s0 =	simm.s32 @!p0 $0xB  }
0xcd: {  	_ =	swait.ge @!p0 [sflag:s0], s1  }
0xce: {  	s1 =	ssub.s32 @!p0 $0x0, s1;
	[sflag:s0] =	ssyncset.done @!p0 $0x0  }
0xcf: {  	[sflag:s0] =	ssyncadd.s32 @!p0 s1  }
0xd0: {  	[bflag:$0x3] =	sbarrier.arrive $0xFFFF  }
0xd1: {  	_ =	shalt  }

</sc_bundles>
